<compile_context>
chip_gen: v7x
topology: tpu7x:2x2x1
jax: 0.10.2.dev20260603
libtpu: 0.0.44.dev20260713+nightly
codegen_flags: <defaults>
</compile_context>

<pallas_src>
import functools

import jax
import jax.numpy as jnp
from jax import lax
from jax.experimental import pallas as pl
from jax.experimental.pallas import tpu as pltpu
from jax.experimental.pallas import tpu_sc as plsc

ATOMS = 51
D = 128
N = 4096 * 200
NC, NS, L = 2, 16, 16
NW = NC * NS
B_LOC = N // NW
BLK = 256
NBLK = B_LOC // BLK
TAD_WORDS = ATOMS * D


def _make_kernel():
    mesh = plsc.VectorSubcoreMesh(core_axis_name="c", subcore_axis_name="s")

    @functools.partial(
        pl.kernel,
        mesh=mesh,
        out_type=jax.ShapeDtypeStruct((N * D,), jnp.float32),
        compiler_params=pltpu.CompilerParams(needs_layout_passes=False),
        scratch_types=[
            pltpu.VMEM((B_LOC,), jnp.float32),
            pltpu.VMEM((TAD_WORDS,), jnp.int32),
            pltpu.VMEM((BLK,), jnp.int32),
            pltpu.VMEM((BLK,), jnp.float32),
            pltpu.VMEM((BLK * D,), jnp.float32),
            pltpu.VMEM((BLK * D,), jnp.float32),
            pltpu.SemaphoreType.DMA,
            pltpu.SemaphoreType.DMA,
        ],
    )
    def body(x_hbm, tad_hbm, out_hbm, x_v, tad_v, bvb, dvb, ob0, ob1, sem0, sem1):
        wid = lax.axis_index("s") * NC + lax.axis_index("c")
        base = wid * B_LOC
        pltpu.sync_copy(tad_hbm, tad_v)
        pltpu.sync_copy(x_hbm.at[pl.ds(base, B_LOC)], x_v)

        lane = lax.iota(jnp.int32, L)
        ka = [lane + c * L for c in range(D // L)]
        himask = jnp.full((L,), -65536, jnp.int32)

        def compute_block(b, ob):
            def group_body(g, _):
                xv = x_v[pl.ds(b * BLK + g * L, L)]
                xs = jnp.clip(xv * jnp.float32(ATOMS), 0.0, float(ATOMS - 1))
                fl = xs.astype(jnp.int32)
                d = xs - fl.astype(jnp.float32)
                bvb[pl.ds(g * L, L)] = fl * D
                dvb[pl.ds(g * L, L)] = d
                return _

            lax.fori_loop(0, BLK // L, group_body, 0, unroll=True)

            @plsc.parallel_loop(0, BLK, unroll=8)
            def elem_body(e):
                es = lax.broadcast(e, (L,))
                bsp = plsc.load_gather(bvb, [es])
                dsp = plsc.load_gather(dvb, [es])
                o0 = e * D
                for c in range(D // L):
                    w = plsc.load_gather(tad_v, [bsp + ka[c]])
                    av = lax.bitcast_convert_type(w & himask, jnp.float32)
                    dv = lax.bitcast_convert_type(
                        lax.shift_left(w, 16), jnp.float32)
                    ob[pl.ds(o0 + c * L, L)] = av + dsp * dv

        def out_slice(b):
            return out_hbm.at[pl.ds((base + b * BLK) * D, BLK * D)]

        def wait(ob, sem):
            pltpu.make_async_copy(ob, out_slice(0), sem).wait()

        def pair_body(i, _):
            b0 = 2 * i

            @pl.when(i > 0)
            def _w0():
                wait(ob0, sem0)

            compute_block(b0, ob0)
            pltpu.async_copy(ob0, out_slice(b0), sem0)

            @pl.when(i > 0)
            def _w1():
                wait(ob1, sem1)

            compute_block(b0 + 1, ob1)
            pltpu.async_copy(ob1, out_slice(b0 + 1), sem1)
            return _

        lax.fori_loop(0, NBLK // 2, pair_body, 0, unroll=False)
        wait(ob0, sem0)
        wait(ob1, sem1)

    return body


_kernel_fn = _make_kernel()


def kernel(x, table):
    xf = x.reshape(N)
    tpad = jnp.concatenate([table, table[-1:]], axis=0)
    a_bits = jax.lax.bitcast_convert_type(
        tpad[:-1].astype(jnp.bfloat16), jnp.uint16).astype(jnp.uint32)
    d_bits = jax.lax.bitcast_convert_type(
        (tpad[1:] - tpad[:-1]).astype(jnp.bfloat16), jnp.uint16
    ).astype(jnp.uint32)
    tad = jax.lax.bitcast_convert_type((a_bits << 16) | d_bits, jnp.int32)
    out = _kernel_fn(xf, tad.reshape(TAD_WORDS))
    return out.reshape(x.shape[0], x.shape[1], D)

# --- scband reference (transcript-rebuilt; emitter-appended) ---
"""Pipeline reference for scband-interpole-positional-embedding-30880814858307 (READ-ONLY COPY).

The authoritative reference and input builder live on the scoring server;
editing this copy changes nothing except your own understanding.
"""

import jax, jax.numpy as jnp
import numpy as np

ATOMS = 51
EMBED_DIM = 128

def setup_inputs(seed: int = 0) -> dict:
    key = jax.random.key(seed)
    k1, k2 = jax.random.split(key)
    x = jax.random.uniform(k1, (4096, 200), dtype=jnp.float32)
    table = jax.random.normal(k2, (ATOMS, EMBED_DIM), dtype=jnp.float32)
    return {"x": x, "table": table}

def reference(x, table):
    atoms = ATOMS
    xs = x * atoms
    x_floor = jnp.clip(jnp.floor(xs).astype(jnp.int32), 0, atoms - 1)
    x_ceil = jnp.clip(jnp.ceil(xs).astype(jnp.int32), 0, atoms - 1)
    x_deci = (xs - jnp.floor(xs))[..., None].astype(jnp.float32)
    x_floor_embed = jnp.take(table, x_floor, axis=0)
    x_ceil_embed = jnp.take(table, x_ceil, axis=0)
    result = x_floor_embed * (1.0 - x_deci) + x_ceil_embed * x_deci
    return result

if __name__ == "__main__":
    import jax
    _d = setup_inputs()
    print(jax.jit(kernel)(*tuple(_d.values())))

</pallas_src>

<mosaic_0001>
#map = affine_map<(d0, d1) -> (0)>
module attributes {stable_mosaic.version = 14 : i64} {
  func.func @body(%arg0: i32, %arg1: i32, %arg2: memref<819200xf32, #tpu.memory_space<hbm>>, %arg3: memref<6528xi32, #tpu.memory_space<hbm>>, %arg4: memref<104857600xf32, #tpu.memory_space<hbm>>, %arg5: memref<25600xf32, #tpu.memory_space<vmem>>, %arg6: memref<6528xi32, #tpu.memory_space<vmem>>, %arg7: memref<256xi32, #tpu.memory_space<vmem>>, %arg8: memref<256xf32, #tpu.memory_space<vmem>>, %arg9: memref<32768xf32, #tpu.memory_space<vmem>>, %arg10: memref<32768xf32, #tpu.memory_space<vmem>>, %arg11: memref<!tpu.dma_semaphore, #tpu.memory_space<semaphore_mem>>, %arg12: memref<!tpu.dma_semaphore, #tpu.memory_space<semaphore_mem>>) attributes {dimension_semantics = [#tpu.dimension_semantics<core_parallel>, #tpu.dimension_semantics<subcore_parallel>], iteration_bounds = array<i64: 2, 16>, scalar_prefetch = 0 : i64, scratch_operands = 8 : i64, tpu.core_type = #tpu.core_type<sc_vector_subcore>, window_params = [{transform_indices = #map}, {transform_indices = #map}, {transform_indices = #map}]} {
    %mul3A = arith.constant 2 : i32
    %mul3A_0 = arith.muli %arg1, %mul3A : i32
    %add3A = arith.addi %mul3A_0, %arg0 : i32
    %mul3A_1 = arith.constant 25600 : i32
    %mul3A_2 = arith.muli %add3A, %mul3A_1 : i32
    "tpu.region"() ({
      %run_scoped3A = tpu.sem_alloc : memref<!tpu.dma_semaphore, #tpu.memory_space<semaphore_mem>>
      tpu.enqueue_dma source(%arg3 : memref<6528xi32, #tpu.memory_space<hbm>>) target(%arg6 : memref<6528xi32, #tpu.memory_space<vmem>>) target_semaphore(%run_scoped3A : memref<!tpu.dma_semaphore, #tpu.memory_space<semaphore_mem>>)
      tpu.wait_dma2 semaphore(%run_scoped3A : memref<!tpu.dma_semaphore, #tpu.memory_space<semaphore_mem>>) src(%arg3 : memref<6528xi32, #tpu.memory_space<hbm>>) dst(%arg6 : memref<6528xi32, #tpu.memory_space<vmem>>)
      tpu.yield
    }) : () -> ()
    "tpu.region"() ({
      %run_scoped3A = tpu.sem_alloc : memref<!tpu.dma_semaphore, #tpu.memory_space<semaphore_mem>>
      %dma_start3A = tpu.memref_slice %arg2[%mul3A_2] : memref<819200xf32, #tpu.memory_space<hbm>> -> memref<25600xf32, #tpu.memory_space<hbm>>
      %dma_start3A_44 = tpu.memref_slice %arg2[%mul3A_2] : memref<819200xf32, #tpu.memory_space<hbm>> -> memref<25600xf32, #tpu.memory_space<hbm>>
      tpu.enqueue_dma source(%dma_start3A_44 : memref<25600xf32, #tpu.memory_space<hbm>>) target(%arg5 : memref<25600xf32, #tpu.memory_space<vmem>>) target_semaphore(%run_scoped3A : memref<!tpu.dma_semaphore, #tpu.memory_space<semaphore_mem>>)
      %dma_wait3A_45 = tpu.memref_slice %arg2[%mul3A_2] : memref<819200xf32, #tpu.memory_space<hbm>> -> memref<25600xf32, #tpu.memory_space<hbm>>
      %dma_wait3A_46 = tpu.memref_slice %arg2[%mul3A_2] : memref<819200xf32, #tpu.memory_space<hbm>> -> memref<25600xf32, #tpu.memory_space<hbm>>
      tpu.wait_dma2 semaphore(%run_scoped3A : memref<!tpu.dma_semaphore, #tpu.memory_space<semaphore_mem>>) src(%dma_wait3A_46 : memref<25600xf32, #tpu.memory_space<hbm>>) dst(%arg5 : memref<25600xf32, #tpu.memory_space<vmem>>)
      tpu.yield
    }) : () -> ()
    %iota3A = tpu.iota {dimensions = array<i32: 0>} : vector<16xi32>
    %add3A_3 = arith.constant 0 : i32
    %add3A_4 = vector.broadcast %add3A_3 : i32 to vector<16xi32>
    %add3A_5 = arith.addi %iota3A, %add3A_4 : vector<16xi32>
    %add3A_6 = arith.constant 16 : i32
    %add3A_7 = vector.broadcast %add3A_6 : i32 to vector<16xi32>
    %add3A_8 = arith.addi %iota3A, %add3A_7 : vector<16xi32>
    %add3A_9 = arith.constant 32 : i32
    %add3A_10 = vector.broadcast %add3A_9 : i32 to vector<16xi32>
    %add3A_11 = arith.addi %iota3A, %add3A_10 : vector<16xi32>
    %add3A_12 = arith.constant 48 : i32
    %add3A_13 = vector.broadcast %add3A_12 : i32 to vector<16xi32>
    %add3A_14 = arith.addi %iota3A, %add3A_13 : vector<16xi32>
    %add3A_15 = arith.constant 64 : i32
    %add3A_16 = vector.broadcast %add3A_15 : i32 to vector<16xi32>
    %add3A_17 = arith.addi %iota3A, %add3A_16 : vector<16xi32>
    %add3A_18 = arith.constant 80 : i32
    %add3A_19 = vector.broadcast %add3A_18 : i32 to vector<16xi32>
    %add3A_20 = arith.addi %iota3A, %add3A_19 : vector<16xi32>
    %add3A_21 = arith.constant 96 : i32
    %add3A_22 = vector.broadcast %add3A_21 : i32 to vector<16xi32>
    %add3A_23 = arith.addi %iota3A, %add3A_22 : vector<16xi32>
    %add3A_24 = arith.constant 112 : i32
    %add3A_25 = vector.broadcast %add3A_24 : i32 to vector<16xi32>
    %add3A_26 = arith.addi %iota3A, %add3A_25 : vector<16xi32>
    %broadcast_in_dim3A = arith.constant -65536 : i32
    %broadcast_in_dim3A_27 = vector.broadcast %broadcast_in_dim3A : i32 to vector<16xi32>
    %scan3A = arith.constant 0 : i32
    %scan3A_28 = arith.constant 0 : i32
    %scan3A_29 = arith.constant 50 : i32
    %scan3A_30 = arith.addi %scan3A_28, %scan3A_29 : i32
    %scan3A_31 = arith.constant 1 : i32
    scf.for %scan3A_44 = %scan3A_28 to %scan3A_30 step %scan3A_31  : i32 {
      %mul3A_45 = arith.constant 2 : i32
      %mul3A_46 = arith.muli %mul3A_45, %scan3A_44 : i32
      %gt3A = arith.constant 0 : i32
      %gt3A_47 = arith.cmpi sgt, %scan3A_44, %gt3A : i32
      %convert_element_type3A = arith.extui %gt3A_47 : i1 to i32
      %cond3A = arith.constant 0 : i32
      %cond3A_48 = arith.cmpi ne, %convert_element_type3A, %cond3A : i32
      scf.if %cond3A_48 {
        %add3A_1066 = arith.constant 0 : i32
        %add3A_1067 = arith.addi %mul3A_2, %add3A_1066 : i32
        %mul3A_1068 = arith.constant 128 : i32
        %mul3A_1069 = arith.muli %add3A_1067, %mul3A_1068 : i32
        %dma_wait3A_1070 = tpu.memref_slice %arg4[%mul3A_1069] : memref<104857600xf32, #tpu.memory_space<hbm>> -> memref<32768xf32, #tpu.memory_space<hbm>>
        %dma_wait3A_1071 = tpu.memref_slice %arg4[%mul3A_1069] : memref<104857600xf32, #tpu.memory_space<hbm>> -> memref<32768xf32, #tpu.memory_space<hbm>>
        tpu.wait_dma2 semaphore(%arg11 : memref<!tpu.dma_semaphore, #tpu.memory_space<semaphore_mem>>) src(%arg9 : memref<32768xf32, #tpu.memory_space<vmem>>) dst(%dma_wait3A_1071 : memref<32768xf32, #tpu.memory_space<hbm>>)
      } else {
      }
      %scan3A_49 = arith.constant 0 : i32
      %scan3A_50 = arith.constant 0 : i32
      %mul3A_51 = arith.constant 256 : i32
      %mul3A_52 = arith.muli %mul3A_46, %mul3A_51 : i32
      %mul3A_53 = arith.constant 16 : i32
      %mul3A_54 = arith.muli %scan3A_50, %mul3A_53 : i32
      %add3A_55 = arith.addi %mul3A_52, %mul3A_54 : i32
      %get3A = arith.index_cast %add3A_55 : i32 to index
      %get3A_56 = tpu.vector_load %arg5[%get3A] {strides = array<i32>} : memref<25600xf32, #tpu.memory_space<vmem>>, vector<16xf32>,
      %mul3A_57 = arith.constant 5.100000e+01 : f32
      %mul3A_58 = vector.broadcast %mul3A_57 : f32 to vector<16xf32>
      %mul3A_59 = arith.mulf %get3A_56, %mul3A_58 : vector<16xf32>
      %jit3A = arith.constant 0.000000e+00 : f32
      %jit3A_60 = arith.constant 5.000000e+01 : f32
      %max3A = vector.broadcast %jit3A : f32 to vector<16xf32>
      %max3A_61 = arith.maximumf %max3A, %mul3A_59 : vector<16xf32>
      %min3A = vector.broadcast %jit3A_60 : f32 to vector<16xf32>
      %min3A_62 = arith.minimumf %min3A, %max3A_61 : vector<16xf32>
      %convert_element_type3A_63 = arith.fptosi %min3A_62 : vector<16xf32> to vector<16xi32>
      %convert_element_type3A_64 = arith.sitofp %convert_element_type3A_63 : vector<16xi32> to vector<16xf32>
      %sub3A = arith.subf %min3A_62, %convert_element_type3A_64 : vector<16xf32>
      %mul3A_65 = arith.constant 128 : i32
      %mul3A_66 = vector.broadcast %mul3A_65 : i32 to vector<16xi32>
      %mul3A_67 = arith.muli %convert_element_type3A_63, %mul3A_66 : vector<16xi32>
      %mul3A_68 = arith.constant 16 : i32
      %mul3A_69 = arith.muli %scan3A_50, %mul3A_68 : i32
      %swap3A = arith.index_cast %mul3A_69 : i32 to index
      %swap3A_70 = tpu.vector_load %arg7[%swap3A] {strides = array<i32>} : memref<256xi32, #tpu.memory_space<vmem>>, vector<16xi32>,
      tpu.vector_store %arg7[%swap3A], %mul3A_67 {strides = array<i32>} : memref<256xi32, #tpu.memory_space<vmem>>, vector<16xi32>,
      %mul3A_71 = arith.constant 16 : i32
      %mul3A_72 = arith.muli %scan3A_50, %mul3A_71 : i32
      %swap3A_73 = arith.index_cast %mul3A_72 : i32 to index
      %swap3A_74 = tpu.vector_load %arg8[%swap3A_73] {strides = array<i32>} : memref<256xf32, #tpu.memory_space<vmem>>, vector<16xf32>,
      tpu.vector_store %arg8[%swap3A_73], %sub3A {strides = array<i32>} : memref<256xf32, #tpu.memory_space<vmem>>, vector<16xf32>,
      %scan3A_75 = arith.constant 1 : i32
      %mul3A_76 = arith.constant 256 : i32
      %mul3A_77 = arith.muli %mul3A_46, %mul3A_76 : i32
      %mul3A_78 = arith.constant 16 : i32
      %mul3A_79 = arith.muli %scan3A_75, %mul3A_78 : i32
      %add3A_80 = arith.addi %mul3A_77, %mul3A_79 : i32
      %get3A_81 = arith.index_cast %add3A_80 : i32 to index
      %get3A_82 = tpu.vector_load %arg5[%get3A_81] {strides = array<i32>} : memref<25600xf32, #tpu.memory_space<vmem>>, vector<16xf32>,
      %mul3A_83 = arith.constant 5.100000e+01 : f32
      %mul3A_84 = vector.broadcast %mul3A_83 : f32 to vector<16xf32>
      %mul3A_85 = arith.mulf %get3A_82, %mul3A_84 : vector<16xf32>
      %jit3A_86 = arith.constant 0.000000e+00 : f32
      %jit3A_87 = arith.constant 5.000000e+01 : f32
      %max3A_88 = vector.broadcast %jit3A_86 : f32 to vector<16xf32>
      %max3A_89 = arith.maximumf %max3A_88, %mul3A_85 : vector<16xf32>
      %min3A_90 = vector.broadcast %jit3A_87 : f32 to vector<16xf32>
      %min3A_91 = arith.minimumf %min3A_90, %max3A_89 : vector<16xf32>
      %convert_element_type3A_92 = arith.fptosi %min3A_91 : vector<16xf32> to vector<16xi32>
      %convert_element_type3A_93 = arith.sitofp %convert_element_type3A_92 : vector<16xi32> to vector<16xf32>
      %sub3A_94 = arith.subf %min3A_91, %convert_element_type3A_93 : vector<16xf32>
      %mul3A_95 = arith.constant 128 : i32
      %mul3A_96 = vector.broadcast %mul3A_95 : i32 to vector<16xi32>
      %mul3A_97 = arith.muli %convert_element_type3A_92, %mul3A_96 : vector<16xi32>
      %mul3A_98 = arith.constant 16 : i32
      %mul3A_99 = arith.muli %scan3A_75, %mul3A_98 : i32
      %swap3A_100 = arith.index_cast %mul3A_99 : i32 to index
      %swap3A_101 = tpu.vector_load %arg7[%swap3A_100] {strides = array<i32>} : memref<256xi32, #tpu.memory_space<vmem>>, vector<16xi32>,
      tpu.vector_store %arg7[%swap3A_100], %mul3A_97 {strides = array<i32>} : memref<256xi32, #tpu.memory_space<vmem>>, vector<16xi32>,
      %mul3A_102 = arith.constant 16 : i32
      %mul3A_103 = arith.muli %scan3A_75, %mul3A_102 : i32
      %swap3A_104 = arith.index_cast %mul3A_103 : i32 to index
      %swap3A_105 = tpu.vector_load %arg8[%swap3A_104] {strides = array<i32>} : memref<256xf32, #tpu.memory_space<vmem>>, vector<16xf32>,
      tpu.vector_store %arg8[%swap3A_104], %sub3A_94 {strides = array<i32>} : memref<256xf32, #tpu.memory_space<vmem>>, vector<16xf32>,
      %scan3A_106 = arith.constant 2 : i32
      %mul3A_107 = arith.constant 256 : i32
      %mul3A_108 = arith.muli %mul3A_46, %mul3A_107 : i32
      %mul3A_109 = arith.constant 16 : i32
      %mul3A_110 = arith.muli %scan3A_106, %mul3A_109 : i32
      %add3A_111 = arith.addi %mul3A_108, %mul3A_110 : i32
      %get3A_112 = arith.index_cast %add3A_111 : i32 to index
      %get3A_113 = tpu.vector_load %arg5[%get3A_112] {strides = array<i32>} : memref<25600xf32, #tpu.memory_space<vmem>>, vector<16xf32>,
      %mul3A_114 = arith.constant 5.100000e+01 : f32
      %mul3A_115 = vector.broadcast %mul3A_114 : f32 to vector<16xf32>
      %mul3A_116 = arith.mulf %get3A_113, %mul3A_115 : vector<16xf32>
      %jit3A_117 = arith.constant 0.000000e+00 : f32
      %jit3A_118 = arith.constant 5.000000e+01 : f32
      %max3A_119 = vector.broadcast %jit3A_117 : f32 to vector<16xf32>
      %max3A_120 = arith.maximumf %max3A_119, %mul3A_116 : vector<16xf32>
      %min3A_121 = vector.broadcast %jit3A_118 : f32 to vector<16xf32>
      %min3A_122 = arith.minimumf %min3A_121, %max3A_120 : vector<16xf32>
      %convert_element_type3A_123 = arith.fptosi %min3A_122 : vector<16xf32> to vector<16xi32>
      %convert_element_type3A_124 = arith.sitofp %convert_element_type3A_123 : vector<16xi32> to vector<16xf32>
      %sub3A_125 = arith.subf %min3A_122, %convert_element_type3A_124 : vector<16xf32>
      %mul3A_126 = arith.constant 128 : i32
      %mul3A_127 = vector.broadcast %mul3A_126 : i32 to vector<16xi32>
      %mul3A_128 = arith.muli %convert_element_type3A_123, %mul3A_127 : vector<16xi32>
      %mul3A_129 = arith.constant 16 : i32
      %mul3A_130 = arith.muli %scan3A_106, %mul3A_129 : i32
      %swap3A_131 = arith.index_cast %mul3A_130 : i32 to index
      %swap3A_132 = tpu.vector_load %arg7[%swap3A_131] {strides = array<i32>} : memref<256xi32, #tpu.memory_space<vmem>>, vector<16xi32>,
      tpu.vector_store %arg7[%swap3A_131], %mul3A_128 {strides = array<i32>} : memref<256xi32, #tpu.memory_space<vmem>>, vector<16xi32>,
      %mul3A_133 = arith.constant 16 : i32
      %mul3A_134 = arith.muli %scan3A_106, %mul3A_133 : i32
      %swap3A_135 = arith.index_cast %mul3A_134 : i32 to index
      %swap3A_136 = tpu.vector_load %arg8[%swap3A_135] {strides = array<i32>} : memref<256xf32, #tpu.memory_space<vmem>>, vector<16xf32>,
      tpu.vector_store %arg8[%swap3A_135], %sub3A_125 {strides = array<i32>} : memref<256xf32, #tpu.memory_space<vmem>>, vector<16xf32>,
      %scan3A_137 = arith.constant 3 : i32
      %mul3A_138 = arith.constant 256 : i32
      %mul3A_139 = arith.muli %mul3A_46, %mul3A_138 : i32
      %mul3A_140 = arith.constant 16 : i32
      %mul3A_141 = arith.muli %scan3A_137, %mul3A_140 : i32
      %add3A_142 = arith.addi %mul3A_139, %mul3A_141 : i32
      %get3A_143 = arith.index_cast %add3A_142 : i32 to index
      %get3A_144 = tpu.vector_load %arg5[%get3A_143] {strides = array<i32>} : memref<25600xf32, #tpu.memory_space<vmem>>, vector<16xf32>,
      %mul3A_145 = arith.constant 5.100000e+01 : f32
      %mul3A_146 = vector.broadcast %mul3A_145 : f32 to vector<16xf32>
      %mul3A_147 = arith.mulf %get3A_144, %mul3A_146 : vector<16xf32>
      %jit3A_148 = arith.constant 0.000000e+00 : f32
      %jit3A_149 = arith.constant 5.000000e+01 : f32
      %max3A_150 = vector.broadcast %jit3A_148 : f32 to vector<16xf32>
      %max3A_151 = arith.maximumf %max3A_150, %mul3A_147 : vector<16xf32>
      %min3A_152 = vector.broadcast %jit3A_149 : f32 to vector<16xf32>
      %min3A_153 = arith.minimumf %min3A_152, %max3A_151 : vector<16xf32>
      %convert_element_type3A_154 = arith.fptosi %min3A_153 : vector<16xf32> to vector<16xi32>
      %convert_element_type3A_155 = arith.sitofp %convert_element_type3A_154 : vector<16xi32> to vector<16xf32>
      %sub3A_156 = arith.subf %min3A_153, %convert_element_type3A_155 : vector<16xf32>
      %mul3A_157 = arith.constant 128 : i32
      %mul3A_158 = vector.broadcast %mul3A_157 : i32 to vector<16xi32>
      %mul3A_159 = arith.muli %convert_element_type3A_154, %mul3A_158 : vector<16xi32>
      %mul3A_160 = arith.constant 16 : i32
      %mul3A_161 = arith.muli %scan3A_137, %mul3A_160 : i32
      %swap3A_162 = arith.index_cast %mul3A_161 : i32 to index
      %swap3A_163 = tpu.vector_load %arg7[%swap3A_162] {strides = array<i32>} : memref<256xi32, #tpu.memory_space<vmem>>, vector<16xi32>,
      tpu.vector_store %arg7[%swap3A_162], %mul3A_159 {strides = array<i32>} : memref<256xi32, #tpu.memory_space<vmem>>, vector<16xi32>,
      %mul3A_164 = arith.constant 16 : i32
      %mul3A_165 = arith.muli %scan3A_137, %mul3A_164 : i32
      %swap3A_166 = arith.index_cast %mul3A_165 : i32 to index
      %swap3A_167 = tpu.vector_load %arg8[%swap3A_166] {strides = array<i32>} : memref<256xf32, #tpu.memory_space<vmem>>, vector<16xf32>,
      tpu.vector_store %arg8[%swap3A_166], %sub3A_156 {strides = array<i32>} : memref<256xf32, #tpu.memory_space<vmem>>, vector<16xf32>,
      %scan3A_168 = arith.constant 4 : i32
      %mul3A_169 = arith.constant 256 : i32
      %mul3A_170 = arith.muli %mul3A_46, %mul3A_169 : i32
      %mul3A_171 = arith.constant 16 : i32
      %mul3A_172 = arith.muli %scan3A_168, %mul3A_171 : i32
      %add3A_173 = arith.addi %mul3A_170, %mul3A_172 : i32
      %get3A_174 = arith.index_cast %add3A_173 : i32 to index
      %get3A_175 = tpu.vector_load %arg5[%get3A_174] {strides = array<i32>} : memref<25600xf32, #tpu.memory_space<vmem>>, vector<16xf32>,
      %mul3A_176 = arith.constant 5.100000e+01 : f32
      %mul3A_177 = vector.broadcast %mul3A_176 : f32 to vector<16xf32>
      %mul3A_178 = arith.mulf %get3A_175, %mul3A_177 : vector<16xf32>
      %jit3A_179 = arith.constant 0.000000e+00 : f32
      %jit3A_180 = arith.constant 5.000000e+01 : f32
      %max3A_181 = vector.broadcast %jit3A_179 : f32 to vector<16xf32>
      %max3A_182 = arith.maximumf %max3A_181, %mul3A_178 : vector<16xf32>
      %min3A_183 = vector.broadcast %jit3A_180 : f32 to vector<16xf32>
      %min3A_184 = arith.minimumf %min3A_183, %max3A_182 : vector<16xf32>
      %convert_element_type3A_185 = arith.fptosi %min3A_184 : vector<16xf32> to vector<16xi32>
      %convert_element_type3A_186 = arith.sitofp %convert_element_type3A_185 : vector<16xi32> to vector<16xf32>
      %sub3A_187 = arith.subf %min3A_184, %convert_element_type3A_186 : vector<16xf32>
      %mul3A_188 = arith.constant 128 : i32
      %mul3A_189 = vector.broadcast %mul3A_188 : i32 to vector<16xi32>
      %mul3A_190 = arith.muli %convert_element_type3A_185, %mul3A_189 : vector<16xi32>
      %mul3A_191 = arith.constant 16 : i32
      %mul3A_192 = arith.muli %scan3A_168, %mul3A_191 : i32
      %swap3A_193 = arith.index_cast %mul3A_192 : i32 to index
      %swap3A_194 = tpu.vector_load %arg7[%swap3A_193] {strides = array<i32>} : memref<256xi32, #tpu.memory_space<vmem>>, vector<16xi32>,
      tpu.vector_store %arg7[%swap3A_193], %mul3A_190 {strides = array<i32>} : memref<256xi32, #tpu.memory_space<vmem>>, vector<16xi32>,
      %mul3A_195 = arith.constant 16 : i32
      %mul3A_196 = arith.muli %scan3A_168, %mul3A_195 : i32
      %swap3A_197 = arith.index_cast %mul3A_196 : i32 to index
      %swap3A_198 = tpu.vector_load %arg8[%swap3A_197] {strides = array<i32>} : memref<256xf32, #tpu.memory_space<vmem>>, vector<16xf32>,
      tpu.vector_store %arg8[%swap3A_197], %sub3A_187 {strides = array<i32>} : memref<256xf32, #tpu.memory_space<vmem>>, vector<16xf32>,
      %scan3A_199 = arith.constant 5 : i32
      %mul3A_200 = arith.constant 256 : i32
      %mul3A_201 = arith.muli %mul3A_46, %mul3A_200 : i32
      %mul3A_202 = arith.constant 16 : i32
      %mul3A_203 = arith.muli %scan3A_199, %mul3A_202 : i32
      %add3A_204 = arith.addi %mul3A_201, %mul3A_203 : i32
      %get3A_205 = arith.index_cast %add3A_204 : i32 to index
      %get3A_206 = tpu.vector_load %arg5[%get3A_205] {strides = array<i32>} : memref<25600xf32, #tpu.memory_space<vmem>>, vector<16xf32>,
      %mul3A_207 = arith.constant 5.100000e+01 : f32
      %mul3A_208 = vector.broadcast %mul3A_207 : f32 to vector<16xf32>
      %mul3A_209 = arith.mulf %get3A_206, %mul3A_208 : vector<16xf32>
      %jit3A_210 = arith.constant 0.000000e+00 : f32
      %jit3A_211 = arith.constant 5.000000e+01 : f32
      %max3A_212 = vector.broadcast %jit3A_210 : f32 to vector<16xf32>
      %max3A_213 = arith.maximumf %max3A_212, %mul3A_209 : vector<16xf32>
      %min3A_214 = vector.broadcast %jit3A_211 : f32 to vector<16xf32>
      %min3A_215 = arith.minimumf %min3A_214, %max3A_213 : vector<16xf32>
      %convert_element_type3A_216 = arith.fptosi %min3A_215 : vector<16xf32> to vector<16xi32>
      %convert_element_type3A_217 = arith.sitofp %convert_element_type3A_216 : vector<16xi32> to vector<16xf32>
      %sub3A_218 = arith.subf %min3A_215, %convert_element_type3A_217 : vector<16xf32>
      %mul3A_219 = arith.constant 128 : i32
      %mul3A_220 = vector.broadcast %mul3A_219 : i32 to vector<16xi32>
      %mul3A_221 = arith.muli %convert_element_type3A_216, %mul3A_220 : vector<16xi32>
      %mul3A_222 = arith.constant 16 : i32
      %mul3A_223 = arith.muli %scan3A_199, %mul3A_222 : i32
      %swap3A_224 = arith.index_cast %mul3A_223 : i32 to index
      %swap3A_225 = tpu.vector_load %arg7[%swap3A_224] {strides = array<i32>} : memref<256xi32, #tpu.memory_space<vmem>>, vector<16xi32>,
      tpu.vector_store %arg7[%swap3A_224], %mul3A_221 {strides = array<i32>} : memref<256xi32, #tpu.memory_space<vmem>>, vector<16xi32>,
      %mul3A_226 = arith.constant 16 : i32
      %mul3A_227 = arith.muli %scan3A_199, %mul3A_226 : i32
      %swap3A_228 = arith.index_cast %mul3A_227 : i32 to index
      %swap3A_229 = tpu.vector_load %arg8[%swap3A_228] {strides = array<i32>} : memref<256xf32, #tpu.memory_space<vmem>>, vector<16xf32>,
      tpu.vector_store %arg8[%swap3A_228], %sub3A_218 {strides = array<i32>} : memref<256xf32, #tpu.memory_space<vmem>>, vector<16xf32>,
      %scan3A_230 = arith.constant 6 : i32
      %mul3A_231 = arith.constant 256 : i32
      %mul3A_232 = arith.muli %mul3A_46, %mul3A_231 : i32
      %mul3A_233 = arith.constant 16 : i32
      %mul3A_234 = arith.muli %scan3A_230, %mul3A_233 : i32
      %add3A_235 = arith.addi %mul3A_232, %mul3A_234 : i32
      %get3A_236 = arith.index_cast %add3A_235 : i32 to index
      %get3A_237 = tpu.vector_load %arg5[%get3A_236] {strides = array<i32>} : memref<25600xf32, #tpu.memory_space<vmem>>, vector<16xf32>,
      %mul3A_238 = arith.constant 5.100000e+01 : f32
      %mul3A_239 = vector.broadcast %mul3A_238 : f32 to vector<16xf32>
      %mul3A_240 = arith.mulf %get3A_237, %mul3A_239 : vector<16xf32>
      %jit3A_241 = arith.constant 0.000000e+00 : f32
      %jit3A_242 = arith.constant 5.000000e+01 : f32
      %max3A_243 = vector.broadcast %jit3A_241 : f32 to vector<16xf32>
      %max3A_244 = arith.maximumf %max3A_243, %mul3A_240 : vector<16xf32>
      %min3A_245 = vector.broadcast %jit3A_242 : f32 to vector<16xf32>
      %min3A_246 = arith.minimumf %min3A_245, %max3A_244 : vector<16xf32>
      %convert_element_type3A_247 = arith.fptosi %min3A_246 : vector<16xf32> to vector<16xi32>
      %convert_element_type3A_248 = arith.sitofp %convert_element_type3A_247 : vector<16xi32> to vector<16xf32>
      %sub3A_249 = arith.subf %min3A_246, %convert_element_type3A_248 : vector<16xf32>
      %mul3A_250 = arith.constant 128 : i32
      %mul3A_251 = vector.broadcast %mul3A_250 : i32 to vector<16xi32>
      %mul3A_252 = arith.muli %convert_element_type3A_247, %mul3A_251 : vector<16xi32>
      %mul3A_253 = arith.constant 16 : i32
      %mul3A_254 = arith.muli %scan3A_230, %mul3A_253 : i32
      %swap3A_255 = arith.index_cast %mul3A_254 : i32 to index
      %swap3A_256 = tpu.vector_load %arg7[%swap3A_255] {strides = array<i32>} : memref<256xi32, #tpu.memory_space<vmem>>, vector<16xi32>,
      tpu.vector_store %arg7[%swap3A_255], %mul3A_252 {strides = array<i32>} : memref<256xi32, #tpu.memory_space<vmem>>, vector<16xi32>,
      %mul3A_257 = arith.constant 16 : i32
      %mul3A_258 = arith.muli %scan3A_230, %mul3A_257 : i32
      %swap3A_259 = arith.index_cast %mul3A_258 : i32 to index
      %swap3A_260 = tpu.vector_load %arg8[%swap3A_259] {strides = array<i32>} : memref<256xf32, #tpu.memory_space<vmem>>, vector<16xf32>,
      tpu.vector_store %arg8[%swap3A_259], %sub3A_249 {strides = array<i32>} : memref<256xf32, #tpu.memory_space<vmem>>, vector<16xf32>,
      %scan3A_261 = arith.constant 7 : i32
      %mul3A_262 = arith.constant 256 : i32
      %mul3A_263 = arith.muli %mul3A_46, %mul3A_262 : i32
      %mul3A_264 = arith.constant 16 : i32
      %mul3A_265 = arith.muli %scan3A_261, %mul3A_264 : i32
      %add3A_266 = arith.addi %mul3A_263, %mul3A_265 : i32
      %get3A_267 = arith.index_cast %add3A_266 : i32 to index
      %get3A_268 = tpu.vector_load %arg5[%get3A_267] {strides = array<i32>} : memref<25600xf32, #tpu.memory_space<vmem>>, vector<16xf32>,
      %mul3A_269 = arith.constant 5.100000e+01 : f32
      %mul3A_270 = vector.broadcast %mul3A_269 : f32 to vector<16xf32>
      %mul3A_271 = arith.mulf %get3A_268, %mul3A_270 : vector<16xf32>
      %jit3A_272 = arith.constant 0.000000e+00 : f32
      %jit3A_273 = arith.constant 5.000000e+01 : f32
      %max3A_274 = vector.broadcast %jit3A_272 : f32 to vector<16xf32>
      %max3A_275 = arith.maximumf %max3A_274, %mul3A_271 : vector<16xf32>
      %min3A_276 = vector.broadcast %jit3A_273 : f32 to vector<16xf32>
      %min3A_277 = arith.minimumf %min3A_276, %max3A_275 : vector<16xf32>
      %convert_element_type3A_278 = arith.fptosi %min3A_277 : vector<16xf32> to vector<16xi32>
      %convert_element_type3A_279 = arith.sitofp %convert_element_type3A_278 : vector<16xi32> to vector<16xf32>
      %sub3A_280 = arith.subf %min3A_277, %convert_element_type3A_279 : vector<16xf32>
      %mul3A_281 = arith.constant 128 : i32
      %mul3A_282 = vector.broadcast %mul3A_281 : i32 to vector<16xi32>
      %mul3A_283 = arith.muli %convert_element_type3A_278, %mul3A_282 : vector<16xi32>
      %mul3A_284 = arith.constant 16 : i32
      %mul3A_285 = arith.muli %scan3A_261, %mul3A_284 : i32
      %swap3A_286 = arith.index_cast %mul3A_285 : i32 to index
      %swap3A_287 = tpu.vector_load %arg7[%swap3A_286] {strides = array<i32>} : memref<256xi32, #tpu.memory_space<vmem>>, vector<16xi32>,
      tpu.vector_store %arg7[%swap3A_286], %mul3A_283 {strides = array<i32>} : memref<256xi32, #tpu.memory_space<vmem>>, vector<16xi32>,
      %mul3A_288 = arith.constant 16 : i32
      %mul3A_289 = arith.muli %scan3A_261, %mul3A_288 : i32
      %swap3A_290 = arith.index_cast %mul3A_289 : i32 to index
      %swap3A_291 = tpu.vector_load %arg8[%swap3A_290] {strides = array<i32>} : memref<256xf32, #tpu.memory_space<vmem>>, vector<16xf32>,
      tpu.vector_store %arg8[%swap3A_290], %sub3A_280 {strides = array<i32>} : memref<256xf32, #tpu.memory_space<vmem>>, vector<16xf32>,
      %scan3A_292 = arith.constant 8 : i32
      %mul3A_293 = arith.constant 256 : i32
      %mul3A_294 = arith.muli %mul3A_46, %mul3A_293 : i32
      %mul3A_295 = arith.constant 16 : i32
      %mul3A_296 = arith.muli %scan3A_292, %mul3A_295 : i32
      %add3A_297 = arith.addi %mul3A_294, %mul3A_296 : i32
      %get3A_298 = arith.index_cast %add3A_297 : i32 to index
      %get3A_299 = tpu.vector_load %arg5[%get3A_298] {strides = array<i32>} : memref<25600xf32, #tpu.memory_space<vmem>>, vector<16xf32>,
      %mul3A_300 = arith.constant 5.100000e+01 : f32
      %mul3A_301 = vector.broadcast %mul3A_300 : f32 to vector<16xf32>
      %mul3A_302 = arith.mulf %get3A_299, %mul3A_301 : vector<16xf32>
      %jit3A_303 = arith.constant 0.000000e+00 : f32
      %jit3A_304 = arith.constant 5.000000e+01 : f32
      %max3A_305 = vector.broadcast %jit3A_303 : f32 to vector<16xf32>
      %max3A_306 = arith.maximumf %max3A_305, %mul3A_302 : vector<16xf32>
      %min3A_307 = vector.broadcast %jit3A_304 : f32 to vector<16xf32>
      %min3A_308 = arith.minimumf %min3A_307, %max3A_306 : vector<16xf32>
      %convert_element_type3A_309 = arith.fptosi %min3A_308 : vector<16xf32> to vector<16xi32>
      %convert_element_type3A_310 = arith.sitofp %convert_element_type3A_309 : vector<16xi32> to vector<16xf32>
      %sub3A_311 = arith.subf %min3A_308, %convert_element_type3A_310 : vector<16xf32>
      %mul3A_312 = arith.constant 128 : i32
      %mul3A_313 = vector.broadcast %mul3A_312 : i32 to vector<16xi32>
      %mul3A_314 = arith.muli %convert_element_type3A_309, %mul3A_313 : vector<16xi32>
      %mul3A_315 = arith.constant 16 : i32
      %mul3A_316 = arith.muli %scan3A_292, %mul3A_315 : i32
      %swap3A_317 = arith.index_cast %mul3A_316 : i32 to index
      %swap3A_318 = tpu.vector_load %arg7[%swap3A_317] {strides = array<i32>} : memref<256xi32, #tpu.memory_space<vmem>>, vector<16xi32>,
      tpu.vector_store %arg7[%swap3A_317], %mul3A_314 {strides = array<i32>} : memref<256xi32, #tpu.memory_space<vmem>>, vector<16xi32>,
      %mul3A_319 = arith.constant 16 : i32
      %mul3A_320 = arith.muli %scan3A_292, %mul3A_319 : i32
      %swap3A_321 = arith.index_cast %mul3A_320 : i32 to index
      %swap3A_322 = tpu.vector_load %arg8[%swap3A_321] {strides = array<i32>} : memref<256xf32, #tpu.memory_space<vmem>>, vector<16xf32>,
      tpu.vector_store %arg8[%swap3A_321], %sub3A_311 {strides = array<i32>} : memref<256xf32, #tpu.memory_space<vmem>>, vector<16xf32>,
      %scan3A_323 = arith.constant 9 : i32
      %mul3A_324 = arith.constant 256 : i32
      %mul3A_325 = arith.muli %mul3A_46, %mul3A_324 : i32
      %mul3A_326 = arith.constant 16 : i32
      %mul3A_327 = arith.muli %scan3A_323, %mul3A_326 : i32
      %add3A_328 = arith.addi %mul3A_325, %mul3A_327 : i32
      %get3A_329 = arith.index_cast %add3A_328 : i32 to index
      %get3A_330 = tpu.vector_load %arg5[%get3A_329] {strides = array<i32>} : memref<25600xf32, #tpu.memory_space<vmem>>, vector<16xf32>,
      %mul3A_331 = arith.constant 5.100000e+01 : f32
      %mul3A_332 = vector.broadcast %mul3A_331 : f32 to vector<16xf32>
      %mul3A_333 = arith.mulf %get3A_330, %mul3A_332 : vector<16xf32>
      %jit3A_334 = arith.constant 0.000000e+00 : f32
      %jit3A_335 = arith.constant 5.000000e+01 : f32
      %max3A_336 = vector.broadcast %jit3A_334 : f32 to vector<16xf32>
      %max3A_337 = arith.maximumf %max3A_336, %mul3A_333 : vector<16xf32>
      %min3A_338 = vector.broadcast %jit3A_335 : f32 to vector<16xf32>
      %min3A_339 = arith.minimumf %min3A_338, %max3A_337 : vector<16xf32>
      %convert_element_type3A_340 = arith.fptosi %min3A_339 : vector<16xf32> to vector<16xi32>
      %convert_element_type3A_341 = arith.sitofp %convert_element_type3A_340 : vector<16xi32> to vector<16xf32>
      %sub3A_342 = arith.subf %min3A_339, %convert_element_type3A_341 : vector<16xf32>
      %mul3A_343 = arith.constant 128 : i32
      %mul3A_344 = vector.broadcast %mul3A_343 : i32 to vector<16xi32>
      %mul3A_345 = arith.muli %convert_element_type3A_340, %mul3A_344 : vector<16xi32>
      %mul3A_346 = arith.constant 16 : i32
      %mul3A_347 = arith.muli %scan3A_323, %mul3A_346 : i32
      %swap3A_348 = arith.index_cast %mul3A_347 : i32 to index
      %swap3A_349 = tpu.vector_load %arg7[%swap3A_348] {strides = array<i32>} : memref<256xi32, #tpu.memory_space<vmem>>, vector<16xi32>,
      tpu.vector_store %arg7[%swap3A_348], %mul3A_345 {strides = array<i32>} : memref<256xi32, #tpu.memory_space<vmem>>, vector<16xi32>,
      %mul3A_350 = arith.constant 16 : i32
      %mul3A_351 = arith.muli %scan3A_323, %mul3A_350 : i32
      %swap3A_352 = arith.index_cast %mul3A_351 : i32 to index
      %swap3A_353 = tpu.vector_load %arg8[%swap3A_352] {strides = array<i32>} : memref<256xf32, #tpu.memory_space<vmem>>, vector<16xf32>,
      tpu.vector_store %arg8[%swap3A_352], %sub3A_342 {strides = array<i32>} : memref<256xf32, #tpu.memory_space<vmem>>, vector<16xf32>,
      %scan3A_354 = arith.constant 10 : i32
      %mul3A_355 = arith.constant 256 : i32
      %mul3A_356 = arith.muli %mul3A_46, %mul3A_355 : i32
      %mul3A_357 = arith.constant 16 : i32
      %mul3A_358 = arith.muli %scan3A_354, %mul3A_357 : i32
      %add3A_359 = arith.addi %mul3A_356, %mul3A_358 : i32
      %get3A_360 = arith.index_cast %add3A_359 : i32 to index
      %get3A_361 = tpu.vector_load %arg5[%get3A_360] {strides = array<i32>} : memref<25600xf32, #tpu.memory_space<vmem>>, vector<16xf32>,
      %mul3A_362 = arith.constant 5.100000e+01 : f32
      %mul3A_363 = vector.broadcast %mul3A_362 : f32 to vector<16xf32>
      %mul3A_364 = arith.mulf %get3A_361, %mul3A_363 : vector<16xf32>
      %jit3A_365 = arith.constant 0.000000e+00 : f32
      %jit3A_366 = arith.constant 5.000000e+01 : f32
      %max3A_367 = vector.broadcast %jit3A_365 : f32 to vector<16xf32>
      %max3A_368 = arith.maximumf %max3A_367, %mul3A_364 : vector<16xf32>
      %min3A_369 = vector.broadcast %jit3A_366 : f32 to vector<16xf32>
      %min3A_370 = arith.minimumf %min3A_369, %max3A_368 : vector<16xf32>
      %convert_element_type3A_371 = arith.fptosi %min3A_370 : vector<16xf32> to vector<16xi32>
      %convert_element_type3A_372 = arith.sitofp %convert_element_type3A_371 : vector<16xi32> to vector<16xf32>
      %sub3A_373 = arith.subf %min3A_370, %convert_element_type3A_372 : vector<16xf32>
      %mul3A_374 = arith.constant 128 : i32
      %mul3A_375 = vector.broadcast %mul3A_374 : i32 to vector<16xi32>
      %mul3A_376 = arith.muli %convert_element_type3A_371, %mul3A_375 : vector<16xi32>
      %mul3A_377 = arith.constant 16 : i32
      %mul3A_378 = arith.muli %scan3A_354, %mul3A_377 : i32
      %swap3A_379 = arith.index_cast %mul3A_378 : i32 to index
      %swap3A_380 = tpu.vector_load %arg7[%swap3A_379] {strides = array<i32>} : memref<256xi32, #tpu.memory_space<vmem>>, vector<16xi32>,
      tpu.vector_store %arg7[%swap3A_379], %mul3A_376 {strides = array<i32>} : memref<256xi32, #tpu.memory_space<vmem>>, vector<16xi32>,
      %mul3A_381 = arith.constant 16 : i32
      %mul3A_382 = arith.muli %scan3A_354, %mul3A_381 : i32
      %swap3A_383 = arith.index_cast %mul3A_382 : i32 to index
      %swap3A_384 = tpu.vector_load %arg8[%swap3A_383] {strides = array<i32>} : memref<256xf32, #tpu.memory_space<vmem>>, vector<16xf32>,
      tpu.vector_store %arg8[%swap3A_383], %sub3A_373 {strides = array<i32>} : memref<256xf32, #tpu.memory_space<vmem>>, vector<16xf32>,
      %scan3A_385 = arith.constant 11 : i32
      %mul3A_386 = arith.constant 256 : i32
      %mul3A_387 = arith.muli %mul3A_46, %mul3A_386 : i32
      %mul3A_388 = arith.constant 16 : i32
      %mul3A_389 = arith.muli %scan3A_385, %mul3A_388 : i32
      %add3A_390 = arith.addi %mul3A_387, %mul3A_389 : i32
      %get3A_391 = arith.index_cast %add3A_390 : i32 to index
      %get3A_392 = tpu.vector_load %arg5[%get3A_391] {strides = array<i32>} : memref<25600xf32, #tpu.memory_space<vmem>>, vector<16xf32>,
      %mul3A_393 = arith.constant 5.100000e+01 : f32
      %mul3A_394 = vector.broadcast %mul3A_393 : f32 to vector<16xf32>
      %mul3A_395 = arith.mulf %get3A_392, %mul3A_394 : vector<16xf32>
      %jit3A_396 = arith.constant 0.000000e+00 : f32
      %jit3A_397 = arith.constant 5.000000e+01 : f32
      %max3A_398 = vector.broadcast %jit3A_396 : f32 to vector<16xf32>
      %max3A_399 = arith.maximumf %max3A_398, %mul3A_395 : vector<16xf32>
      %min3A_400 = vector.broadcast %jit3A_397 : f32 to vector<16xf32>
      %min3A_401 = arith.minimumf %min3A_400, %max3A_399 : vector<16xf32>
      %convert_element_type3A_402 = arith.fptosi %min3A_401 : vector<16xf32> to vector<16xi32>
      %convert_element_type3A_403 = arith.sitofp %convert_element_type3A_402 : vector<16xi32> to vector<16xf32>
      %sub3A_404 = arith.subf %min3A_401, %convert_element_type3A_403 : vector<16xf32>
      %mul3A_405 = arith.constant 128 : i32
      %mul3A_406 = vector.broadcast %mul3A_405 : i32 to vector<16xi32>
      %mul3A_407 = arith.muli %convert_element_type3A_402, %mul3A_406 : vector<16xi32>
      %mul3A_408 = arith.constant 16 : i32
      %mul3A_409 = arith.muli %scan3A_385, %mul3A_408 : i32
      %swap3A_410 = arith.index_cast %mul3A_409 : i32 to index
      %swap3A_411 = tpu.vector_load %arg7[%swap3A_410] {strides = array<i32>} : memref<256xi32, #tpu.memory_space<vmem>>, vector<16xi32>,
      tpu.vector_store %arg7[%swap3A_410], %mul3A_407 {strides = array<i32>} : memref<256xi32, #tpu.memory_space<vmem>>, vector<16xi32>,
      %mul3A_412 = arith.constant 16 : i32
      %mul3A_413 = arith.muli %scan3A_385, %mul3A_412 : i32
      %swap3A_414 = arith.index_cast %mul3A_413 : i32 to index
      %swap3A_415 = tpu.vector_load %arg8[%swap3A_414] {strides = array<i32>} : memref<256xf32, #tpu.memory_space<vmem>>, vector<16xf32>,
      tpu.vector_store %arg8[%swap3A_414], %sub3A_404 {strides = array<i32>} : memref<256xf32, #tpu.memory_space<vmem>>, vector<16xf32>,
      %scan3A_416 = arith.constant 12 : i32
      %mul3A_417 = arith.constant 256 : i32
      %mul3A_418 = arith.muli %mul3A_46, %mul3A_417 : i32
      %mul3A_419 = arith.constant 16 : i32
      %mul3A_420 = arith.muli %scan3A_416, %mul3A_419 : i32
      %add3A_421 = arith.addi %mul3A_418, %mul3A_420 : i32
      %get3A_422 = arith.index_cast %add3A_421 : i32 to index
      %get3A_423 = tpu.vector_load %arg5[%get3A_422] {strides = array<i32>} : memref<25600xf32, #tpu.memory_space<vmem>>, vector<16xf32>,
      %mul3A_424 = arith.constant 5.100000e+01 : f32
      %mul3A_425 = vector.broadcast %mul3A_424 : f32 to vector<16xf32>
      %mul3A_426 = arith.mulf %get3A_423, %mul3A_425 : vector<16xf32>
      %jit3A_427 = arith.constant 0.000000e+00 : f32
      %jit3A_428 = arith.constant 5.000000e+01 : f32
      %max3A_429 = vector.broadcast %jit3A_427 : f32 to vector<16xf32>
      %max3A_430 = arith.maximumf %max3A_429, %mul3A_426 : vector<16xf32>
      %min3A_431 = vector.broadcast %jit3A_428 : f32 to vector<16xf32>
      %min3A_432 = arith.minimumf %min3A_431, %max3A_430 : vector<16xf32>
      %convert_element_type3A_433 = arith.fptosi %min3A_432 : vector<16xf32> to vector<16xi32>
      %convert_element_type3A_434 = arith.sitofp %convert_element_type3A_433 : vector<16xi32> to vector<16xf32>
      %sub3A_435 = arith.subf %min3A_432, %convert_element_type3A_434 : vector<16xf32>
      %mul3A_436 = arith.constant 128 : i32
      %mul3A_437 = vector.broadcast %mul3A_436 : i32 to vector<16xi32>
      %mul3A_438 = arith.muli %convert_element_type3A_433, %mul3A_437 : vector<16xi32>
      %mul3A_439 = arith.constant 16 : i32
      %mul3A_440 = arith.muli %scan3A_416, %mul3A_439 : i32
      %swap3A_441 = arith.index_cast %mul3A_440 : i32 to index
      %swap3A_442 = tpu.vector_load %arg7[%swap3A_441] {strides = array<i32>} : memref<256xi32, #tpu.memory_space<vmem>>, vector<16xi32>,
      tpu.vector_store %arg7[%swap3A_441], %mul3A_438 {strides = array<i32>} : memref<256xi32, #tpu.memory_space<vmem>>, vector<16xi32>,
      %mul3A_443 = arith.constant 16 : i32
      %mul3A_444 = arith.muli %scan3A_416, %mul3A_443 : i32
      %swap3A_445 = arith.index_cast %mul3A_444 : i32 to index
      %swap3A_446 = tpu.vector_load %arg8[%swap3A_445] {strides = array<i32>} : memref<256xf32, #tpu.memory_space<vmem>>, vector<16xf32>,
      tpu.vector_store %arg8[%swap3A_445], %sub3A_435 {strides = array<i32>} : memref<256xf32, #tpu.memory_space<vmem>>, vector<16xf32>,
      %scan3A_447 = arith.constant 13 : i32
      %mul3A_448 = arith.constant 256 : i32
      %mul3A_449 = arith.muli %mul3A_46, %mul3A_448 : i32
      %mul3A_450 = arith.constant 16 : i32
      %mul3A_451 = arith.muli %scan3A_447, %mul3A_450 : i32
      %add3A_452 = arith.addi %mul3A_449, %mul3A_451 : i32
      %get3A_453 = arith.index_cast %add3A_452 : i32 to index
      %get3A_454 = tpu.vector_load %arg5[%get3A_453] {strides = array<i32>} : memref<25600xf32, #tpu.memory_space<vmem>>, vector<16xf32>,
      %mul3A_455 = arith.constant 5.100000e+01 : f32
      %mul3A_456 = vector.broadcast %mul3A_455 : f32 to vector<16xf32>
      %mul3A_457 = arith.mulf %get3A_454, %mul3A_456 : vector<16xf32>
      %jit3A_458 = arith.constant 0.000000e+00 : f32
      %jit3A_459 = arith.constant 5.000000e+01 : f32
      %max3A_460 = vector.broadcast %jit3A_458 : f32 to vector<16xf32>
      %max3A_461 = arith.maximumf %max3A_460, %mul3A_457 : vector<16xf32>
      %min3A_462 = vector.broadcast %jit3A_459 : f32 to vector<16xf32>
      %min3A_463 = arith.minimumf %min3A_462, %max3A_461 : vector<16xf32>
      %convert_element_type3A_464 = arith.fptosi %min3A_463 : vector<16xf32> to vector<16xi32>
      %convert_element_type3A_465 = arith.sitofp %convert_element_type3A_464 : vector<16xi32> to vector<16xf32>
      %sub3A_466 = arith.subf %min3A_463, %convert_element_type3A_465 : vector<16xf32>
      %mul3A_467 = arith.constant 128 : i32
      %mul3A_468 = vector.broadcast %mul3A_467 : i32 to vector<16xi32>
      %mul3A_469 = arith.muli %convert_element_type3A_464, %mul3A_468 : vector<16xi32>
      %mul3A_470 = arith.constant 16 : i32
      %mul3A_471 = arith.muli %scan3A_447, %mul3A_470 : i32
      %swap3A_472 = arith.index_cast %mul3A_471 : i32 to index
      %swap3A_473 = tpu.vector_load %arg7[%swap3A_472] {strides = array<i32>} : memref<256xi32, #tpu.memory_space<vmem>>, vector<16xi32>,
      tpu.vector_store %arg7[%swap3A_472], %mul3A_469 {strides = array<i32>} : memref<256xi32, #tpu.memory_space<vmem>>, vector<16xi32>,
      %mul3A_474 = arith.constant 16 : i32
      %mul3A_475 = arith.muli %scan3A_447, %mul3A_474 : i32
      %swap3A_476 = arith.index_cast %mul3A_475 : i32 to index
      %swap3A_477 = tpu.vector_load %arg8[%swap3A_476] {strides = array<i32>} : memref<256xf32, #tpu.memory_space<vmem>>, vector<16xf32>,
      tpu.vector_store %arg8[%swap3A_476], %sub3A_466 {strides = array<i32>} : memref<256xf32, #tpu.memory_space<vmem>>, vector<16xf32>,
      %scan3A_478 = arith.constant 14 : i32
      %mul3A_479 = arith.constant 256 : i32
      %mul3A_480 = arith.muli %mul3A_46, %mul3A_479 : i32
      %mul3A_481 = arith.constant 16 : i32
      %mul3A_482 = arith.muli %scan3A_478, %mul3A_481 : i32
      %add3A_483 = arith.addi %mul3A_480, %mul3A_482 : i32
      %get3A_484 = arith.index_cast %add3A_483 : i32 to index
      %get3A_485 = tpu.vector_load %arg5[%get3A_484] {strides = array<i32>} : memref<25600xf32, #tpu.memory_space<vmem>>, vector<16xf32>,
      %mul3A_486 = arith.constant 5.100000e+01 : f32
      %mul3A_487 = vector.broadcast %mul3A_486 : f32 to vector<16xf32>
      %mul3A_488 = arith.mulf %get3A_485, %mul3A_487 : vector<16xf32>
      %jit3A_489 = arith.constant 0.000000e+00 : f32
      %jit3A_490 = arith.constant 5.000000e+01 : f32
      %max3A_491 = vector.broadcast %jit3A_489 : f32 to vector<16xf32>
      %max3A_492 = arith.maximumf %max3A_491, %mul3A_488 : vector<16xf32>
      %min3A_493 = vector.broadcast %jit3A_490 : f32 to vector<16xf32>
      %min3A_494 = arith.minimumf %min3A_493, %max3A_492 : vector<16xf32>
      %convert_element_type3A_495 = arith.fptosi %min3A_494 : vector<16xf32> to vector<16xi32>
      %convert_element_type3A_496 = arith.sitofp %convert_element_type3A_495 : vector<16xi32> to vector<16xf32>
      %sub3A_497 = arith.subf %min3A_494, %convert_element_type3A_496 : vector<16xf32>
      %mul3A_498 = arith.constant 128 : i32
      %mul3A_499 = vector.broadcast %mul3A_498 : i32 to vector<16xi32>
      %mul3A_500 = arith.muli %convert_element_type3A_495, %mul3A_499 : vector<16xi32>
      %mul3A_501 = arith.constant 16 : i32
      %mul3A_502 = arith.muli %scan3A_478, %mul3A_501 : i32
      %swap3A_503 = arith.index_cast %mul3A_502 : i32 to index
      %swap3A_504 = tpu.vector_load %arg7[%swap3A_503] {strides = array<i32>} : memref<256xi32, #tpu.memory_space<vmem>>, vector<16xi32>,
      tpu.vector_store %arg7[%swap3A_503], %mul3A_500 {strides = array<i32>} : memref<256xi32, #tpu.memory_space<vmem>>, vector<16xi32>,
      %mul3A_505 = arith.constant 16 : i32
      %mul3A_506 = arith.muli %scan3A_478, %mul3A_505 : i32
      %swap3A_507 = arith.index_cast %mul3A_506 : i32 to index
      %swap3A_508 = tpu.vector_load %arg8[%swap3A_507] {strides = array<i32>} : memref<256xf32, #tpu.memory_space<vmem>>, vector<16xf32>,
      tpu.vector_store %arg8[%swap3A_507], %sub3A_497 {strides = array<i32>} : memref<256xf32, #tpu.memory_space<vmem>>, vector<16xf32>,
      %scan3A_509 = arith.constant 15 : i32
      %mul3A_510 = arith.constant 256 : i32
      %mul3A_511 = arith.muli %mul3A_46, %mul3A_510 : i32
      %mul3A_512 = arith.constant 16 : i32
      %mul3A_513 = arith.muli %scan3A_509, %mul3A_512 : i32
      %add3A_514 = arith.addi %mul3A_511, %mul3A_513 : i32
      %get3A_515 = arith.index_cast %add3A_514 : i32 to index
      %get3A_516 = tpu.vector_load %arg5[%get3A_515] {strides = array<i32>} : memref<25600xf32, #tpu.memory_space<vmem>>, vector<16xf32>,
      %mul3A_517 = arith.constant 5.100000e+01 : f32
      %mul3A_518 = vector.broadcast %mul3A_517 : f32 to vector<16xf32>
      %mul3A_519 = arith.mulf %get3A_516, %mul3A_518 : vector<16xf32>
      %jit3A_520 = arith.constant 0.000000e+00 : f32
      %jit3A_521 = arith.constant 5.000000e+01 : f32
      %max3A_522 = vector.broadcast %jit3A_520 : f32 to vector<16xf32>
      %max3A_523 = arith.maximumf %max3A_522, %mul3A_519 : vector<16xf32>
      %min3A_524 = vector.broadcast %jit3A_521 : f32 to vector<16xf32>
      %min3A_525 = arith.minimumf %min3A_524, %max3A_523 : vector<16xf32>
      %convert_element_type3A_526 = arith.fptosi %min3A_525 : vector<16xf32> to vector<16xi32>
      %convert_element_type3A_527 = arith.sitofp %convert_element_type3A_526 : vector<16xi32> to vector<16xf32>
      %sub3A_528 = arith.subf %min3A_525, %convert_element_type3A_527 : vector<16xf32>
      %mul3A_529 = arith.constant 128 : i32
      %mul3A_530 = vector.broadcast %mul3A_529 : i32 to vector<16xi32>
      %mul3A_531 = arith.muli %convert_element_type3A_526, %mul3A_530 : vector<16xi32>
      %mul3A_532 = arith.constant 16 : i32
      %mul3A_533 = arith.muli %scan3A_509, %mul3A_532 : i32
      %swap3A_534 = arith.index_cast %mul3A_533 : i32 to index
      %swap3A_535 = tpu.vector_load %arg7[%swap3A_534] {strides = array<i32>} : memref<256xi32, #tpu.memory_space<vmem>>, vector<16xi32>,
      tpu.vector_store %arg7[%swap3A_534], %mul3A_531 {strides = array<i32>} : memref<256xi32, #tpu.memory_space<vmem>>, vector<16xi32>,
      %mul3A_536 = arith.constant 16 : i32
      %mul3A_537 = arith.muli %scan3A_509, %mul3A_536 : i32
      %swap3A_538 = arith.index_cast %mul3A_537 : i32 to index
      %swap3A_539 = tpu.vector_load %arg8[%swap3A_538] {strides = array<i32>} : memref<256xf32, #tpu.memory_space<vmem>>, vector<16xf32>,
      tpu.vector_store %arg8[%swap3A_538], %sub3A_528 {strides = array<i32>} : memref<256xf32, #tpu.memory_space<vmem>>, vector<16xf32>,
      %scan3A_540 = arith.constant 16 : i32
      %parallel_loop3A = arith.constant 0 : i32
      %parallel_loop3A_541 = arith.constant 256 : i32
      %parallel_loop3A_542 = arith.constant 1 : i32
      scf.for %parallel_loop3A_1066 = %parallel_loop3A to %parallel_loop3A_541 step %parallel_loop3A_542  : i32 {
        %parallel_loop3A_1067 = vector.broadcast %parallel_loop3A_1066 : i32 to vector<16xi32>
        %parallel_loop3A_1068 = tpu.vector_load_idx %arg7[%parallel_loop3A_1067] : memref<256xi32, #tpu.memory_space<vmem>>[vector<16xi32>], vector<16xi32>,
        %parallel_loop3A_1069 = tpu.vector_load_idx %arg8[%parallel_loop3A_1067] : memref<256xf32, #tpu.memory_space<vmem>>[vector<16xi32>], vector<16xf32>,
        %parallel_loop3A_1070 = arith.constant 128 : i32
        %parallel_loop3A_1071 = arith.muli %parallel_loop3A_1066, %parallel_loop3A_1070 : i32
        %parallel_loop3A_1072 = arith.addi %parallel_loop3A_1068, %add3A_5 : vector<16xi32>
        %parallel_loop3A_1073 = tpu.vector_load_idx %arg6[%parallel_loop3A_1072] : memref<6528xi32, #tpu.memory_space<vmem>>[vector<16xi32>], vector<16xi32>,
        %parallel_loop3A_1074 = arith.andi %parallel_loop3A_1073, %broadcast_in_dim3A_27 : vector<16xi32>
        %parallel_loop3A_1075 = tpu.bitcast %parallel_loop3A_1074 : vector<16xi32> -> vector<16xf32>
        %parallel_loop3A_1076 = arith.constant 16 : i32
        %parallel_loop3A_1077 = vector.broadcast %parallel_loop3A_1076 : i32 to vector<16xi32>
        %parallel_loop3A_1078 = arith.shli %parallel_loop3A_1073, %parallel_loop3A_1077 : vector<16xi32>
        %parallel_loop3A_1079 = tpu.bitcast %parallel_loop3A_1078 : vector<16xi32> -> vector<16xf32>
        %parallel_loop3A_1080 = arith.mulf %parallel_loop3A_1069, %parallel_loop3A_1079 : vector<16xf32>
        %parallel_loop3A_1081 = arith.addf %parallel_loop3A_1075, %parallel_loop3A_1080 : vector<16xf32>
        %parallel_loop3A_1082 = arith.constant 0 : i32
        %parallel_loop3A_1083 = arith.addi %parallel_loop3A_1071, %parallel_loop3A_1082 : i32
        %parallel_loop3A_1084 = arith.index_cast %parallel_loop3A_1083 : i32 to index
        %parallel_loop3A_1085 = tpu.vector_load %arg9[%parallel_loop3A_1084] {strides = array<i32>} : memref<32768xf32, #tpu.memory_space<vmem>>, vector<16xf32>,
        tpu.vector_store %arg9[%parallel_loop3A_1084], %parallel_loop3A_1081 {strides = array<i32>} : memref<32768xf32, #tpu.memory_space<vmem>>, vector<16xf32>,
        %parallel_loop3A_1086 = arith.addi %parallel_loop3A_1068, %add3A_8 : vector<16xi32>
        %parallel_loop3A_1087 = tpu.vector_load_idx %arg6[%parallel_loop3A_1086] : memref<6528xi32, #tpu.memory_space<vmem>>[vector<16xi32>], vector<16xi32>,
        %parallel_loop3A_1088 = arith.andi %parallel_loop3A_1087, %broadcast_in_dim3A_27 : vector<16xi32>
        %parallel_loop3A_1089 = tpu.bitcast %parallel_loop3A_1088 : vector<16xi32> -> vector<16xf32>
        %parallel_loop3A_1090 = arith.constant 16 : i32
        %parallel_loop3A_1091 = vector.broadcast %parallel_loop3A_1090 : i32 to vector<16xi32>
        %parallel_loop3A_1092 = arith.shli %parallel_loop3A_1087, %parallel_loop3A_1091 : vector<16xi32>
        %parallel_loop3A_1093 = tpu.bitcast %parallel_loop3A_1092 : vector<16xi32> -> vector<16xf32>
        %parallel_loop3A_1094 = arith.mulf %parallel_loop3A_1069, %parallel_loop3A_1093 : vector<16xf32>
        %parallel_loop3A_1095 = arith.addf %parallel_loop3A_1089, %parallel_loop3A_1094 : vector<16xf32>
        %parallel_loop3A_1096 = arith.constant 16 : i32
        %parallel_loop3A_1097 = arith.addi %parallel_loop3A_1071, %parallel_loop3A_1096 : i32
        %parallel_loop3A_1098 = arith.index_cast %parallel_loop3A_1097 : i32 to index
        %parallel_loop3A_1099 = tpu.vector_load %arg9[%parallel_loop3A_1098] {strides = array<i32>} : memref<32768xf32, #tpu.memory_space<vmem>>, vector<16xf32>,
        tpu.vector_store %arg9[%parallel_loop3A_1098], %parallel_loop3A_1095 {strides = array<i32>} : memref<32768xf32, #tpu.memory_space<vmem>>, vector<16xf32>,
        %parallel_loop3A_1100 = arith.addi %parallel_loop3A_1068, %add3A_11 : vector<16xi32>
        %parallel_loop3A_1101 = tpu.vector_load_idx %arg6[%parallel_loop3A_1100] : memref<6528xi32, #tpu.memory_space<vmem>>[vector<16xi32>], vector<16xi32>,
        %parallel_loop3A_1102 = arith.andi %parallel_loop3A_1101, %broadcast_in_dim3A_27 : vector<16xi32>
        %parallel_loop3A_1103 = tpu.bitcast %parallel_loop3A_1102 : vector<16xi32> -> vector<16xf32>
        %parallel_loop3A_1104 = arith.constant 16 : i32
        %parallel_loop3A_1105 = vector.broadcast %parallel_loop3A_1104 : i32 to vector<16xi32>
        %parallel_loop3A_1106 = arith.shli %parallel_loop3A_1101, %parallel_loop3A_1105 : vector<16xi32>
        %parallel_loop3A_1107 = tpu.bitcast %parallel_loop3A_1106 : vector<16xi32> -> vector<16xf32>
        %parallel_loop3A_1108 = arith.mulf %parallel_loop3A_1069, %parallel_loop3A_1107 : vector<16xf32>
        %parallel_loop3A_1109 = arith.addf %parallel_loop3A_1103, %parallel_loop3A_1108 : vector<16xf32>
        %parallel_loop3A_1110 = arith.constant 32 : i32
        %parallel_loop3A_1111 = arith.addi %parallel_loop3A_1071, %parallel_loop3A_1110 : i32
        %parallel_loop3A_1112 = arith.index_cast %parallel_loop3A_1111 : i32 to index
        %parallel_loop3A_1113 = tpu.vector_load %arg9[%parallel_loop3A_1112] {strides = array<i32>} : memref<32768xf32, #tpu.memory_space<vmem>>, vector<16xf32>,
        tpu.vector_store %arg9[%parallel_loop3A_1112], %parallel_loop3A_1109 {strides = array<i32>} : memref<32768xf32, #tpu.memory_space<vmem>>, vector<16xf32>,
        %parallel_loop3A_1114 = arith.addi %parallel_loop3A_1068, %add3A_14 : vector<16xi32>
        %parallel_loop3A_1115 = tpu.vector_load_idx %arg6[%parallel_loop3A_1114] : memref<6528xi32, #tpu.memory_space<vmem>>[vector<16xi32>], vector<16xi32>,
        %parallel_loop3A_1116 = arith.andi %parallel_loop3A_1115, %broadcast_in_dim3A_27 : vector<16xi32>
        %parallel_loop3A_1117 = tpu.bitcast %parallel_loop3A_1116 : vector<16xi32> -> vector<16xf32>
        %parallel_loop3A_1118 = arith.constant 16 : i32
        %parallel_loop3A_1119 = vector.broadcast %parallel_loop3A_1118 : i32 to vector<16xi32>
        %parallel_loop3A_1120 = arith.shli %parallel_loop3A_1115, %parallel_loop3A_1119 : vector<16xi32>
        %parallel_loop3A_1121 = tpu.bitcast %parallel_loop3A_1120 : vector<16xi32> -> vector<16xf32>
        %parallel_loop3A_1122 = arith.mulf %parallel_loop3A_1069, %parallel_loop3A_1121 : vector<16xf32>
        %parallel_loop3A_1123 = arith.addf %parallel_loop3A_1117, %parallel_loop3A_1122 : vector<16xf32>
        %parallel_loop3A_1124 = arith.constant 48 : i32
        %parallel_loop3A_1125 = arith.addi %parallel_loop3A_1071, %parallel_loop3A_1124 : i32
        %parallel_loop3A_1126 = arith.index_cast %parallel_loop3A_1125 : i32 to index
        %parallel_loop3A_1127 = tpu.vector_load %arg9[%parallel_loop3A_1126] {strides = array<i32>} : memref<32768xf32, #tpu.memory_space<vmem>>, vector<16xf32>,
        tpu.vector_store %arg9[%parallel_loop3A_1126], %parallel_loop3A_1123 {strides = array<i32>} : memref<32768xf32, #tpu.memory_space<vmem>>, vector<16xf32>,
        %parallel_loop3A_1128 = arith.addi %parallel_loop3A_1068, %add3A_17 : vector<16xi32>
        %parallel_loop3A_1129 = tpu.vector_load_idx %arg6[%parallel_loop3A_1128] : memref<6528xi32, #tpu.memory_space<vmem>>[vector<16xi32>], vector<16xi32>,
        %parallel_loop3A_1130 = arith.andi %parallel_loop3A_1129, %broadcast_in_dim3A_27 : vector<16xi32>
        %parallel_loop3A_1131 = tpu.bitcast %parallel_loop3A_1130 : vector<16xi32> -> vector<16xf32>
        %parallel_loop3A_1132 = arith.constant 16 : i32
        %parallel_loop3A_1133 = vector.broadcast %parallel_loop3A_1132 : i32 to vector<16xi32>
        %parallel_loop3A_1134 = arith.shli %parallel_loop3A_1129, %parallel_loop3A_1133 : vector<16xi32>
        %parallel_loop3A_1135 = tpu.bitcast %parallel_loop3A_1134 : vector<16xi32> -> vector<16xf32>
        %parallel_loop3A_1136 = arith.mulf %parallel_loop3A_1069, %parallel_loop3A_1135 : vector<16xf32>
        %parallel_loop3A_1137 = arith.addf %parallel_loop3A_1131, %parallel_loop3A_1136 : vector<16xf32>
        %parallel_loop3A_1138 = arith.constant 64 : i32
        %parallel_loop3A_1139 = arith.addi %parallel_loop3A_1071, %parallel_loop3A_1138 : i32
        %parallel_loop3A_1140 = arith.index_cast %parallel_loop3A_1139 : i32 to index
        %parallel_loop3A_1141 = tpu.vector_load %arg9[%parallel_loop3A_1140] {strides = array<i32>} : memref<32768xf32, #tpu.memory_space<vmem>>, vector<16xf32>,
        tpu.vector_store %arg9[%parallel_loop3A_1140], %parallel_loop3A_1137 {strides = array<i32>} : memref<32768xf32, #tpu.memory_space<vmem>>, vector<16xf32>,
        %parallel_loop3A_1142 = arith.addi %parallel_loop3A_1068, %add3A_20 : vector<16xi32>
        %parallel_loop3A_1143 = tpu.vector_load_idx %arg6[%parallel_loop3A_1142] : memref<6528xi32, #tpu.memory_space<vmem>>[vector<16xi32>], vector<16xi32>,
        %parallel_loop3A_1144 = arith.andi %parallel_loop3A_1143, %broadcast_in_dim3A_27 : vector<16xi32>
        %parallel_loop3A_1145 = tpu.bitcast %parallel_loop3A_1144 : vector<16xi32> -> vector<16xf32>
        %parallel_loop3A_1146 = arith.constant 16 : i32
        %parallel_loop3A_1147 = vector.broadcast %parallel_loop3A_1146 : i32 to vector<16xi32>
        %parallel_loop3A_1148 = arith.shli %parallel_loop3A_1143, %parallel_loop3A_1147 : vector<16xi32>
        %parallel_loop3A_1149 = tpu.bitcast %parallel_loop3A_1148 : vector<16xi32> -> vector<16xf32>
        %parallel_loop3A_1150 = arith.mulf %parallel_loop3A_1069, %parallel_loop3A_1149 : vector<16xf32>
        %parallel_loop3A_1151 = arith.addf %parallel_loop3A_1145, %parallel_loop3A_1150 : vector<16xf32>
        %parallel_loop3A_1152 = arith.constant 80 : i32
        %parallel_loop3A_1153 = arith.addi %parallel_loop3A_1071, %parallel_loop3A_1152 : i32
        %parallel_loop3A_1154 = arith.index_cast %parallel_loop3A_1153 : i32 to index
        %parallel_loop3A_1155 = tpu.vector_load %arg9[%parallel_loop3A_1154] {strides = array<i32>} : memref<32768xf32, #tpu.memory_space<vmem>>, vector<16xf32>,
        tpu.vector_store %arg9[%parallel_loop3A_1154], %parallel_loop3A_1151 {strides = array<i32>} : memref<32768xf32, #tpu.memory_space<vmem>>, vector<16xf32>,
        %parallel_loop3A_1156 = arith.addi %parallel_loop3A_1068, %add3A_23 : vector<16xi32>
        %parallel_loop3A_1157 = tpu.vector_load_idx %arg6[%parallel_loop3A_1156] : memref<6528xi32, #tpu.memory_space<vmem>>[vector<16xi32>], vector<16xi32>,
        %parallel_loop3A_1158 = arith.andi %parallel_loop3A_1157, %broadcast_in_dim3A_27 : vector<16xi32>
        %parallel_loop3A_1159 = tpu.bitcast %parallel_loop3A_1158 : vector<16xi32> -> vector<16xf32>
        %parallel_loop3A_1160 = arith.constant 16 : i32
        %parallel_loop3A_1161 = vector.broadcast %parallel_loop3A_1160 : i32 to vector<16xi32>
        %parallel_loop3A_1162 = arith.shli %parallel_loop3A_1157, %parallel_loop3A_1161 : vector<16xi32>
        %parallel_loop3A_1163 = tpu.bitcast %parallel_loop3A_1162 : vector<16xi32> -> vector<16xf32>
        %parallel_loop3A_1164 = arith.mulf %parallel_loop3A_1069, %parallel_loop3A_1163 : vector<16xf32>
        %parallel_loop3A_1165 = arith.addf %parallel_loop3A_1159, %parallel_loop3A_1164 : vector<16xf32>
        %parallel_loop3A_1166 = arith.constant 96 : i32
        %parallel_loop3A_1167 = arith.addi %parallel_loop3A_1071, %parallel_loop3A_1166 : i32
        %parallel_loop3A_1168 = arith.index_cast %parallel_loop3A_1167 : i32 to index
        %parallel_loop3A_1169 = tpu.vector_load %arg9[%parallel_loop3A_1168] {strides = array<i32>} : memref<32768xf32, #tpu.memory_space<vmem>>, vector<16xf32>,
        tpu.vector_store %arg9[%parallel_loop3A_1168], %parallel_loop3A_1165 {strides = array<i32>} : memref<32768xf32, #tpu.memory_space<vmem>>, vector<16xf32>,
        %parallel_loop3A_1170 = arith.addi %parallel_loop3A_1068, %add3A_26 : vector<16xi32>
        %parallel_loop3A_1171 = tpu.vector_load_idx %arg6[%parallel_loop3A_1170] : memref<6528xi32, #tpu.memory_space<vmem>>[vector<16xi32>], vector<16xi32>,
        %parallel_loop3A_1172 = arith.andi %parallel_loop3A_1171, %broadcast_in_dim3A_27 : vector<16xi32>
        %parallel_loop3A_1173 = tpu.bitcast %parallel_loop3A_1172 : vector<16xi32> -> vector<16xf32>
        %parallel_loop3A_1174 = arith.constant 16 : i32
        %parallel_loop3A_1175 = vector.broadcast %parallel_loop3A_1174 : i32 to vector<16xi32>
        %parallel_loop3A_1176 = arith.shli %parallel_loop3A_1171, %parallel_loop3A_1175 : vector<16xi32>
        %parallel_loop3A_1177 = tpu.bitcast %parallel_loop3A_1176 : vector<16xi32> -> vector<16xf32>
        %parallel_loop3A_1178 = arith.mulf %parallel_loop3A_1069, %parallel_loop3A_1177 : vector<16xf32>
        %parallel_loop3A_1179 = arith.addf %parallel_loop3A_1173, %parallel_loop3A_1178 : vector<16xf32>
        %parallel_loop3A_1180 = arith.constant 112 : i32
        %parallel_loop3A_1181 = arith.addi %parallel_loop3A_1071, %parallel_loop3A_1180 : i32
        %parallel_loop3A_1182 = arith.index_cast %parallel_loop3A_1181 : i32 to index
        %parallel_loop3A_1183 = tpu.vector_load %arg9[%parallel_loop3A_1182] {strides = array<i32>} : memref<32768xf32, #tpu.memory_space<vmem>>, vector<16xf32>,
        tpu.vector_store %arg9[%parallel_loop3A_1182], %parallel_loop3A_1179 {strides = array<i32>} : memref<32768xf32, #tpu.memory_space<vmem>>, vector<16xf32>,
      } {sc.loop_unroll_factor = 8 : i64, sc.parallel_access}
      %mul3A_543 = arith.constant 256 : i32
      %mul3A_544 = arith.muli %mul3A_46, %mul3A_543 : i32
      %add3A_545 = arith.addi %mul3A_2, %mul3A_544 : i32
      %mul3A_546 = arith.constant 128 : i32
      %mul3A_547 = arith.muli %add3A_545, %mul3A_546 : i32
      %dma_start3A = tpu.memref_slice %arg4[%mul3A_547] : memref<104857600xf32, #tpu.memory_space<hbm>> -> memref<32768xf32, #tpu.memory_space<hbm>>
      %dma_start3A_548 = tpu.memref_slice %arg4[%mul3A_547] : memref<104857600xf32, #tpu.memory_space<hbm>> -> memref<32768xf32, #tpu.memory_space<hbm>>
      tpu.enqueue_dma source(%arg9 : memref<32768xf32, #tpu.memory_space<vmem>>) target(%dma_start3A_548 : memref<32768xf32, #tpu.memory_space<hbm>>) target_semaphore(%arg11 : memref<!tpu.dma_semaphore, #tpu.memory_space<semaphore_mem>>)
      %gt3A_549 = arith.constant 0 : i32
      %gt3A_550 = arith.cmpi sgt, %scan3A_44, %gt3A_549 : i32
      %convert_element_type3A_551 = arith.extui %gt3A_550 : i1 to i32
      %cond3A_552 = arith.constant 0 : i32
      %cond3A_553 = arith.cmpi ne, %convert_element_type3A_551, %cond3A_552 : i32
      scf.if %cond3A_553 {
        %add3A_1066 = arith.constant 0 : i32
        %add3A_1067 = arith.addi %mul3A_2, %add3A_1066 : i32
        %mul3A_1068 = arith.constant 128 : i32
        %mul3A_1069 = arith.muli %add3A_1067, %mul3A_1068 : i32
        %dma_wait3A_1070 = tpu.memref_slice %arg4[%mul3A_1069] : memref<104857600xf32, #tpu.memory_space<hbm>> -> memref<32768xf32, #tpu.memory_space<hbm>>
        %dma_wait3A_1071 = tpu.memref_slice %arg4[%mul3A_1069] : memref<104857600xf32, #tpu.memory_space<hbm>> -> memref<32768xf32, #tpu.memory_space<hbm>>
        tpu.wait_dma2 semaphore(%arg12 : memref<!tpu.dma_semaphore, #tpu.memory_space<semaphore_mem>>) src(%arg10 : memref<32768xf32, #tpu.memory_space<vmem>>) dst(%dma_wait3A_1071 : memref<32768xf32, #tpu.memory_space<hbm>>)
      } else {
      }
      %add3A_554 = arith.constant 1 : i32
      %add3A_555 = arith.addi %mul3A_46, %add3A_554 : i32
      %scan3A_556 = arith.constant 0 : i32
      %scan3A_557 = arith.constant 0 : i32
      %mul3A_558 = arith.constant 256 : i32
      %mul3A_559 = arith.muli %add3A_555, %mul3A_558 : i32
      %mul3A_560 = arith.constant 16 : i32
      %mul3A_561 = arith.muli %scan3A_557, %mul3A_560 : i32
      %add3A_562 = arith.addi %mul3A_559, %mul3A_561 : i32
      %get3A_563 = arith.index_cast %add3A_562 : i32 to index
      %get3A_564 = tpu.vector_load %arg5[%get3A_563] {strides = array<i32>} : memref<25600xf32, #tpu.memory_space<vmem>>, vector<16xf32>,
      %mul3A_565 = arith.constant 5.100000e+01 : f32
      %mul3A_566 = vector.broadcast %mul3A_565 : f32 to vector<16xf32>
      %mul3A_567 = arith.mulf %get3A_564, %mul3A_566 : vector<16xf32>
      %jit3A_568 = arith.constant 0.000000e+00 : f32
      %jit3A_569 = arith.constant 5.000000e+01 : f32
      %max3A_570 = vector.broadcast %jit3A_568 : f32 to vector<16xf32>
      %max3A_571 = arith.maximumf %max3A_570, %mul3A_567 : vector<16xf32>
      %min3A_572 = vector.broadcast %jit3A_569 : f32 to vector<16xf32>
      %min3A_573 = arith.minimumf %min3A_572, %max3A_571 : vector<16xf32>
      %convert_element_type3A_574 = arith.fptosi %min3A_573 : vector<16xf32> to vector<16xi32>
      %convert_element_type3A_575 = arith.sitofp %convert_element_type3A_574 : vector<16xi32> to vector<16xf32>
      %sub3A_576 = arith.subf %min3A_573, %convert_element_type3A_575 : vector<16xf32>
      %mul3A_577 = arith.constant 128 : i32
      %mul3A_578 = vector.broadcast %mul3A_577 : i32 to vector<16xi32>
      %mul3A_579 = arith.muli %convert_element_type3A_574, %mul3A_578 : vector<16xi32>
      %mul3A_580 = arith.constant 16 : i32
      %mul3A_581 = arith.muli %scan3A_557, %mul3A_580 : i32
      %swap3A_582 = arith.index_cast %mul3A_581 : i32 to index
      %swap3A_583 = tpu.vector_load %arg7[%swap3A_582] {strides = array<i32>} : memref<256xi32, #tpu.memory_space<vmem>>, vector<16xi32>,
      tpu.vector_store %arg7[%swap3A_582], %mul3A_579 {strides = array<i32>} : memref<256xi32, #tpu.memory_space<vmem>>, vector<16xi32>,
      %mul3A_584 = arith.constant 16 : i32
      %mul3A_585 = arith.muli %scan3A_557, %mul3A_584 : i32
      %swap3A_586 = arith.index_cast %mul3A_585 : i32 to index
      %swap3A_587 = tpu.vector_load %arg8[%swap3A_586] {strides = array<i32>} : memref<256xf32, #tpu.memory_space<vmem>>, vector<16xf32>,
      tpu.vector_store %arg8[%swap3A_586], %sub3A_576 {strides = array<i32>} : memref<256xf32, #tpu.memory_space<vmem>>, vector<16xf32>,
      %scan3A_588 = arith.constant 1 : i32
      %mul3A_589 = arith.constant 256 : i32
      %mul3A_590 = arith.muli %add3A_555, %mul3A_589 : i32
      %mul3A_591 = arith.constant 16 : i32
      %mul3A_592 = arith.muli %scan3A_588, %mul3A_591 : i32
      %add3A_593 = arith.addi %mul3A_590, %mul3A_592 : i32
      %get3A_594 = arith.index_cast %add3A_593 : i32 to index
      %get3A_595 = tpu.vector_load %arg5[%get3A_594] {strides = array<i32>} : memref<25600xf32, #tpu.memory_space<vmem>>, vector<16xf32>,
      %mul3A_596 = arith.constant 5.100000e+01 : f32
      %mul3A_597 = vector.broadcast %mul3A_596 : f32 to vector<16xf32>
      %mul3A_598 = arith.mulf %get3A_595, %mul3A_597 : vector<16xf32>
      %jit3A_599 = arith.constant 0.000000e+00 : f32
      %jit3A_600 = arith.constant 5.000000e+01 : f32
      %max3A_601 = vector.broadcast %jit3A_599 : f32 to vector<16xf32>
      %max3A_602 = arith.maximumf %max3A_601, %mul3A_598 : vector<16xf32>
      %min3A_603 = vector.broadcast %jit3A_600 : f32 to vector<16xf32>
      %min3A_604 = arith.minimumf %min3A_603, %max3A_602 : vector<16xf32>
      %convert_element_type3A_605 = arith.fptosi %min3A_604 : vector<16xf32> to vector<16xi32>
      %convert_element_type3A_606 = arith.sitofp %convert_element_type3A_605 : vector<16xi32> to vector<16xf32>
      %sub3A_607 = arith.subf %min3A_604, %convert_element_type3A_606 : vector<16xf32>
      %mul3A_608 = arith.constant 128 : i32
      %mul3A_609 = vector.broadcast %mul3A_608 : i32 to vector<16xi32>
      %mul3A_610 = arith.muli %convert_element_type3A_605, %mul3A_609 : vector<16xi32>
      %mul3A_611 = arith.constant 16 : i32
      %mul3A_612 = arith.muli %scan3A_588, %mul3A_611 : i32
      %swap3A_613 = arith.index_cast %mul3A_612 : i32 to index
      %swap3A_614 = tpu.vector_load %arg7[%swap3A_613] {strides = array<i32>} : memref<256xi32, #tpu.memory_space<vmem>>, vector<16xi32>,
      tpu.vector_store %arg7[%swap3A_613], %mul3A_610 {strides = array<i32>} : memref<256xi32, #tpu.memory_space<vmem>>, vector<16xi32>,
      %mul3A_615 = arith.constant 16 : i32
      %mul3A_616 = arith.muli %scan3A_588, %mul3A_615 : i32
      %swap3A_617 = arith.index_cast %mul3A_616 : i32 to index
      %swap3A_618 = tpu.vector_load %arg8[%swap3A_617] {strides = array<i32>} : memref<256xf32, #tpu.memory_space<vmem>>, vector<16xf32>,
      tpu.vector_store %arg8[%swap3A_617], %sub3A_607 {strides = array<i32>} : memref<256xf32, #tpu.memory_space<vmem>>, vector<16xf32>,
      %scan3A_619 = arith.constant 2 : i32
      %mul3A_620 = arith.constant 256 : i32
      %mul3A_621 = arith.muli %add3A_555, %mul3A_620 : i32
      %mul3A_622 = arith.constant 16 : i32
      %mul3A_623 = arith.muli %scan3A_619, %mul3A_622 : i32
      %add3A_624 = arith.addi %mul3A_621, %mul3A_623 : i32
      %get3A_625 = arith.index_cast %add3A_624 : i32 to index
      %get3A_626 = tpu.vector_load %arg5[%get3A_625] {strides = array<i32>} : memref<25600xf32, #tpu.memory_space<vmem>>, vector<16xf32>,
      %mul3A_627 = arith.constant 5.100000e+01 : f32
      %mul3A_628 = vector.broadcast %mul3A_627 : f32 to vector<16xf32>
      %mul3A_629 = arith.mulf %get3A_626, %mul3A_628 : vector<16xf32>
      %jit3A_630 = arith.constant 0.000000e+00 : f32
      %jit3A_631 = arith.constant 5.000000e+01 : f32
      %max3A_632 = vector.broadcast %jit3A_630 : f32 to vector<16xf32>
      %max3A_633 = arith.maximumf %max3A_632, %mul3A_629 : vector<16xf32>
      %min3A_634 = vector.broadcast %jit3A_631 : f32 to vector<16xf32>
      %min3A_635 = arith.minimumf %min3A_634, %max3A_633 : vector<16xf32>
      %convert_element_type3A_636 = arith.fptosi %min3A_635 : vector<16xf32> to vector<16xi32>
      %convert_element_type3A_637 = arith.sitofp %convert_element_type3A_636 : vector<16xi32> to vector<16xf32>
      %sub3A_638 = arith.subf %min3A_635, %convert_element_type3A_637 : vector<16xf32>
      %mul3A_639 = arith.constant 128 : i32
      %mul3A_640 = vector.broadcast %mul3A_639 : i32 to vector<16xi32>
      %mul3A_641 = arith.muli %convert_element_type3A_636, %mul3A_640 : vector<16xi32>
      %mul3A_642 = arith.constant 16 : i32
      %mul3A_643 = arith.muli %scan3A_619, %mul3A_642 : i32
      %swap3A_644 = arith.index_cast %mul3A_643 : i32 to index
      %swap3A_645 = tpu.vector_load %arg7[%swap3A_644] {strides = array<i32>} : memref<256xi32, #tpu.memory_space<vmem>>, vector<16xi32>,
      tpu.vector_store %arg7[%swap3A_644], %mul3A_641 {strides = array<i32>} : memref<256xi32, #tpu.memory_space<vmem>>, vector<16xi32>,
      %mul3A_646 = arith.constant 16 : i32
      %mul3A_647 = arith.muli %scan3A_619, %mul3A_646 : i32
      %swap3A_648 = arith.index_cast %mul3A_647 : i32 to index
      %swap3A_649 = tpu.vector_load %arg8[%swap3A_648] {strides = array<i32>} : memref<256xf32, #tpu.memory_space<vmem>>, vector<16xf32>,
      tpu.vector_store %arg8[%swap3A_648], %sub3A_638 {strides = array<i32>} : memref<256xf32, #tpu.memory_space<vmem>>, vector<16xf32>,
      %scan3A_650 = arith.constant 3 : i32
      %mul3A_651 = arith.constant 256 : i32
      %mul3A_652 = arith.muli %add3A_555, %mul3A_651 : i32
      %mul3A_653 = arith.constant 16 : i32
      %mul3A_654 = arith.muli %scan3A_650, %mul3A_653 : i32
      %add3A_655 = arith.addi %mul3A_652, %mul3A_654 : i32
      %get3A_656 = arith.index_cast %add3A_655 : i32 to index
      %get3A_657 = tpu.vector_load %arg5[%get3A_656] {strides = array<i32>} : memref<25600xf32, #tpu.memory_space<vmem>>, vector<16xf32>,
      %mul3A_658 = arith.constant 5.100000e+01 : f32
      %mul3A_659 = vector.broadcast %mul3A_658 : f32 to vector<16xf32>
      %mul3A_660 = arith.mulf %get3A_657, %mul3A_659 : vector<16xf32>
      %jit3A_661 = arith.constant 0.000000e+00 : f32
      %jit3A_662 = arith.constant 5.000000e+01 : f32
      %max3A_663 = vector.broadcast %jit3A_661 : f32 to vector<16xf32>
      %max3A_664 = arith.maximumf %max3A_663, %mul3A_660 : vector<16xf32>
      %min3A_665 = vector.broadcast %jit3A_662 : f32 to vector<16xf32>
      %min3A_666 = arith.minimumf %min3A_665, %max3A_664 : vector<16xf32>
      %convert_element_type3A_667 = arith.fptosi %min3A_666 : vector<16xf32> to vector<16xi32>
      %convert_element_type3A_668 = arith.sitofp %convert_element_type3A_667 : vector<16xi32> to vector<16xf32>
      %sub3A_669 = arith.subf %min3A_666, %convert_element_type3A_668 : vector<16xf32>
      %mul3A_670 = arith.constant 128 : i32
      %mul3A_671 = vector.broadcast %mul3A_670 : i32 to vector<16xi32>
      %mul3A_672 = arith.muli %convert_element_type3A_667, %mul3A_671 : vector<16xi32>
      %mul3A_673 = arith.constant 16 : i32
      %mul3A_674 = arith.muli %scan3A_650, %mul3A_673 : i32
      %swap3A_675 = arith.index_cast %mul3A_674 : i32 to index
      %swap3A_676 = tpu.vector_load %arg7[%swap3A_675] {strides = array<i32>} : memref<256xi32, #tpu.memory_space<vmem>>, vector<16xi32>,
      tpu.vector_store %arg7[%swap3A_675], %mul3A_672 {strides = array<i32>} : memref<256xi32, #tpu.memory_space<vmem>>, vector<16xi32>,
      %mul3A_677 = arith.constant 16 : i32
      %mul3A_678 = arith.muli %scan3A_650, %mul3A_677 : i32
      %swap3A_679 = arith.index_cast %mul3A_678 : i32 to index
      %swap3A_680 = tpu.vector_load %arg8[%swap3A_679] {strides = array<i32>} : memref<256xf32, #tpu.memory_space<vmem>>, vector<16xf32>,
      tpu.vector_store %arg8[%swap3A_679], %sub3A_669 {strides = array<i32>} : memref<256xf32, #tpu.memory_space<vmem>>, vector<16xf32>,
      %scan3A_681 = arith.constant 4 : i32
      %mul3A_682 = arith.constant 256 : i32
      %mul3A_683 = arith.muli %add3A_555, %mul3A_682 : i32
      %mul3A_684 = arith.constant 16 : i32
      %mul3A_685 = arith.muli %scan3A_681, %mul3A_684 : i32
      %add3A_686 = arith.addi %mul3A_683, %mul3A_685 : i32
      %get3A_687 = arith.index_cast %add3A_686 : i32 to index
      %get3A_688 = tpu.vector_load %arg5[%get3A_687] {strides = array<i32>} : memref<25600xf32, #tpu.memory_space<vmem>>, vector<16xf32>,
      %mul3A_689 = arith.constant 5.100000e+01 : f32
      %mul3A_690 = vector.broadcast %mul3A_689 : f32 to vector<16xf32>
      %mul3A_691 = arith.mulf %get3A_688, %mul3A_690 : vector<16xf32>
      %jit3A_692 = arith.constant 0.000000e+00 : f32
      %jit3A_693 = arith.constant 5.000000e+01 : f32
      %max3A_694 = vector.broadcast %jit3A_692 : f32 to vector<16xf32>
      %max3A_695 = arith.maximumf %max3A_694, %mul3A_691 : vector<16xf32>
      %min3A_696 = vector.broadcast %jit3A_693 : f32 to vector<16xf32>
      %min3A_697 = arith.minimumf %min3A_696, %max3A_695 : vector<16xf32>
      %convert_element_type3A_698 = arith.fptosi %min3A_697 : vector<16xf32> to vector<16xi32>
      %convert_element_type3A_699 = arith.sitofp %convert_element_type3A_698 : vector<16xi32> to vector<16xf32>
      %sub3A_700 = arith.subf %min3A_697, %convert_element_type3A_699 : vector<16xf32>
      %mul3A_701 = arith.constant 128 : i32
      %mul3A_702 = vector.broadcast %mul3A_701 : i32 to vector<16xi32>
      %mul3A_703 = arith.muli %convert_element_type3A_698, %mul3A_702 : vector<16xi32>
      %mul3A_704 = arith.constant 16 : i32
      %mul3A_705 = arith.muli %scan3A_681, %mul3A_704 : i32
      %swap3A_706 = arith.index_cast %mul3A_705 : i32 to index
      %swap3A_707 = tpu.vector_load %arg7[%swap3A_706] {strides = array<i32>} : memref<256xi32, #tpu.memory_space<vmem>>, vector<16xi32>,
      tpu.vector_store %arg7[%swap3A_706], %mul3A_703 {strides = array<i32>} : memref<256xi32, #tpu.memory_space<vmem>>, vector<16xi32>,
      %mul3A_708 = arith.constant 16 : i32
      %mul3A_709 = arith.muli %scan3A_681, %mul3A_708 : i32
      %swap3A_710 = arith.index_cast %mul3A_709 : i32 to index
      %swap3A_711 = tpu.vector_load %arg8[%swap3A_710] {strides = array<i32>} : memref<256xf32, #tpu.memory_space<vmem>>, vector<16xf32>,
      tpu.vector_store %arg8[%swap3A_710], %sub3A_700 {strides = array<i32>} : memref<256xf32, #tpu.memory_space<vmem>>, vector<16xf32>,
      %scan3A_712 = arith.constant 5 : i32
      %mul3A_713 = arith.constant 256 : i32
      %mul3A_714 = arith.muli %add3A_555, %mul3A_713 : i32
      %mul3A_715 = arith.constant 16 : i32
      %mul3A_716 = arith.muli %scan3A_712, %mul3A_715 : i32
      %add3A_717 = arith.addi %mul3A_714, %mul3A_716 : i32
      %get3A_718 = arith.index_cast %add3A_717 : i32 to index
      %get3A_719 = tpu.vector_load %arg5[%get3A_718] {strides = array<i32>} : memref<25600xf32, #tpu.memory_space<vmem>>, vector<16xf32>,
      %mul3A_720 = arith.constant 5.100000e+01 : f32
      %mul3A_721 = vector.broadcast %mul3A_720 : f32 to vector<16xf32>
      %mul3A_722 = arith.mulf %get3A_719, %mul3A_721 : vector<16xf32>
      %jit3A_723 = arith.constant 0.000000e+00 : f32
      %jit3A_724 = arith.constant 5.000000e+01 : f32
      %max3A_725 = vector.broadcast %jit3A_723 : f32 to vector<16xf32>
      %max3A_726 = arith.maximumf %max3A_725, %mul3A_722 : vector<16xf32>
      %min3A_727 = vector.broadcast %jit3A_724 : f32 to vector<16xf32>
      %min3A_728 = arith.minimumf %min3A_727, %max3A_726 : vector<16xf32>
      %convert_element_type3A_729 = arith.fptosi %min3A_728 : vector<16xf32> to vector<16xi32>
      %convert_element_type3A_730 = arith.sitofp %convert_element_type3A_729 : vector<16xi32> to vector<16xf32>
      %sub3A_731 = arith.subf %min3A_728, %convert_element_type3A_730 : vector<16xf32>
      %mul3A_732 = arith.constant 128 : i32
      %mul3A_733 = vector.broadcast %mul3A_732 : i32 to vector<16xi32>
      %mul3A_734 = arith.muli %convert_element_type3A_729, %mul3A_733 : vector<16xi32>
      %mul3A_735 = arith.constant 16 : i32
      %mul3A_736 = arith.muli %scan3A_712, %mul3A_735 : i32
      %swap3A_737 = arith.index_cast %mul3A_736 : i32 to index
      %swap3A_738 = tpu.vector_load %arg7[%swap3A_737] {strides = array<i32>} : memref<256xi32, #tpu.memory_space<vmem>>, vector<16xi32>,
      tpu.vector_store %arg7[%swap3A_737], %mul3A_734 {strides = array<i32>} : memref<256xi32, #tpu.memory_space<vmem>>, vector<16xi32>,
      %mul3A_739 = arith.constant 16 : i32
      %mul3A_740 = arith.muli %scan3A_712, %mul3A_739 : i32
      %swap3A_741 = arith.index_cast %mul3A_740 : i32 to index
      %swap3A_742 = tpu.vector_load %arg8[%swap3A_741] {strides = array<i32>} : memref<256xf32, #tpu.memory_space<vmem>>, vector<16xf32>,
      tpu.vector_store %arg8[%swap3A_741], %sub3A_731 {strides = array<i32>} : memref<256xf32, #tpu.memory_space<vmem>>, vector<16xf32>,
      %scan3A_743 = arith.constant 6 : i32
      %mul3A_744 = arith.constant 256 : i32
      %mul3A_745 = arith.muli %add3A_555, %mul3A_744 : i32
      %mul3A_746 = arith.constant 16 : i32
      %mul3A_747 = arith.muli %scan3A_743, %mul3A_746 : i32
      %add3A_748 = arith.addi %mul3A_745, %mul3A_747 : i32
      %get3A_749 = arith.index_cast %add3A_748 : i32 to index
      %get3A_750 = tpu.vector_load %arg5[%get3A_749] {strides = array<i32>} : memref<25600xf32, #tpu.memory_space<vmem>>, vector<16xf32>,
      %mul3A_751 = arith.constant 5.100000e+01 : f32
      %mul3A_752 = vector.broadcast %mul3A_751 : f32 to vector<16xf32>
      %mul3A_753 = arith.mulf %get3A_750, %mul3A_752 : vector<16xf32>
      %jit3A_754 = arith.constant 0.000000e+00 : f32
      %jit3A_755 = arith.constant 5.000000e+01 : f32
      %max3A_756 = vector.broadcast %jit3A_754 : f32 to vector<16xf32>
      %max3A_757 = arith.maximumf %max3A_756, %mul3A_753 : vector<16xf32>
      %min3A_758 = vector.broadcast %jit3A_755 : f32 to vector<16xf32>
      %min3A_759 = arith.minimumf %min3A_758, %max3A_757 : vector<16xf32>
      %convert_element_type3A_760 = arith.fptosi %min3A_759 : vector<16xf32> to vector<16xi32>
      %convert_element_type3A_761 = arith.sitofp %convert_element_type3A_760 : vector<16xi32> to vector<16xf32>
      %sub3A_762 = arith.subf %min3A_759, %convert_element_type3A_761 : vector<16xf32>
      %mul3A_763 = arith.constant 128 : i32
      %mul3A_764 = vector.broadcast %mul3A_763 : i32 to vector<16xi32>
      %mul3A_765 = arith.muli %convert_element_type3A_760, %mul3A_764 : vector<16xi32>
      %mul3A_766 = arith.constant 16 : i32
      %mul3A_767 = arith.muli %scan3A_743, %mul3A_766 : i32
      %swap3A_768 = arith.index_cast %mul3A_767 : i32 to index
      %swap3A_769 = tpu.vector_load %arg7[%swap3A_768] {strides = array<i32>} : memref<256xi32, #tpu.memory_space<vmem>>, vector<16xi32>,
      tpu.vector_store %arg7[%swap3A_768], %mul3A_765 {strides = array<i32>} : memref<256xi32, #tpu.memory_space<vmem>>, vector<16xi32>,
      %mul3A_770 = arith.constant 16 : i32
      %mul3A_771 = arith.muli %scan3A_743, %mul3A_770 : i32
      %swap3A_772 = arith.index_cast %mul3A_771 : i32 to index
      %swap3A_773 = tpu.vector_load %arg8[%swap3A_772] {strides = array<i32>} : memref<256xf32, #tpu.memory_space<vmem>>, vector<16xf32>,
      tpu.vector_store %arg8[%swap3A_772], %sub3A_762 {strides = array<i32>} : memref<256xf32, #tpu.memory_space<vmem>>, vector<16xf32>,
      %scan3A_774 = arith.constant 7 : i32
      %mul3A_775 = arith.constant 256 : i32
      %mul3A_776 = arith.muli %add3A_555, %mul3A_775 : i32
      %mul3A_777 = arith.constant 16 : i32
      %mul3A_778 = arith.muli %scan3A_774, %mul3A_777 : i32
      %add3A_779 = arith.addi %mul3A_776, %mul3A_778 : i32
      %get3A_780 = arith.index_cast %add3A_779 : i32 to index
      %get3A_781 = tpu.vector_load %arg5[%get3A_780] {strides = array<i32>} : memref<25600xf32, #tpu.memory_space<vmem>>, vector<16xf32>,
      %mul3A_782 = arith.constant 5.100000e+01 : f32
      %mul3A_783 = vector.broadcast %mul3A_782 : f32 to vector<16xf32>
      %mul3A_784 = arith.mulf %get3A_781, %mul3A_783 : vector<16xf32>
      %jit3A_785 = arith.constant 0.000000e+00 : f32
      %jit3A_786 = arith.constant 5.000000e+01 : f32
      %max3A_787 = vector.broadcast %jit3A_785 : f32 to vector<16xf32>
      %max3A_788 = arith.maximumf %max3A_787, %mul3A_784 : vector<16xf32>
      %min3A_789 = vector.broadcast %jit3A_786 : f32 to vector<16xf32>
      %min3A_790 = arith.minimumf %min3A_789, %max3A_788 : vector<16xf32>
      %convert_element_type3A_791 = arith.fptosi %min3A_790 : vector<16xf32> to vector<16xi32>
      %convert_element_type3A_792 = arith.sitofp %convert_element_type3A_791 : vector<16xi32> to vector<16xf32>
      %sub3A_793 = arith.subf %min3A_790, %convert_element_type3A_792 : vector<16xf32>
      %mul3A_794 = arith.constant 128 : i32
      %mul3A_795 = vector.broadcast %mul3A_794 : i32 to vector<16xi32>
      %mul3A_796 = arith.muli %convert_element_type3A_791, %mul3A_795 : vector<16xi32>
      %mul3A_797 = arith.constant 16 : i32
      %mul3A_798 = arith.muli %scan3A_774, %mul3A_797 : i32
      %swap3A_799 = arith.index_cast %mul3A_798 : i32 to index
      %swap3A_800 = tpu.vector_load %arg7[%swap3A_799] {strides = array<i32>} : memref<256xi32, #tpu.memory_space<vmem>>, vector<16xi32>,
      tpu.vector_store %arg7[%swap3A_799], %mul3A_796 {strides = array<i32>} : memref<256xi32, #tpu.memory_space<vmem>>, vector<16xi32>,
      %mul3A_801 = arith.constant 16 : i32
      %mul3A_802 = arith.muli %scan3A_774, %mul3A_801 : i32
      %swap3A_803 = arith.index_cast %mul3A_802 : i32 to index
      %swap3A_804 = tpu.vector_load %arg8[%swap3A_803] {strides = array<i32>} : memref<256xf32, #tpu.memory_space<vmem>>, vector<16xf32>,
      tpu.vector_store %arg8[%swap3A_803], %sub3A_793 {strides = array<i32>} : memref<256xf32, #tpu.memory_space<vmem>>, vector<16xf32>,
      %scan3A_805 = arith.constant 8 : i32
      %mul3A_806 = arith.constant 256 : i32
      %mul3A_807 = arith.muli %add3A_555, %mul3A_806 : i32
      %mul3A_808 = arith.constant 16 : i32
      %mul3A_809 = arith.muli %scan3A_805, %mul3A_808 : i32
      %add3A_810 = arith.addi %mul3A_807, %mul3A_809 : i32
      %get3A_811 = arith.index_cast %add3A_810 : i32 to index
      %get3A_812 = tpu.vector_load %arg5[%get3A_811] {strides = array<i32>} : memref<25600xf32, #tpu.memory_space<vmem>>, vector<16xf32>,
      %mul3A_813 = arith.constant 5.100000e+01 : f32
      %mul3A_814 = vector.broadcast %mul3A_813 : f32 to vector<16xf32>
      %mul3A_815 = arith.mulf %get3A_812, %mul3A_814 : vector<16xf32>
      %jit3A_816 = arith.constant 0.000000e+00 : f32
      %jit3A_817 = arith.constant 5.000000e+01 : f32
      %max3A_818 = vector.broadcast %jit3A_816 : f32 to vector<16xf32>
      %max3A_819 = arith.maximumf %max3A_818, %mul3A_815 : vector<16xf32>
      %min3A_820 = vector.broadcast %jit3A_817 : f32 to vector<16xf32>
      %min3A_821 = arith.minimumf %min3A_820, %max3A_819 : vector<16xf32>
      %convert_element_type3A_822 = arith.fptosi %min3A_821 : vector<16xf32> to vector<16xi32>
      %convert_element_type3A_823 = arith.sitofp %convert_element_type3A_822 : vector<16xi32> to vector<16xf32>
      %sub3A_824 = arith.subf %min3A_821, %convert_element_type3A_823 : vector<16xf32>
      %mul3A_825 = arith.constant 128 : i32
      %mul3A_826 = vector.broadcast %mul3A_825 : i32 to vector<16xi32>
      %mul3A_827 = arith.muli %convert_element_type3A_822, %mul3A_826 : vector<16xi32>
      %mul3A_828 = arith.constant 16 : i32
      %mul3A_829 = arith.muli %scan3A_805, %mul3A_828 : i32
      %swap3A_830 = arith.index_cast %mul3A_829 : i32 to index
      %swap3A_831 = tpu.vector_load %arg7[%swap3A_830] {strides = array<i32>} : memref<256xi32, #tpu.memory_space<vmem>>, vector<16xi32>,
      tpu.vector_store %arg7[%swap3A_830], %mul3A_827 {strides = array<i32>} : memref<256xi32, #tpu.memory_space<vmem>>, vector<16xi32>,
      %mul3A_832 = arith.constant 16 : i32
      %mul3A_833 = arith.muli %scan3A_805, %mul3A_832 : i32
      %swap3A_834 = arith.index_cast %mul3A_833 : i32 to index
      %swap3A_835 = tpu.vector_load %arg8[%swap3A_834] {strides = array<i32>} : memref<256xf32, #tpu.memory_space<vmem>>, vector<16xf32>,
      tpu.vector_store %arg8[%swap3A_834], %sub3A_824 {strides = array<i32>} : memref<256xf32, #tpu.memory_space<vmem>>, vector<16xf32>,
      %scan3A_836 = arith.constant 9 : i32
      %mul3A_837 = arith.constant 256 : i32
      %mul3A_838 = arith.muli %add3A_555, %mul3A_837 : i32
      %mul3A_839 = arith.constant 16 : i32
      %mul3A_840 = arith.muli %scan3A_836, %mul3A_839 : i32
      %add3A_841 = arith.addi %mul3A_838, %mul3A_840 : i32
      %get3A_842 = arith.index_cast %add3A_841 : i32 to index
      %get3A_843 = tpu.vector_load %arg5[%get3A_842] {strides = array<i32>} : memref<25600xf32, #tpu.memory_space<vmem>>, vector<16xf32>,
      %mul3A_844 = arith.constant 5.100000e+01 : f32
      %mul3A_845 = vector.broadcast %mul3A_844 : f32 to vector<16xf32>
      %mul3A_846 = arith.mulf %get3A_843, %mul3A_845 : vector<16xf32>
      %jit3A_847 = arith.constant 0.000000e+00 : f32
      %jit3A_848 = arith.constant 5.000000e+01 : f32
      %max3A_849 = vector.broadcast %jit3A_847 : f32 to vector<16xf32>
      %max3A_850 = arith.maximumf %max3A_849, %mul3A_846 : vector<16xf32>
      %min3A_851 = vector.broadcast %jit3A_848 : f32 to vector<16xf32>
      %min3A_852 = arith.minimumf %min3A_851, %max3A_850 : vector<16xf32>
      %convert_element_type3A_853 = arith.fptosi %min3A_852 : vector<16xf32> to vector<16xi32>
      %convert_element_type3A_854 = arith.sitofp %convert_element_type3A_853 : vector<16xi32> to vector<16xf32>
      %sub3A_855 = arith.subf %min3A_852, %convert_element_type3A_854 : vector<16xf32>
      %mul3A_856 = arith.constant 128 : i32
      %mul3A_857 = vector.broadcast %mul3A_856 : i32 to vector<16xi32>
      %mul3A_858 = arith.muli %convert_element_type3A_853, %mul3A_857 : vector<16xi32>
      %mul3A_859 = arith.constant 16 : i32
      %mul3A_860 = arith.muli %scan3A_836, %mul3A_859 : i32
      %swap3A_861 = arith.index_cast %mul3A_860 : i32 to index
      %swap3A_862 = tpu.vector_load %arg7[%swap3A_861] {strides = array<i32>} : memref<256xi32, #tpu.memory_space<vmem>>, vector<16xi32>,
      tpu.vector_store %arg7[%swap3A_861], %mul3A_858 {strides = array<i32>} : memref<256xi32, #tpu.memory_space<vmem>>, vector<16xi32>,
      %mul3A_863 = arith.constant 16 : i32
      %mul3A_864 = arith.muli %scan3A_836, %mul3A_863 : i32
      %swap3A_865 = arith.index_cast %mul3A_864 : i32 to index
      %swap3A_866 = tpu.vector_load %arg8[%swap3A_865] {strides = array<i32>} : memref<256xf32, #tpu.memory_space<vmem>>, vector<16xf32>,
      tpu.vector_store %arg8[%swap3A_865], %sub3A_855 {strides = array<i32>} : memref<256xf32, #tpu.memory_space<vmem>>, vector<16xf32>,
      %scan3A_867 = arith.constant 10 : i32
      %mul3A_868 = arith.constant 256 : i32
      %mul3A_869 = arith.muli %add3A_555, %mul3A_868 : i32
      %mul3A_870 = arith.constant 16 : i32
      %mul3A_871 = arith.muli %scan3A_867, %mul3A_870 : i32
      %add3A_872 = arith.addi %mul3A_869, %mul3A_871 : i32
      %get3A_873 = arith.index_cast %add3A_872 : i32 to index
      %get3A_874 = tpu.vector_load %arg5[%get3A_873] {strides = array<i32>} : memref<25600xf32, #tpu.memory_space<vmem>>, vector<16xf32>,
      %mul3A_875 = arith.constant 5.100000e+01 : f32
      %mul3A_876 = vector.broadcast %mul3A_875 : f32 to vector<16xf32>
      %mul3A_877 = arith.mulf %get3A_874, %mul3A_876 : vector<16xf32>
      %jit3A_878 = arith.constant 0.000000e+00 : f32
      %jit3A_879 = arith.constant 5.000000e+01 : f32
      %max3A_880 = vector.broadcast %jit3A_878 : f32 to vector<16xf32>
      %max3A_881 = arith.maximumf %max3A_880, %mul3A_877 : vector<16xf32>
      %min3A_882 = vector.broadcast %jit3A_879 : f32 to vector<16xf32>
      %min3A_883 = arith.minimumf %min3A_882, %max3A_881 : vector<16xf32>
      %convert_element_type3A_884 = arith.fptosi %min3A_883 : vector<16xf32> to vector<16xi32>
      %convert_element_type3A_885 = arith.sitofp %convert_element_type3A_884 : vector<16xi32> to vector<16xf32>
      %sub3A_886 = arith.subf %min3A_883, %convert_element_type3A_885 : vector<16xf32>
      %mul3A_887 = arith.constant 128 : i32
      %mul3A_888 = vector.broadcast %mul3A_887 : i32 to vector<16xi32>
      %mul3A_889 = arith.muli %convert_element_type3A_884, %mul3A_888 : vector<16xi32>
      %mul3A_890 = arith.constant 16 : i32
      %mul3A_891 = arith.muli %scan3A_867, %mul3A_890 : i32
      %swap3A_892 = arith.index_cast %mul3A_891 : i32 to index
      %swap3A_893 = tpu.vector_load %arg7[%swap3A_892] {strides = array<i32>} : memref<256xi32, #tpu.memory_space<vmem>>, vector<16xi32>,
      tpu.vector_store %arg7[%swap3A_892], %mul3A_889 {strides = array<i32>} : memref<256xi32, #tpu.memory_space<vmem>>, vector<16xi32>,
      %mul3A_894 = arith.constant 16 : i32
      %mul3A_895 = arith.muli %scan3A_867, %mul3A_894 : i32
      %swap3A_896 = arith.index_cast %mul3A_895 : i32 to index
      %swap3A_897 = tpu.vector_load %arg8[%swap3A_896] {strides = array<i32>} : memref<256xf32, #tpu.memory_space<vmem>>, vector<16xf32>,
      tpu.vector_store %arg8[%swap3A_896], %sub3A_886 {strides = array<i32>} : memref<256xf32, #tpu.memory_space<vmem>>, vector<16xf32>,
      %scan3A_898 = arith.constant 11 : i32
      %mul3A_899 = arith.constant 256 : i32
      %mul3A_900 = arith.muli %add3A_555, %mul3A_899 : i32
      %mul3A_901 = arith.constant 16 : i32
      %mul3A_902 = arith.muli %scan3A_898, %mul3A_901 : i32
      %add3A_903 = arith.addi %mul3A_900, %mul3A_902 : i32
      %get3A_904 = arith.index_cast %add3A_903 : i32 to index
      %get3A_905 = tpu.vector_load %arg5[%get3A_904] {strides = array<i32>} : memref<25600xf32, #tpu.memory_space<vmem>>, vector<16xf32>,
      %mul3A_906 = arith.constant 5.100000e+01 : f32
      %mul3A_907 = vector.broadcast %mul3A_906 : f32 to vector<16xf32>
      %mul3A_908 = arith.mulf %get3A_905, %mul3A_907 : vector<16xf32>
      %jit3A_909 = arith.constant 0.000000e+00 : f32
      %jit3A_910 = arith.constant 5.000000e+01 : f32
      %max3A_911 = vector.broadcast %jit3A_909 : f32 to vector<16xf32>
      %max3A_912 = arith.maximumf %max3A_911, %mul3A_908 : vector<16xf32>
      %min3A_913 = vector.broadcast %jit3A_910 : f32 to vector<16xf32>
      %min3A_914 = arith.minimumf %min3A_913, %max3A_912 : vector<16xf32>
      %convert_element_type3A_915 = arith.fptosi %min3A_914 : vector<16xf32> to vector<16xi32>
      %convert_element_type3A_916 = arith.sitofp %convert_element_type3A_915 : vector<16xi32> to vector<16xf32>
      %sub3A_917 = arith.subf %min3A_914, %convert_element_type3A_916 : vector<16xf32>
      %mul3A_918 = arith.constant 128 : i32
      %mul3A_919 = vector.broadcast %mul3A_918 : i32 to vector<16xi32>
      %mul3A_920 = arith.muli %convert_element_type3A_915, %mul3A_919 : vector<16xi32>
      %mul3A_921 = arith.constant 16 : i32
      %mul3A_922 = arith.muli %scan3A_898, %mul3A_921 : i32
      %swap3A_923 = arith.index_cast %mul3A_922 : i32 to index
      %swap3A_924 = tpu.vector_load %arg7[%swap3A_923] {strides = array<i32>} : memref<256xi32, #tpu.memory_space<vmem>>, vector<16xi32>,
      tpu.vector_store %arg7[%swap3A_923], %mul3A_920 {strides = array<i32>} : memref<256xi32, #tpu.memory_space<vmem>>, vector<16xi32>,
      %mul3A_925 = arith.constant 16 : i32
      %mul3A_926 = arith.muli %scan3A_898, %mul3A_925 : i32
      %swap3A_927 = arith.index_cast %mul3A_926 : i32 to index
      %swap3A_928 = tpu.vector_load %arg8[%swap3A_927] {strides = array<i32>} : memref<256xf32, #tpu.memory_space<vmem>>, vector<16xf32>,
      tpu.vector_store %arg8[%swap3A_927], %sub3A_917 {strides = array<i32>} : memref<256xf32, #tpu.memory_space<vmem>>, vector<16xf32>,
      %scan3A_929 = arith.constant 12 : i32
      %mul3A_930 = arith.constant 256 : i32
      %mul3A_931 = arith.muli %add3A_555, %mul3A_930 : i32
      %mul3A_932 = arith.constant 16 : i32
      %mul3A_933 = arith.muli %scan3A_929, %mul3A_932 : i32
      %add3A_934 = arith.addi %mul3A_931, %mul3A_933 : i32
      %get3A_935 = arith.index_cast %add3A_934 : i32 to index
      %get3A_936 = tpu.vector_load %arg5[%get3A_935] {strides = array<i32>} : memref<25600xf32, #tpu.memory_space<vmem>>, vector<16xf32>,
      %mul3A_937 = arith.constant 5.100000e+01 : f32
      %mul3A_938 = vector.broadcast %mul3A_937 : f32 to vector<16xf32>
      %mul3A_939 = arith.mulf %get3A_936, %mul3A_938 : vector<16xf32>
      %jit3A_940 = arith.constant 0.000000e+00 : f32
      %jit3A_941 = arith.constant 5.000000e+01 : f32
      %max3A_942 = vector.broadcast %jit3A_940 : f32 to vector<16xf32>
      %max3A_943 = arith.maximumf %max3A_942, %mul3A_939 : vector<16xf32>
      %min3A_944 = vector.broadcast %jit3A_941 : f32 to vector<16xf32>
      %min3A_945 = arith.minimumf %min3A_944, %max3A_943 : vector<16xf32>
      %convert_element_type3A_946 = arith.fptosi %min3A_945 : vector<16xf32> to vector<16xi32>
      %convert_element_type3A_947 = arith.sitofp %convert_element_type3A_946 : vector<16xi32> to vector<16xf32>
      %sub3A_948 = arith.subf %min3A_945, %convert_element_type3A_947 : vector<16xf32>
      %mul3A_949 = arith.constant 128 : i32
      %mul3A_950 = vector.broadcast %mul3A_949 : i32 to vector<16xi32>
      %mul3A_951 = arith.muli %convert_element_type3A_946, %mul3A_950 : vector<16xi32>
      %mul3A_952 = arith.constant 16 : i32
      %mul3A_953 = arith.muli %scan3A_929, %mul3A_952 : i32
      %swap3A_954 = arith.index_cast %mul3A_953 : i32 to index
      %swap3A_955 = tpu.vector_load %arg7[%swap3A_954] {strides = array<i32>} : memref<256xi32, #tpu.memory_space<vmem>>, vector<16xi32>,
      tpu.vector_store %arg7[%swap3A_954], %mul3A_951 {strides = array<i32>} : memref<256xi32, #tpu.memory_space<vmem>>, vector<16xi32>,
      %mul3A_956 = arith.constant 16 : i32
      %mul3A_957 = arith.muli %scan3A_929, %mul3A_956 : i32
      %swap3A_958 = arith.index_cast %mul3A_957 : i32 to index
      %swap3A_959 = tpu.vector_load %arg8[%swap3A_958] {strides = array<i32>} : memref<256xf32, #tpu.memory_space<vmem>>, vector<16xf32>,
      tpu.vector_store %arg8[%swap3A_958], %sub3A_948 {strides = array<i32>} : memref<256xf32, #tpu.memory_space<vmem>>, vector<16xf32>,
      %scan3A_960 = arith.constant 13 : i32
      %mul3A_961 = arith.constant 256 : i32
      %mul3A_962 = arith.muli %add3A_555, %mul3A_961 : i32
      %mul3A_963 = arith.constant 16 : i32
      %mul3A_964 = arith.muli %scan3A_960, %mul3A_963 : i32
      %add3A_965 = arith.addi %mul3A_962, %mul3A_964 : i32
      %get3A_966 = arith.index_cast %add3A_965 : i32 to index
      %get3A_967 = tpu.vector_load %arg5[%get3A_966] {strides = array<i32>} : memref<25600xf32, #tpu.memory_space<vmem>>, vector<16xf32>,
      %mul3A_968 = arith.constant 5.100000e+01 : f32
      %mul3A_969 = vector.broadcast %mul3A_968 : f32 to vector<16xf32>
      %mul3A_970 = arith.mulf %get3A_967, %mul3A_969 : vector<16xf32>
      %jit3A_971 = arith.constant 0.000000e+00 : f32
      %jit3A_972 = arith.constant 5.000000e+01 : f32
      %max3A_973 = vector.broadcast %jit3A_971 : f32 to vector<16xf32>
      %max3A_974 = arith.maximumf %max3A_973, %mul3A_970 : vector<16xf32>
      %min3A_975 = vector.broadcast %jit3A_972 : f32 to vector<16xf32>
      %min3A_976 = arith.minimumf %min3A_975, %max3A_974 : vector<16xf32>
      %convert_element_type3A_977 = arith.fptosi %min3A_976 : vector<16xf32> to vector<16xi32>
      %convert_element_type3A_978 = arith.sitofp %convert_element_type3A_977 : vector<16xi32> to vector<16xf32>
      %sub3A_979 = arith.subf %min3A_976, %convert_element_type3A_978 : vector<16xf32>
      %mul3A_980 = arith.constant 128 : i32
      %mul3A_981 = vector.broadcast %mul3A_980 : i32 to vector<16xi32>
      %mul3A_982 = arith.muli %convert_element_type3A_977, %mul3A_981 : vector<16xi32>
      %mul3A_983 = arith.constant 16 : i32
      %mul3A_984 = arith.muli %scan3A_960, %mul3A_983 : i32
      %swap3A_985 = arith.index_cast %mul3A_984 : i32 to index
      %swap3A_986 = tpu.vector_load %arg7[%swap3A_985] {strides = array<i32>} : memref<256xi32, #tpu.memory_space<vmem>>, vector<16xi32>,
      tpu.vector_store %arg7[%swap3A_985], %mul3A_982 {strides = array<i32>} : memref<256xi32, #tpu.memory_space<vmem>>, vector<16xi32>,
      %mul3A_987 = arith.constant 16 : i32
      %mul3A_988 = arith.muli %scan3A_960, %mul3A_987 : i32
      %swap3A_989 = arith.index_cast %mul3A_988 : i32 to index
      %swap3A_990 = tpu.vector_load %arg8[%swap3A_989] {strides = array<i32>} : memref<256xf32, #tpu.memory_space<vmem>>, vector<16xf32>,
      tpu.vector_store %arg8[%swap3A_989], %sub3A_979 {strides = array<i32>} : memref<256xf32, #tpu.memory_space<vmem>>, vector<16xf32>,
      %scan3A_991 = arith.constant 14 : i32
      %mul3A_992 = arith.constant 256 : i32
      %mul3A_993 = arith.muli %add3A_555, %mul3A_992 : i32
      %mul3A_994 = arith.constant 16 : i32
      %mul3A_995 = arith.muli %scan3A_991, %mul3A_994 : i32
      %add3A_996 = arith.addi %mul3A_993, %mul3A_995 : i32
      %get3A_997 = arith.index_cast %add3A_996 : i32 to index
      %get3A_998 = tpu.vector_load %arg5[%get3A_997] {strides = array<i32>} : memref<25600xf32, #tpu.memory_space<vmem>>, vector<16xf32>,
      %mul3A_999 = arith.constant 5.100000e+01 : f32
      %mul3A_1000 = vector.broadcast %mul3A_999 : f32 to vector<16xf32>
      %mul3A_1001 = arith.mulf %get3A_998, %mul3A_1000 : vector<16xf32>
      %jit3A_1002 = arith.constant 0.000000e+00 : f32
      %jit3A_1003 = arith.constant 5.000000e+01 : f32
      %max3A_1004 = vector.broadcast %jit3A_1002 : f32 to vector<16xf32>
      %max3A_1005 = arith.maximumf %max3A_1004, %mul3A_1001 : vector<16xf32>
      %min3A_1006 = vector.broadcast %jit3A_1003 : f32 to vector<16xf32>
      %min3A_1007 = arith.minimumf %min3A_1006, %max3A_1005 : vector<16xf32>
      %convert_element_type3A_1008 = arith.fptosi %min3A_1007 : vector<16xf32> to vector<16xi32>
      %convert_element_type3A_1009 = arith.sitofp %convert_element_type3A_1008 : vector<16xi32> to vector<16xf32>
      %sub3A_1010 = arith.subf %min3A_1007, %convert_element_type3A_1009 : vector<16xf32>
      %mul3A_1011 = arith.constant 128 : i32
      %mul3A_1012 = vector.broadcast %mul3A_1011 : i32 to vector<16xi32>
      %mul3A_1013 = arith.muli %convert_element_type3A_1008, %mul3A_1012 : vector<16xi32>
      %mul3A_1014 = arith.constant 16 : i32
      %mul3A_1015 = arith.muli %scan3A_991, %mul3A_1014 : i32
      %swap3A_1016 = arith.index_cast %mul3A_1015 : i32 to index
      %swap3A_1017 = tpu.vector_load %arg7[%swap3A_1016] {strides = array<i32>} : memref<256xi32, #tpu.memory_space<vmem>>, vector<16xi32>,
      tpu.vector_store %arg7[%swap3A_1016], %mul3A_1013 {strides = array<i32>} : memref<256xi32, #tpu.memory_space<vmem>>, vector<16xi32>,
      %mul3A_1018 = arith.constant 16 : i32
      %mul3A_1019 = arith.muli %scan3A_991, %mul3A_1018 : i32
      %swap3A_1020 = arith.index_cast %mul3A_1019 : i32 to index
      %swap3A_1021 = tpu.vector_load %arg8[%swap3A_1020] {strides = array<i32>} : memref<256xf32, #tpu.memory_space<vmem>>, vector<16xf32>,
      tpu.vector_store %arg8[%swap3A_1020], %sub3A_1010 {strides = array<i32>} : memref<256xf32, #tpu.memory_space<vmem>>, vector<16xf32>,
      %scan3A_1022 = arith.constant 15 : i32
      %mul3A_1023 = arith.constant 256 : i32
      %mul3A_1024 = arith.muli %add3A_555, %mul3A_1023 : i32
      %mul3A_1025 = arith.constant 16 : i32
      %mul3A_1026 = arith.muli %scan3A_1022, %mul3A_1025 : i32
      %add3A_1027 = arith.addi %mul3A_1024, %mul3A_1026 : i32
      %get3A_1028 = arith.index_cast %add3A_1027 : i32 to index
      %get3A_1029 = tpu.vector_load %arg5[%get3A_1028] {strides = array<i32>} : memref<25600xf32, #tpu.memory_space<vmem>>, vector<16xf32>,
      %mul3A_1030 = arith.constant 5.100000e+01 : f32
      %mul3A_1031 = vector.broadcast %mul3A_1030 : f32 to vector<16xf32>
      %mul3A_1032 = arith.mulf %get3A_1029, %mul3A_1031 : vector<16xf32>
      %jit3A_1033 = arith.constant 0.000000e+00 : f32
      %jit3A_1034 = arith.constant 5.000000e+01 : f32
      %max3A_1035 = vector.broadcast %jit3A_1033 : f32 to vector<16xf32>
      %max3A_1036 = arith.maximumf %max3A_1035, %mul3A_1032 : vector<16xf32>
      %min3A_1037 = vector.broadcast %jit3A_1034 : f32 to vector<16xf32>
      %min3A_1038 = arith.minimumf %min3A_1037, %max3A_1036 : vector<16xf32>
      %convert_element_type3A_1039 = arith.fptosi %min3A_1038 : vector<16xf32> to vector<16xi32>
      %convert_element_type3A_1040 = arith.sitofp %convert_element_type3A_1039 : vector<16xi32> to vector<16xf32>
      %sub3A_1041 = arith.subf %min3A_1038, %convert_element_type3A_1040 : vector<16xf32>
      %mul3A_1042 = arith.constant 128 : i32
      %mul3A_1043 = vector.broadcast %mul3A_1042 : i32 to vector<16xi32>
      %mul3A_1044 = arith.muli %convert_element_type3A_1039, %mul3A_1043 : vector<16xi32>
      %mul3A_1045 = arith.constant 16 : i32
      %mul3A_1046 = arith.muli %scan3A_1022, %mul3A_1045 : i32
      %swap3A_1047 = arith.index_cast %mul3A_1046 : i32 to index
      %swap3A_1048 = tpu.vector_load %arg7[%swap3A_1047] {strides = array<i32>} : memref<256xi32, #tpu.memory_space<vmem>>, vector<16xi32>,
      tpu.vector_store %arg7[%swap3A_1047], %mul3A_1044 {strides = array<i32>} : memref<256xi32, #tpu.memory_space<vmem>>, vector<16xi32>,
      %mul3A_1049 = arith.constant 16 : i32
      %mul3A_1050 = arith.muli %scan3A_1022, %mul3A_1049 : i32
      %swap3A_1051 = arith.index_cast %mul3A_1050 : i32 to index
      %swap3A_1052 = tpu.vector_load %arg8[%swap3A_1051] {strides = array<i32>} : memref<256xf32, #tpu.memory_space<vmem>>, vector<16xf32>,
      tpu.vector_store %arg8[%swap3A_1051], %sub3A_1041 {strides = array<i32>} : memref<256xf32, #tpu.memory_space<vmem>>, vector<16xf32>,
      %scan3A_1053 = arith.constant 16 : i32
      %parallel_loop3A_1054 = arith.constant 0 : i32
      %parallel_loop3A_1055 = arith.constant 256 : i32
      %parallel_loop3A_1056 = arith.constant 1 : i32
      scf.for %parallel_loop3A_1066 = %parallel_loop3A_1054 to %parallel_loop3A_1055 step %parallel_loop3A_1056  : i32 {
        %parallel_loop3A_1067 = vector.broadcast %parallel_loop3A_1066 : i32 to vector<16xi32>
        %parallel_loop3A_1068 = tpu.vector_load_idx %arg7[%parallel_loop3A_1067] : memref<256xi32, #tpu.memory_space<vmem>>[vector<16xi32>], vector<16xi32>,
        %parallel_loop3A_1069 = tpu.vector_load_idx %arg8[%parallel_loop3A_1067] : memref<256xf32, #tpu.memory_space<vmem>>[vector<16xi32>], vector<16xf32>,
        %parallel_loop3A_1070 = arith.constant 128 : i32
        %parallel_loop3A_1071 = arith.muli %parallel_loop3A_1066, %parallel_loop3A_1070 : i32
        %parallel_loop3A_1072 = arith.addi %parallel_loop3A_1068, %add3A_5 : vector<16xi32>
        %parallel_loop3A_1073 = tpu.vector_load_idx %arg6[%parallel_loop3A_1072] : memref<6528xi32, #tpu.memory_space<vmem>>[vector<16xi32>], vector<16xi32>,
        %parallel_loop3A_1074 = arith.andi %parallel_loop3A_1073, %broadcast_in_dim3A_27 : vector<16xi32>
        %parallel_loop3A_1075 = tpu.bitcast %parallel_loop3A_1074 : vector<16xi32> -> vector<16xf32>
        %parallel_loop3A_1076 = arith.constant 16 : i32
        %parallel_loop3A_1077 = vector.broadcast %parallel_loop3A_1076 : i32 to vector<16xi32>
        %parallel_loop3A_1078 = arith.shli %parallel_loop3A_1073, %parallel_loop3A_1077 : vector<16xi32>
        %parallel_loop3A_1079 = tpu.bitcast %parallel_loop3A_1078 : vector<16xi32> -> vector<16xf32>
        %parallel_loop3A_1080 = arith.mulf %parallel_loop3A_1069, %parallel_loop3A_1079 : vector<16xf32>
        %parallel_loop3A_1081 = arith.addf %parallel_loop3A_1075, %parallel_loop3A_1080 : vector<16xf32>
        %parallel_loop3A_1082 = arith.constant 0 : i32
        %parallel_loop3A_1083 = arith.addi %parallel_loop3A_1071, %parallel_loop3A_1082 : i32
        %parallel_loop3A_1084 = arith.index_cast %parallel_loop3A_1083 : i32 to index
        %parallel_loop3A_1085 = tpu.vector_load %arg10[%parallel_loop3A_1084] {strides = array<i32>} : memref<32768xf32, #tpu.memory_space<vmem>>, vector<16xf32>,
        tpu.vector_store %arg10[%parallel_loop3A_1084], %parallel_loop3A_1081 {strides = array<i32>} : memref<32768xf32, #tpu.memory_space<vmem>>, vector<16xf32>,
        %parallel_loop3A_1086 = arith.addi %parallel_loop3A_1068, %add3A_8 : vector<16xi32>
        %parallel_loop3A_1087 = tpu.vector_load_idx %arg6[%parallel_loop3A_1086] : memref<6528xi32, #tpu.memory_space<vmem>>[vector<16xi32>], vector<16xi32>,
        %parallel_loop3A_1088 = arith.andi %parallel_loop3A_1087, %broadcast_in_dim3A_27 : vector<16xi32>
        %parallel_loop3A_1089 = tpu.bitcast %parallel_loop3A_1088 : vector<16xi32> -> vector<16xf32>
        %parallel_loop3A_1090 = arith.constant 16 : i32
        %parallel_loop3A_1091 = vector.broadcast %parallel_loop3A_1090 : i32 to vector<16xi32>
        %parallel_loop3A_1092 = arith.shli %parallel_loop3A_1087, %parallel_loop3A_1091 : vector<16xi32>
        %parallel_loop3A_1093 = tpu.bitcast %parallel_loop3A_1092 : vector<16xi32> -> vector<16xf32>
        %parallel_loop3A_1094 = arith.mulf %parallel_loop3A_1069, %parallel_loop3A_1093 : vector<16xf32>
        %parallel_loop3A_1095 = arith.addf %parallel_loop3A_1089, %parallel_loop3A_1094 : vector<16xf32>
        %parallel_loop3A_1096 = arith.constant 16 : i32
        %parallel_loop3A_1097 = arith.addi %parallel_loop3A_1071, %parallel_loop3A_1096 : i32
        %parallel_loop3A_1098 = arith.index_cast %parallel_loop3A_1097 : i32 to index
        %parallel_loop3A_1099 = tpu.vector_load %arg10[%parallel_loop3A_1098] {strides = array<i32>} : memref<32768xf32, #tpu.memory_space<vmem>>, vector<16xf32>,
        tpu.vector_store %arg10[%parallel_loop3A_1098], %parallel_loop3A_1095 {strides = array<i32>} : memref<32768xf32, #tpu.memory_space<vmem>>, vector<16xf32>,
        %parallel_loop3A_1100 = arith.addi %parallel_loop3A_1068, %add3A_11 : vector<16xi32>
        %parallel_loop3A_1101 = tpu.vector_load_idx %arg6[%parallel_loop3A_1100] : memref<6528xi32, #tpu.memory_space<vmem>>[vector<16xi32>], vector<16xi32>,
        %parallel_loop3A_1102 = arith.andi %parallel_loop3A_1101, %broadcast_in_dim3A_27 : vector<16xi32>
        %parallel_loop3A_1103 = tpu.bitcast %parallel_loop3A_1102 : vector<16xi32> -> vector<16xf32>
        %parallel_loop3A_1104 = arith.constant 16 : i32
        %parallel_loop3A_1105 = vector.broadcast %parallel_loop3A_1104 : i32 to vector<16xi32>
        %parallel_loop3A_1106 = arith.shli %parallel_loop3A_1101, %parallel_loop3A_1105 : vector<16xi32>
        %parallel_loop3A_1107 = tpu.bitcast %parallel_loop3A_1106 : vector<16xi32> -> vector<16xf32>
        %parallel_loop3A_1108 = arith.mulf %parallel_loop3A_1069, %parallel_loop3A_1107 : vector<16xf32>
        %parallel_loop3A_1109 = arith.addf %parallel_loop3A_1103, %parallel_loop3A_1108 : vector<16xf32>
        %parallel_loop3A_1110 = arith.constant 32 : i32
        %parallel_loop3A_1111 = arith.addi %parallel_loop3A_1071, %parallel_loop3A_1110 : i32
        %parallel_loop3A_1112 = arith.index_cast %parallel_loop3A_1111 : i32 to index
        %parallel_loop3A_1113 = tpu.vector_load %arg10[%parallel_loop3A_1112] {strides = array<i32>} : memref<32768xf32, #tpu.memory_space<vmem>>, vector<16xf32>,
        tpu.vector_store %arg10[%parallel_loop3A_1112], %parallel_loop3A_1109 {strides = array<i32>} : memref<32768xf32, #tpu.memory_space<vmem>>, vector<16xf32>,
        %parallel_loop3A_1114 = arith.addi %parallel_loop3A_1068, %add3A_14 : vector<16xi32>
        %parallel_loop3A_1115 = tpu.vector_load_idx %arg6[%parallel_loop3A_1114] : memref<6528xi32, #tpu.memory_space<vmem>>[vector<16xi32>], vector<16xi32>,
        %parallel_loop3A_1116 = arith.andi %parallel_loop3A_1115, %broadcast_in_dim3A_27 : vector<16xi32>
        %parallel_loop3A_1117 = tpu.bitcast %parallel_loop3A_1116 : vector<16xi32> -> vector<16xf32>
        %parallel_loop3A_1118 = arith.constant 16 : i32
        %parallel_loop3A_1119 = vector.broadcast %parallel_loop3A_1118 : i32 to vector<16xi32>
        %parallel_loop3A_1120 = arith.shli %parallel_loop3A_1115, %parallel_loop3A_1119 : vector<16xi32>
        %parallel_loop3A_1121 = tpu.bitcast %parallel_loop3A_1120 : vector<16xi32> -> vector<16xf32>
        %parallel_loop3A_1122 = arith.mulf %parallel_loop3A_1069, %parallel_loop3A_1121 : vector<16xf32>
        %parallel_loop3A_1123 = arith.addf %parallel_loop3A_1117, %parallel_loop3A_1122 : vector<16xf32>
        %parallel_loop3A_1124 = arith.constant 48 : i32
        %parallel_loop3A_1125 = arith.addi %parallel_loop3A_1071, %parallel_loop3A_1124 : i32
        %parallel_loop3A_1126 = arith.index_cast %parallel_loop3A_1125 : i32 to index
        %parallel_loop3A_1127 = tpu.vector_load %arg10[%parallel_loop3A_1126] {strides = array<i32>} : memref<32768xf32, #tpu.memory_space<vmem>>, vector<16xf32>,
        tpu.vector_store %arg10[%parallel_loop3A_1126], %parallel_loop3A_1123 {strides = array<i32>} : memref<32768xf32, #tpu.memory_space<vmem>>, vector<16xf32>,
        %parallel_loop3A_1128 = arith.addi %parallel_loop3A_1068, %add3A_17 : vector<16xi32>
        %parallel_loop3A_1129 = tpu.vector_load_idx %arg6[%parallel_loop3A_1128] : memref<6528xi32, #tpu.memory_space<vmem>>[vector<16xi32>], vector<16xi32>,
        %parallel_loop3A_1130 = arith.andi %parallel_loop3A_1129, %broadcast_in_dim3A_27 : vector<16xi32>
        %parallel_loop3A_1131 = tpu.bitcast %parallel_loop3A_1130 : vector<16xi32> -> vector<16xf32>
        %parallel_loop3A_1132 = arith.constant 16 : i32
        %parallel_loop3A_1133 = vector.broadcast %parallel_loop3A_1132 : i32 to vector<16xi32>
        %parallel_loop3A_1134 = arith.shli %parallel_loop3A_1129, %parallel_loop3A_1133 : vector<16xi32>
        %parallel_loop3A_1135 = tpu.bitcast %parallel_loop3A_1134 : vector<16xi32> -> vector<16xf32>
        %parallel_loop3A_1136 = arith.mulf %parallel_loop3A_1069, %parallel_loop3A_1135 : vector<16xf32>
        %parallel_loop3A_1137 = arith.addf %parallel_loop3A_1131, %parallel_loop3A_1136 : vector<16xf32>
        %parallel_loop3A_1138 = arith.constant 64 : i32
        %parallel_loop3A_1139 = arith.addi %parallel_loop3A_1071, %parallel_loop3A_1138 : i32
        %parallel_loop3A_1140 = arith.index_cast %parallel_loop3A_1139 : i32 to index
        %parallel_loop3A_1141 = tpu.vector_load %arg10[%parallel_loop3A_1140] {strides = array<i32>} : memref<32768xf32, #tpu.memory_space<vmem>>, vector<16xf32>,
        tpu.vector_store %arg10[%parallel_loop3A_1140], %parallel_loop3A_1137 {strides = array<i32>} : memref<32768xf32, #tpu.memory_space<vmem>>, vector<16xf32>,
        %parallel_loop3A_1142 = arith.addi %parallel_loop3A_1068, %add3A_20 : vector<16xi32>
        %parallel_loop3A_1143 = tpu.vector_load_idx %arg6[%parallel_loop3A_1142] : memref<6528xi32, #tpu.memory_space<vmem>>[vector<16xi32>], vector<16xi32>,
        %parallel_loop3A_1144 = arith.andi %parallel_loop3A_1143, %broadcast_in_dim3A_27 : vector<16xi32>
        %parallel_loop3A_1145 = tpu.bitcast %parallel_loop3A_1144 : vector<16xi32> -> vector<16xf32>
        %parallel_loop3A_1146 = arith.constant 16 : i32
        %parallel_loop3A_1147 = vector.broadcast %parallel_loop3A_1146 : i32 to vector<16xi32>
        %parallel_loop3A_1148 = arith.shli %parallel_loop3A_1143, %parallel_loop3A_1147 : vector<16xi32>
        %parallel_loop3A_1149 = tpu.bitcast %parallel_loop3A_1148 : vector<16xi32> -> vector<16xf32>
        %parallel_loop3A_1150 = arith.mulf %parallel_loop3A_1069, %parallel_loop3A_1149 : vector<16xf32>
        %parallel_loop3A_1151 = arith.addf %parallel_loop3A_1145, %parallel_loop3A_1150 : vector<16xf32>
        %parallel_loop3A_1152 = arith.constant 80 : i32
        %parallel_loop3A_1153 = arith.addi %parallel_loop3A_1071, %parallel_loop3A_1152 : i32
        %parallel_loop3A_1154 = arith.index_cast %parallel_loop3A_1153 : i32 to index
        %parallel_loop3A_1155 = tpu.vector_load %arg10[%parallel_loop3A_1154] {strides = array<i32>} : memref<32768xf32, #tpu.memory_space<vmem>>, vector<16xf32>,
        tpu.vector_store %arg10[%parallel_loop3A_1154], %parallel_loop3A_1151 {strides = array<i32>} : memref<32768xf32, #tpu.memory_space<vmem>>, vector<16xf32>,
        %parallel_loop3A_1156 = arith.addi %parallel_loop3A_1068, %add3A_23 : vector<16xi32>
        %parallel_loop3A_1157 = tpu.vector_load_idx %arg6[%parallel_loop3A_1156] : memref<6528xi32, #tpu.memory_space<vmem>>[vector<16xi32>], vector<16xi32>,
        %parallel_loop3A_1158 = arith.andi %parallel_loop3A_1157, %broadcast_in_dim3A_27 : vector<16xi32>
        %parallel_loop3A_1159 = tpu.bitcast %parallel_loop3A_1158 : vector<16xi32> -> vector<16xf32>
        %parallel_loop3A_1160 = arith.constant 16 : i32
        %parallel_loop3A_1161 = vector.broadcast %parallel_loop3A_1160 : i32 to vector<16xi32>
        %parallel_loop3A_1162 = arith.shli %parallel_loop3A_1157, %parallel_loop3A_1161 : vector<16xi32>
        %parallel_loop3A_1163 = tpu.bitcast %parallel_loop3A_1162 : vector<16xi32> -> vector<16xf32>
        %parallel_loop3A_1164 = arith.mulf %parallel_loop3A_1069, %parallel_loop3A_1163 : vector<16xf32>
        %parallel_loop3A_1165 = arith.addf %parallel_loop3A_1159, %parallel_loop3A_1164 : vector<16xf32>
        %parallel_loop3A_1166 = arith.constant 96 : i32
        %parallel_loop3A_1167 = arith.addi %parallel_loop3A_1071, %parallel_loop3A_1166 : i32
        %parallel_loop3A_1168 = arith.index_cast %parallel_loop3A_1167 : i32 to index
        %parallel_loop3A_1169 = tpu.vector_load %arg10[%parallel_loop3A_1168] {strides = array<i32>} : memref<32768xf32, #tpu.memory_space<vmem>>, vector<16xf32>,
        tpu.vector_store %arg10[%parallel_loop3A_1168], %parallel_loop3A_1165 {strides = array<i32>} : memref<32768xf32, #tpu.memory_space<vmem>>, vector<16xf32>,
        %parallel_loop3A_1170 = arith.addi %parallel_loop3A_1068, %add3A_26 : vector<16xi32>
        %parallel_loop3A_1171 = tpu.vector_load_idx %arg6[%parallel_loop3A_1170] : memref<6528xi32, #tpu.memory_space<vmem>>[vector<16xi32>], vector<16xi32>,
        %parallel_loop3A_1172 = arith.andi %parallel_loop3A_1171, %broadcast_in_dim3A_27 : vector<16xi32>
        %parallel_loop3A_1173 = tpu.bitcast %parallel_loop3A_1172 : vector<16xi32> -> vector<16xf32>
        %parallel_loop3A_1174 = arith.constant 16 : i32
        %parallel_loop3A_1175 = vector.broadcast %parallel_loop3A_1174 : i32 to vector<16xi32>
        %parallel_loop3A_1176 = arith.shli %parallel_loop3A_1171, %parallel_loop3A_1175 : vector<16xi32>
        %parallel_loop3A_1177 = tpu.bitcast %parallel_loop3A_1176 : vector<16xi32> -> vector<16xf32>
        %parallel_loop3A_1178 = arith.mulf %parallel_loop3A_1069, %parallel_loop3A_1177 : vector<16xf32>
        %parallel_loop3A_1179 = arith.addf %parallel_loop3A_1173, %parallel_loop3A_1178 : vector<16xf32>
        %parallel_loop3A_1180 = arith.constant 112 : i32
        %parallel_loop3A_1181 = arith.addi %parallel_loop3A_1071, %parallel_loop3A_1180 : i32
        %parallel_loop3A_1182 = arith.index_cast %parallel_loop3A_1181 : i32 to index
        %parallel_loop3A_1183 = tpu.vector_load %arg10[%parallel_loop3A_1182] {strides = array<i32>} : memref<32768xf32, #tpu.memory_space<vmem>>, vector<16xf32>,
        tpu.vector_store %arg10[%parallel_loop3A_1182], %parallel_loop3A_1179 {strides = array<i32>} : memref<32768xf32, #tpu.memory_space<vmem>>, vector<16xf32>,
      } {sc.loop_unroll_factor = 8 : i64, sc.parallel_access}
      %add3A_1057 = arith.constant 1 : i32
      %add3A_1058 = arith.addi %mul3A_46, %add3A_1057 : i32
      %mul3A_1059 = arith.constant 256 : i32
      %mul3A_1060 = arith.muli %add3A_1058, %mul3A_1059 : i32
      %add3A_1061 = arith.addi %mul3A_2, %mul3A_1060 : i32
      %mul3A_1062 = arith.constant 128 : i32
      %mul3A_1063 = arith.muli %add3A_1061, %mul3A_1062 : i32
      %dma_start3A_1064 = tpu.memref_slice %arg4[%mul3A_1063] : memref<104857600xf32, #tpu.memory_space<hbm>> -> memref<32768xf32, #tpu.memory_space<hbm>>
      %dma_start3A_1065 = tpu.memref_slice %arg4[%mul3A_1063] : memref<104857600xf32, #tpu.memory_space<hbm>> -> memref<32768xf32, #tpu.memory_space<hbm>>
      tpu.enqueue_dma source(%arg10 : memref<32768xf32, #tpu.memory_space<vmem>>) target(%dma_start3A_1065 : memref<32768xf32, #tpu.memory_space<hbm>>) target_semaphore(%arg12 : memref<!tpu.dma_semaphore, #tpu.memory_space<semaphore_mem>>)
    }
    %scan3A_32 = arith.constant 50 : i32
    %add3A_33 = arith.constant 0 : i32
    %add3A_34 = arith.addi %mul3A_2, %add3A_33 : i32
    %mul3A_35 = arith.constant 128 : i32
    %mul3A_36 = arith.muli %add3A_34, %mul3A_35 : i32
    %dma_wait3A = tpu.memref_slice %arg4[%mul3A_36] : memref<104857600xf32, #tpu.memory_space<hbm>> -> memref<32768xf32, #tpu.memory_space<hbm>>
    %dma_wait3A_37 = tpu.memref_slice %arg4[%mul3A_36] : memref<104857600xf32, #tpu.memory_space<hbm>> -> memref<32768xf32, #tpu.memory_space<hbm>>
    tpu.wait_dma2 semaphore(%arg11 : memref<!tpu.dma_semaphore, #tpu.memory_space<semaphore_mem>>) src(%arg9 : memref<32768xf32, #tpu.memory_space<vmem>>) dst(%dma_wait3A_37 : memref<32768xf32, #tpu.memory_space<hbm>>)
    %add3A_38 = arith.constant 0 : i32
    %add3A_39 = arith.addi %mul3A_2, %add3A_38 : i32
    %mul3A_40 = arith.constant 128 : i32
    %mul3A_41 = arith.muli %add3A_39, %mul3A_40 : i32
    %dma_wait3A_42 = tpu.memref_slice %arg4[%mul3A_41] : memref<104857600xf32, #tpu.memory_space<hbm>> -> memref<32768xf32, #tpu.memory_space<hbm>>
    %dma_wait3A_43 = tpu.memref_slice %arg4[%mul3A_41] : memref<104857600xf32, #tpu.memory_space<hbm>> -> memref<32768xf32, #tpu.memory_space<hbm>>
    tpu.wait_dma2 semaphore(%arg12 : memref<!tpu.dma_semaphore, #tpu.memory_space<semaphore_mem>>) src(%arg10 : memref<32768xf32, #tpu.memory_space<vmem>>) dst(%dma_wait3A_43 : memref<32768xf32, #tpu.memory_space<hbm>>)
    return
  }
}

</mosaic_0001>

<sc_bundles>
// kernel: kernel.3.cloned.1.call-start
scs
__scs_entry_jumppad:
0x0: {  	(pc) =	sbr.rel $0x88, $3  }
0x1: {  	(tag) =	ssettag $0x0;
	lr =	simm.s32 $0x1  }
0x2: {  	[smem:$0x3F9F] =	sst lr;
	_ =	strace $0xD0000000  }
0x3: {  	_ = 	snop  }
0x4: {  	_ = 	snop  }
0x5: {  	_ = 	snop  }
0x6: {  	_ = 	snop  }
0x7: {  	_ = 	snop  }
__scs_overlays_trampoline_lowered:
0x8: {  	[smem:$0x3FAE] =	sst s0  }
0x9: {  	[smem:$0x3FAF] =	sst s1  }
0xa: {  	[smem:$0x3FB0] =	sst s2  }
0xb: {  	[smem:$0x3FB1] =	sst s3  }
0xc: {  	[smem:$0x3FB2] =	sst s4  }
0xd: {  	[smem:$0x3FB3] =	sst s5  }
0xe: {  	[smem:$0x3FB4] =	sst s6  }
0xf: {  	[smem:$0x3FB5] =	sst s7  }
0x10: {  	[smem:$0x3FB6] =	sst s8  }
0x11: {  	[smem:$0x3FB7] =	sst s9;
	s0 =	simm.s32 @!p0 $0x0  }
0x12: {  	s1 =	sld [smem:$0x3F9D];
	s0 =	simm.s32 @p0 $0x1  }
0x13: {  	[smem:$0x3FB8] =	sst s0;
	s0 =	simm.s32 @!p1 $0x0  }
0x14: {  	s2 =	sld [smem:$0x3F9C];
	s0 =	simm.s32 @p1 $0x1  }
0x15: {  	[smem:$0x3FB9] =	sst s0;
	s0 =	simm.s32 @!p2 $0x0  }
0x16: {  	s3 =	sld [smem:$0x3FDB];
	s0 =	simm.s32 @p2 $0x1  }
0x17: {  	s4 =	simm.s32 $0x1BF5;
	[smem:$0x3FBB] =	sst s0  }
0x18: {  	s0 =	sld [smem:$0x3F9E];
	_ =	swait.ge [sflag:s4], $0x0  }
0x19: {  	s7 =	sld [smem:$0x3F9F]  }
0x1a: {  	s8 =	sadd.s32 $0xFFFFE003, lr  }
0x1b: {  	s9 =	sadd.s32 $0xFFFFFEF7, lr;
	s5 =	simm.s32 $0xFFFFFFFF;
	p2 =	slt.u32 s8, $0xFFFFF086  }
0x1c: {  	p1 =	slt.u32 s9, $0xF7A;
	s5 =	simm.s32 @!p2 $0x0  }
0x1d: {  	s5 =	simm.s32 @p1 $0x1;
	p0 =	seq.s32 s7, s2  }
0x1e: {  	s7 =	smul.u32 @!p0 $0xF7A, s2;
	p2 =	seq.s32 @!p0 s5, $0x0  }
0x1f: {  	s9 =	smul.u32 $0xF7A, s1;
	s8 =	simm.s32 @!p0 $0x1BF5;
	p2 =	por !p2, p0  }
0x20: {  	[sflag:s8] =	ssyncset.s32 @!p0 $0xFFFFF086;
	s6 =	sadd.s32 @!p0 s3, s7;
	s7 =	simm.s32 @!p0 $0x108  }
0x21: {  	s3 =	sadd.s32 s3, s9;
	s6 =	sadd.s32 @!p0 $0x88, s6;
	s7 =	simm.s32 @p2 $0x1082  }
0x22: {  	[simem:s7], [sflag:s8] =	dma.local @!p0 [hbm:s6], $0xF7A  }
0x23: {  	s9 =	sor.u32 $0xD0000000, s2;
	s6 =	simm.s32 $0x108;
	_ =	swait.ge @!p0 [sflag:s8], $0x0  }
0x24: {  	s3 =	sadd.s32 $0x88, s3;
	s6 =	simm.s32 @!p1 $0x1082;
	[sflag:s4] =	ssyncset.s32 $0xFFFFF086  }
0x25: {  	[simem:s6], [sflag:s4] =	dma.local [hbm:s3], $0xF7A  }
0x26: {  	[smem:$0x3F9F] =	sst s1;
	(tag) =	ssettag s2;
	_ =	strace s9  }
0x27: {  	s1 =	sld [smem:$0x3FAF]  }
0x28: {  	s2 =	sld [smem:$0x3FB0]  }
0x29: {  	s4 =	sld [smem:$0x3FB2]  }
0x2a: {  	p0 =	seq.s32 s5, $0x0;
	s5 =	sld [smem:$0x3FB3]  }
0x2b: {  	s6 =	sld [smem:$0x3FB4]  }
0x2c: {  	s7 =	sld [smem:$0x3FB5]  }
0x2d: {  	s3 =	simm.s32 $0x108;
	s8 =	sld [smem:$0x3FB6]  }
0x2e: {  	s3 =	simm.s32 @!p0 $0x1082;
	s9 =	sld [smem:$0x3FB7]  }
0x2f: {  	lr =	sadd.s32 s0, s3;
	s0 =	sld [smem:$0x3FAE]  }
0x30: {  	s3 =	sld [smem:$0x3FB1]  }
0x31: {  	[smem:$0x3FBA] =	sst s10  }
0x32: {  	s10 =	sld [smem:$0x3FB8];
	_ =	sdelay $0x3  }
0x33: {  	p0 =	seq.s32 s10, $0x1;
	s10 =	sld [smem:$0x3FBA];
	_ =	sdelay $0x3  }
0x34: {  	[smem:$0x3FBA] =	sst s10  }
0x35: {  	s10 =	sld [smem:$0x3FB9];
	_ =	sdelay $0x3  }
0x36: {  	p1 =	seq.s32 s10, $0x1;
	s10 =	sld [smem:$0x3FBA];
	_ =	sdelay $0x3  }
0x37: {  	[smem:$0x3FBA] =	sst s10  }
0x38: {  	s10 =	sld [smem:$0x3FBB]  }
0x39: {  	_ = 	snop;
	(pc) =	sbr.ind lr, $3  }
0x3a: {  	_ = 	snop  }
0x3b: {  	_ = 	snop  }
0x3c: {  	p2 =	seq.s32 s10, $0x1;
	s10 =	sld [smem:$0x3FBA]  }
0x3d: {  	_ =	shalt  }
0x3e: {  	_ =	shalt  }
0x3f: {  	_ =	shalt  }
0x40: {  	_ =	shalt  }
0x41: {  	_ =	shalt  }
0x42: {  	_ =	shalt  }
0x43: {  	_ =	shalt  }
0x44: {  	_ =	shalt  }
0x45: {  	_ =	shalt  }
0x46: {  	_ =	shalt  }
0x47: {  	_ =	shalt  }
0x48: {  	_ =	shalt  }
0x49: {  	_ =	shalt  }
0x4a: {  	_ =	shalt  }
0x4b: {  	_ =	shalt  }
0x4c: {  	_ =	shalt  }
0x4d: {  	_ =	shalt  }
0x4e: {  	_ =	shalt  }
0x4f: {  	_ =	shalt  }
0x50: {  	_ =	shalt  }
0x51: {  	_ =	shalt  }
0x52: {  	_ =	shalt  }
0x53: {  	_ =	shalt  }
0x54: {  	_ =	shalt  }
0x55: {  	_ =	shalt  }
0x56: {  	_ =	shalt  }
0x57: {  	_ =	shalt  }
0x58: {  	_ =	shalt  }
0x59: {  	_ =	shalt  }
0x5a: {  	_ =	shalt  }
0x5b: {  	_ =	shalt  }
0x5c: {  	_ =	shalt  }
0x5d: {  	_ =	shalt  }
0x5e: {  	_ =	shalt  }
0x5f: {  	_ =	shalt  }
0x60: {  	_ =	shalt  }
0x61: {  	_ =	shalt  }
0x62: {  	_ =	shalt  }
0x63: {  	_ =	shalt  }
0x64: {  	_ =	shalt  }
0x65: {  	_ =	shalt  }
0x66: {  	_ =	shalt  }
0x67: {  	_ =	shalt  }
0x68: {  	_ =	shalt  }
0x69: {  	_ =	shalt  }
0x6a: {  	_ =	shalt  }
0x6b: {  	_ =	shalt  }
0x6c: {  	_ =	shalt  }
0x6d: {  	_ =	shalt  }
0x6e: {  	_ =	shalt  }
0x6f: {  	_ =	shalt  }
0x70: {  	_ =	shalt  }
0x71: {  	_ =	shalt  }
0x72: {  	_ =	shalt  }
0x73: {  	_ =	shalt  }
0x74: {  	_ =	shalt  }
0x75: {  	_ =	shalt  }
0x76: {  	_ =	shalt  }
0x77: {  	_ =	shalt  }
0x78: {  	_ =	shalt  }
0x79: {  	_ =	shalt  }
0x7a: {  	_ =	shalt  }
0x7b: {  	_ =	shalt  }
0x7c: {  	_ =	shalt  }
0x7d: {  	_ =	shalt  }
0x7e: {  	_ =	shalt  }
0x7f: {  	_ =	shalt  }
0x80: {  	_ =	shalt  }
0x81: {  	_ =	shalt  }
0x82: {  	_ =	shalt  }
0x83: {  	_ =	shalt  }
0x84: {  	_ =	shalt  }
0x85: {  	_ =	shalt  }
0x86: {  	_ =	shalt  }
0x87: {  	_ =	shalt  }
.Lfunc_end0:
.L_simem_size_0:
called_computation_lowered:
.L_overlay_start_0:
0x88: {  	s2 =	sld [smem:$0x3FD9]  }
0x89: {  	s3 =	sld [smem:$0x3FFE];
	_ =	sdelay $0x1  }
0x8a: {  	s1 =	srdreg.scid  }
0x8b: {  	s0 =	sand.u32 $0x1, s1  }
0x8c: {  	s17 =	sshll.u32 s0, $0xA;
	s2 =	sadd.s32 s3, s2  }
0x8d: {  	s2 =	sadd.s32 s2, s17  }
0x8e: {  	[smem:$0x3FC6] =	sst s2  }
0x8f: {  	_ = 	snop  }
0x90: {  	s2 =	sld [smem:$0x3FD0];
	(tm) =	ssettm $0x1  }
0x91: {  	s18 =	sld [smem:$0x3FFB];
	_ =	sdelay $0x3  }
0x92: {  	_ =	strace s18  }
0x93: {  	s3 =	sld [smem:$0x3FFC];
	_ =	sdelay $0x3  }
0x94: {  	_ =	strace s3  }
0x95: {  	s3 =	sld [smem:$0x3FFD];
	_ =	sdelay $0x3  }
0x96: {  	_ =	strace s3  }
0x97: {  	_ =	strace $0x8FFFFFFF  }
0x98: {  	s19 =	sld [smem:$0x3FDB];
	_ =	sdelay $0x1  }
0x99: {  	s4 =	simm.s32 $_scs_section_size  }
0x9a: {  	s5 =	simm.s32 $_size__tile_overlayer_lowered;
	s6 =	simm.s32 $_tile_overlayer_lowered  }
0x9b: {  	s22 =	simm.s32 $0x1BFF;
	s21 =	sshll.u32 s6, $0x1;
	s3 =	sadd.s32 s4, s19  }
0x9c: {  	s7 =	simm.s32 $0x0;
	s20 =	sshll.u32 s5, $0x1;
	s5 =	sadd.s32 s21, s3  }
0x9d: {  	[timem:s7], [sflag:s22] =	dma.local [hbm:s5], s20  }
0x9e: {  	_ =	swait.ge [sflag:s22], s20  }
0x9f: {  	s4 =	ssub.s32 $0x0, s20;
	[sflag:s22] =	ssyncset.done $0x0  }
0xa0: {  	[sflag:s22] =	ssyncadd.s32 s4;
	_ =	sdelay $0x1  }
0xa1: {  	s23 =	simm.s32 $0x1B8B  }
0xa2: {  	_ =	swait.ge [sflag:s23], $0x1  }
0xa3: {  	[sflag:s23] =	ssyncset.done $0x0  }
0xa4: {  	s25 =	simm.s32 $0x1B8E;
	s24 =	sld [smem:$0x3FFE];
	[sflag:s23] =	ssyncadd.s32 $0xFFFFFFFF  }
0xa5: {  	s26 =	simm.s32 $execute0_lowered;
	[smem:$0x3FD2] =	sst s25  }
0xa6: {  	s5 =	sshll.u32 s26, $0x1;
	_ =	strace $0x80000046;
	[dreg:$0x1] =	wrdreg $0xFFFFFFFF  }
0xa7: {  	s28 =	simm.s32 $_size_execute0_lowered;
	s3 =	sadd.s32 s3, s5;
	[dreg:$0x0] =	wrdreg $0x0  }
0xa8: {  	s5 =	sshll.u32 s28, $0x1;
	[dreg:$0x2] =	wrdreg s3  }
0xa9: {  	[dreg:$0x3] =	wrdreg s5  }
0xaa: {  	[dreg:$0x4] =	wrdreg $0xC0  }
0xab: {  	_ =	task [dreg:s7], $0x5FFFF  }
0xac: {  	[dreg:$0x1] =	wrdreg $0xFFFFFFFF  }
0xad: {  	[dreg:$0x0] =	wrdreg $0x60  }
0xae: {  	[dreg:$0x2] =	wrdreg s24  }
0xaf: {  	[dreg:$0x3] =	wrdreg s2  }
0xb0: {  	[dreg:$0x4] =	wrdreg $0x9  }
0xb1: {  	_ =	task.clear_ibuf [dreg:s7], $0x5FFFF;
	_ =	strace $0x90000046  }
0xb2: {  	s29 =	simm.s32 $0x9;
	_ =	strace $0x80000048  }
0xb3: {  	_ =	swait.ge [sflag:s29], $0x1  }
0xb4: {  	[sflag:s29] =	ssyncadd.s32 $0xFFFFFFFF  }
0xb5: {  	_ =	strace $0x90000048  }
0xb6: {  	_ =	sfence  }
0xb7: {  	s30 =	sld [smem:$0x0];
	_ =	sdelay $0x2  }
0xb8: {  	s31 =	sshll.u32 s1, $0xD;
	s1 =	sshrl.u32 s1, $0x2  }
0xb9: {  	s3 =	sand.u32 $0x4000, s31;
	s1 =	sadd.s32 s1, s30  }
0xba: {  	s0 =	sor.u32 s3, s0;
	s1 =	sshll.u32 s1, $0x11  }
0xbb: {  	s0 =	sor.u32 s1, s0  }
0xbc: {  	s0 =	sadd.s32 $0x8F2B, s0  }
0xbd: {  	[sflag:s0] =	ssyncadd.remote.s32 $0x1  }
0xbe: {  	_ =	sfence.sel $0xFFFF  }
0xbf: {  	[dreg:$0x0] =	wrdreg $0xFFFFFFFF;
	(pc) =	sbr.abs _section_cstart, $3  }
0xc0: {  	[dreg:$0x1] =	wrdreg $0xFFFFFFFF  }
0xc1: {  	_ =	task.clear_ibuf [dreg:s7], $0x2FFFF;
	_ =	strace $0x9FFFFFFF  }
0xc2: {  	(tm) =	ssettm $0x7FFFFFFF  }
0xc3: {  	_ =	shalt  }
tec
execute0_lowered:
.L_overlay_start_1:
0x0: {  	(tag) =	ssettag $0x1  }
0x1: {  	s1 =	srdreg.scid;
	s6 =	rddreg [dreg:$0x0]  }
0x2: {  	s0 =	stileid.u32;
	s2 =	rddreg [dreg:$0x1];
	s4 =	simm.s32 $0x0  }
0x3: {  	s9 =	simm.s32 $0x3;
	s10 =	simm.s32 $0x7D80;
	s11 =	simm.s32 $0x7E80  }
0x4: {  	s12 =	simm.s32 $0x7F80;
	s5 =	sand.u32 $0x1, s1;
	s31 =	sshll.u32 s0, $0x1  }
0x5: {  	s13 =	simm.s32 $0xFF80;
	s14 =	simm.s32 $0x1;
	s1 =	sor.u32 s5, s31  }
0x6: {  	s15 =	simm.s32 $0x2;
	[smem:$0x7FF] =	sst s4;
	s3 =	smul.u32 $0x6400, s1  }
0x7: {  	v0 =	vlaneseq.u32;
	s16 =	simm.s32 $0x0;
	s5 =	ssub.s32 $0x2, s5;
	s1 =	rddreg [dreg:$0x2]  }
0x8: {  	v1 =	vor.u32 $0x10, v0;
	s8 =	sshrl.u32 s5, $0x1;
	_ =	strace $0x80000047;
	s7 =	sshrl.u32 s3, $0x3  }
0x9: {  	v2 =	vor.u32 $0x20, v0;
	v3 =	vor.u32 $0x30, v0;
	v4 =	vor.u32 $0x40, v0;
	s8 =	ssub.s32 s5, s8;
	s5 =	sadd.s32 $0x400, s6;
	s7 =	sadd.s32 s7, s6  }
0xa: {  	v5 =	vor.u32 $0x50, v0;
	v6 =	vor.u32 $0x60, v0;
	v7 =	vor.u32 $0x70, v0;
	s6 =	sadd.s32 $0x800, s7;
	s7 =	smax.u32 s8, $0x1;
	s8 =	simm.s32 $0x6400  }
.LBB2_1:
0xb: {  	[tilespmem:s8], [sflag:$0x3] =	stream.linear.gather [hbm4b:s5+s4], $0x1980, $0x38;
	[tilespmem:$0x17F80] =	vst v63  }
0xc: {  	_ =	swait.ge [sflag:s9], $0x1980  }
0xd: {  	[sflag:s9] =	ssyncset.done $0x0  }
0xe: {  	[sflag:s9] =	ssyncadd.s32 $0xFFFFE680  }
0xf: {  	[tilespmem:s4], [sflag:$0x3] =	stream.linear.gather [hbm4b:s6+s4], $0x6400, $0x38;
	[tilespmem:$0x17F80] =	vst v63  }
0x10: {  	_ =	swait.ge [sflag:s9], $0x6400  }
0x11: {  	[sflag:s9] =	ssyncset.done $0x0  }
0x12: {  	s17 =	simm.s32 $0x0;
	[sflag:s9] =	ssyncadd.s32 $0xFFFF9C00  }
.LBB2_2:
0x13: {  	p0 =	seq.s32 s17, $0x0  }
0x14: {  	s19 =	simm.s32 @!p0 $0x1  }
0x15: {  	_ =	swait.ge @!p0 [sflag:s19], $0x8000  }
0x16: {  	[sflag:s19] =	ssyncset.done @!p0 $0x0  }
0x17: {  	s18 =	sshll.u32 s17, $0x9;
	[sflag:s19] =	ssyncadd.s32 @!p0 $0xFFFF8000  }
0x18: {  	v8 =	vld [tilespmem:s18+$0x0];
	_ =	sdelay $0x4  }
0x19: {  	v8 =	vmul.f32 $5.100000000e+01, v8;
	_ =	sdelay $0x1  }
0x1a: {  	v8 =	vmax.f32 v8, $0.0e+00  }
0x1b: {  	v8 =	vmin.f32 v8, $5.000000000e+01  }
0x1c: {  	v9 =	vtrunc.f32 v8  }
0x1d: {  	v9 =	vcvt.f32.s32 v9;
	_ =	sdelay $0x1  }
0x1e: {  	v10 =	vcvt.s32.f32 v9;
	_ =	sdelay $0x1  }
0x1f: {  	v9 =	vshll.u32 v9, $0x7;
	v8 =	vsub.f32 v8, v10  }
0x20: {  	[tilespmem:$0x7D80] =	vst v9  }
0x21: {  	[tilespmem:$0x7E80] =	vst v8  }
0x22: {  	v8 =	vld [tilespmem:s18+$0x10];
	_ =	sdelay $0x4  }
0x23: {  	v8 =	vmul.f32 $5.100000000e+01, v8;
	_ =	sdelay $0x1  }
0x24: {  	v8 =	vmax.f32 v8, $0.0e+00  }
0x25: {  	v8 =	vmin.f32 v8, $5.000000000e+01  }
0x26: {  	v9 =	vtrunc.f32 v8  }
0x27: {  	v9 =	vcvt.f32.s32 v9;
	_ =	sdelay $0x1  }
0x28: {  	v10 =	vcvt.s32.f32 v9;
	_ =	sdelay $0x1  }
0x29: {  	v9 =	vshll.u32 v9, $0x7;
	v8 =	vsub.f32 v8, v10  }
0x2a: {  	[tilespmem:$0x7D90] =	vst v9  }
0x2b: {  	[tilespmem:$0x7E90] =	vst v8  }
0x2c: {  	v8 =	vld [tilespmem:s18+$0x20];
	_ =	sdelay $0x4  }
0x2d: {  	v8 =	vmul.f32 $5.100000000e+01, v8;
	_ =	sdelay $0x1  }
0x2e: {  	v8 =	vmax.f32 v8, $0.0e+00  }
0x2f: {  	v8 =	vmin.f32 v8, $5.000000000e+01  }
0x30: {  	v9 =	vtrunc.f32 v8  }
0x31: {  	v9 =	vcvt.f32.s32 v9;
	_ =	sdelay $0x1  }
0x32: {  	v10 =	vcvt.s32.f32 v9;
	_ =	sdelay $0x1  }
0x33: {  	v9 =	vshll.u32 v9, $0x7;
	v8 =	vsub.f32 v8, v10  }
0x34: {  	[tilespmem:$0x7DA0] =	vst v9  }
0x35: {  	[tilespmem:$0x7EA0] =	vst v8  }
0x36: {  	v8 =	vld [tilespmem:s18+$0x30];
	_ =	sdelay $0x4  }
0x37: {  	v8 =	vmul.f32 $5.100000000e+01, v8;
	_ =	sdelay $0x1  }
0x38: {  	v8 =	vmax.f32 v8, $0.0e+00  }
0x39: {  	v8 =	vmin.f32 v8, $5.000000000e+01  }
0x3a: {  	v9 =	vtrunc.f32 v8  }
0x3b: {  	v9 =	vcvt.f32.s32 v9;
	_ =	sdelay $0x1  }
0x3c: {  	v10 =	vcvt.s32.f32 v9;
	_ =	sdelay $0x1  }
0x3d: {  	v9 =	vshll.u32 v9, $0x7;
	v8 =	vsub.f32 v8, v10  }
0x3e: {  	[tilespmem:$0x7DB0] =	vst v9  }
0x3f: {  	[tilespmem:$0x7EB0] =	vst v8  }
0x40: {  	v8 =	vld [tilespmem:s18+$0x40];
	_ =	sdelay $0x4  }
0x41: {  	v8 =	vmul.f32 $5.100000000e+01, v8;
	_ =	sdelay $0x1  }
0x42: {  	v8 =	vmax.f32 v8, $0.0e+00  }
0x43: {  	v8 =	vmin.f32 v8, $5.000000000e+01  }
0x44: {  	v9 =	vtrunc.f32 v8  }
0x45: {  	v9 =	vcvt.f32.s32 v9;
	_ =	sdelay $0x1  }
0x46: {  	v10 =	vcvt.s32.f32 v9;
	_ =	sdelay $0x1  }
0x47: {  	v9 =	vshll.u32 v9, $0x7;
	v8 =	vsub.f32 v8, v10  }
0x48: {  	[tilespmem:$0x7DC0] =	vst v9  }
0x49: {  	[tilespmem:$0x7EC0] =	vst v8  }
0x4a: {  	v8 =	vld [tilespmem:s18+$0x50];
	_ =	sdelay $0x4  }
0x4b: {  	v8 =	vmul.f32 $5.100000000e+01, v8;
	_ =	sdelay $0x1  }
0x4c: {  	v8 =	vmax.f32 v8, $0.0e+00  }
0x4d: {  	v8 =	vmin.f32 v8, $5.000000000e+01  }
0x4e: {  	v9 =	vtrunc.f32 v8  }
0x4f: {  	v9 =	vcvt.f32.s32 v9;
	_ =	sdelay $0x1  }
0x50: {  	v10 =	vcvt.s32.f32 v9;
	_ =	sdelay $0x1  }
0x51: {  	v9 =	vshll.u32 v9, $0x7;
	v8 =	vsub.f32 v8, v10  }
0x52: {  	[tilespmem:$0x7DD0] =	vst v9  }
0x53: {  	[tilespmem:$0x7ED0] =	vst v8  }
0x54: {  	v8 =	vld [tilespmem:s18+$0x60];
	_ =	sdelay $0x4  }
0x55: {  	v8 =	vmul.f32 $5.100000000e+01, v8;
	_ =	sdelay $0x1  }
0x56: {  	v8 =	vmax.f32 v8, $0.0e+00  }
0x57: {  	v8 =	vmin.f32 v8, $5.000000000e+01  }
0x58: {  	v9 =	vtrunc.f32 v8  }
0x59: {  	v9 =	vcvt.f32.s32 v9;
	_ =	sdelay $0x1  }
0x5a: {  	v10 =	vcvt.s32.f32 v9;
	_ =	sdelay $0x1  }
0x5b: {  	v9 =	vshll.u32 v9, $0x7;
	v8 =	vsub.f32 v8, v10  }
0x5c: {  	[tilespmem:$0x7DE0] =	vst v9  }
0x5d: {  	[tilespmem:$0x7EE0] =	vst v8  }
0x5e: {  	v8 =	vld [tilespmem:s18+$0x70];
	_ =	sdelay $0x4  }
0x5f: {  	v8 =	vmul.f32 $5.100000000e+01, v8;
	_ =	sdelay $0x1  }
0x60: {  	v8 =	vmax.f32 v8, $0.0e+00  }
0x61: {  	v8 =	vmin.f32 v8, $5.000000000e+01  }
0x62: {  	v9 =	vtrunc.f32 v8  }
0x63: {  	v9 =	vcvt.f32.s32 v9;
	_ =	sdelay $0x1  }
0x64: {  	v10 =	vcvt.s32.f32 v9;
	_ =	sdelay $0x1  }
0x65: {  	v9 =	vshll.u32 v9, $0x7;
	v8 =	vsub.f32 v8, v10  }
0x66: {  	[tilespmem:$0x7DF0] =	vst v9  }
0x67: {  	[tilespmem:$0x7EF0] =	vst v8  }
0x68: {  	v8 =	vld [tilespmem:s18+$0x80];
	_ =	sdelay $0x4  }
0x69: {  	v8 =	vmul.f32 $5.100000000e+01, v8;
	_ =	sdelay $0x1  }
0x6a: {  	v8 =	vmax.f32 v8, $0.0e+00  }
0x6b: {  	v8 =	vmin.f32 v8, $5.000000000e+01  }
0x6c: {  	v9 =	vtrunc.f32 v8  }
0x6d: {  	v9 =	vcvt.f32.s32 v9;
	_ =	sdelay $0x1  }
0x6e: {  	v10 =	vcvt.s32.f32 v9;
	_ =	sdelay $0x1  }
0x6f: {  	v9 =	vshll.u32 v9, $0x7;
	v8 =	vsub.f32 v8, v10  }
0x70: {  	[tilespmem:$0x7E00] =	vst v9  }
0x71: {  	[tilespmem:$0x7F00] =	vst v8  }
0x72: {  	v8 =	vld [tilespmem:s18+$0x90];
	_ =	sdelay $0x4  }
0x73: {  	v8 =	vmul.f32 $5.100000000e+01, v8;
	_ =	sdelay $0x1  }
0x74: {  	v8 =	vmax.f32 v8, $0.0e+00  }
0x75: {  	v8 =	vmin.f32 v8, $5.000000000e+01  }
0x76: {  	v9 =	vtrunc.f32 v8  }
0x77: {  	v9 =	vcvt.f32.s32 v9;
	_ =	sdelay $0x1  }
0x78: {  	v10 =	vcvt.s32.f32 v9;
	_ =	sdelay $0x1  }
0x79: {  	v9 =	vshll.u32 v9, $0x7;
	v8 =	vsub.f32 v8, v10  }
0x7a: {  	[tilespmem:$0x7E10] =	vst v9  }
0x7b: {  	[tilespmem:$0x7F10] =	vst v8  }
0x7c: {  	v8 =	vld [tilespmem:s18+$0xA0];
	_ =	sdelay $0x4  }
0x7d: {  	v8 =	vmul.f32 $5.100000000e+01, v8;
	_ =	sdelay $0x1  }
0x7e: {  	v8 =	vmax.f32 v8, $0.0e+00  }
0x7f: {  	v8 =	vmin.f32 v8, $5.000000000e+01  }
0x80: {  	v9 =	vtrunc.f32 v8  }
0x81: {  	v9 =	vcvt.f32.s32 v9;
	_ =	sdelay $0x1  }
0x82: {  	v10 =	vcvt.s32.f32 v9;
	_ =	sdelay $0x1  }
0x83: {  	v9 =	vshll.u32 v9, $0x7;
	v8 =	vsub.f32 v8, v10  }
0x84: {  	[tilespmem:$0x7E20] =	vst v9  }
0x85: {  	[tilespmem:$0x7F20] =	vst v8  }
0x86: {  	v8 =	vld [tilespmem:s18+$0xB0];
	_ =	sdelay $0x4  }
0x87: {  	v8 =	vmul.f32 $5.100000000e+01, v8;
	_ =	sdelay $0x1  }
0x88: {  	v8 =	vmax.f32 v8, $0.0e+00  }
0x89: {  	v8 =	vmin.f32 v8, $5.000000000e+01  }
0x8a: {  	v9 =	vtrunc.f32 v8  }
0x8b: {  	v9 =	vcvt.f32.s32 v9;
	_ =	sdelay $0x1  }
0x8c: {  	v10 =	vcvt.s32.f32 v9;
	_ =	sdelay $0x1  }
0x8d: {  	v9 =	vshll.u32 v9, $0x7;
	v8 =	vsub.f32 v8, v10  }
0x8e: {  	[tilespmem:$0x7E30] =	vst v9  }
0x8f: {  	[tilespmem:$0x7F30] =	vst v8  }
0x90: {  	v8 =	vld [tilespmem:s18+$0xC0];
	_ =	sdelay $0x4  }
0x91: {  	v8 =	vmul.f32 $5.100000000e+01, v8;
	_ =	sdelay $0x1  }
0x92: {  	v8 =	vmax.f32 v8, $0.0e+00  }
0x93: {  	v8 =	vmin.f32 v8, $5.000000000e+01  }
0x94: {  	v9 =	vtrunc.f32 v8  }
0x95: {  	v9 =	vcvt.f32.s32 v9;
	_ =	sdelay $0x1  }
0x96: {  	v10 =	vcvt.s32.f32 v9;
	_ =	sdelay $0x1  }
0x97: {  	v9 =	vshll.u32 v9, $0x7;
	v8 =	vsub.f32 v8, v10  }
0x98: {  	[tilespmem:$0x7E40] =	vst v9  }
0x99: {  	[tilespmem:$0x7F40] =	vst v8  }
0x9a: {  	v8 =	vld [tilespmem:s18+$0xD0];
	_ =	sdelay $0x4  }
0x9b: {  	v8 =	vmul.f32 $5.100000000e+01, v8;
	_ =	sdelay $0x1  }
0x9c: {  	v8 =	vmax.f32 v8, $0.0e+00  }
0x9d: {  	v8 =	vmin.f32 v8, $5.000000000e+01  }
0x9e: {  	v9 =	vtrunc.f32 v8  }
0x9f: {  	v9 =	vcvt.f32.s32 v9;
	_ =	sdelay $0x1  }
0xa0: {  	v10 =	vcvt.s32.f32 v9;
	_ =	sdelay $0x1  }
0xa1: {  	v9 =	vshll.u32 v9, $0x7;
	v8 =	vsub.f32 v8, v10  }
0xa2: {  	[tilespmem:$0x7E50] =	vst v9  }
0xa3: {  	[tilespmem:$0x7F50] =	vst v8  }
0xa4: {  	v8 =	vld [tilespmem:s18+$0xE0];
	_ =	sdelay $0x4  }
0xa5: {  	v8 =	vmul.f32 $5.100000000e+01, v8;
	_ =	sdelay $0x1  }
0xa6: {  	v8 =	vmax.f32 v8, $0.0e+00  }
0xa7: {  	v8 =	vmin.f32 v8, $5.000000000e+01  }
0xa8: {  	v9 =	vtrunc.f32 v8  }
0xa9: {  	v9 =	vcvt.f32.s32 v9;
	_ =	sdelay $0x1  }
0xaa: {  	v10 =	vcvt.s32.f32 v9;
	_ =	sdelay $0x1  }
0xab: {  	v9 =	vshll.u32 v9, $0x7;
	v8 =	vsub.f32 v8, v10  }
0xac: {  	[tilespmem:$0x7E60] =	vst v9  }
0xad: {  	[tilespmem:$0x7F60] =	vst v8  }
0xae: {  	v8 =	vld [tilespmem:s18+$0xF0];
	_ =	sdelay $0x4  }
0xaf: {  	v8 =	vmul.f32 $5.100000000e+01, v8;
	_ =	sdelay $0x1  }
0xb0: {  	v8 =	vmax.f32 v8, $0.0e+00  }
0xb1: {  	v8 =	vmin.f32 v8, $5.000000000e+01  }
0xb2: {  	s30 =	simm.s32 $0x7;
	s20 =	simm.s32 $0x1;
	v9 =	vtrunc.f32 v8  }
0xb3: {  	s31 =	simm.s32 $0x2;
	v12 =	vmov s30;
	v11 =	vmov s20;
	s20 =	simm.s32 $0x3;
	v9 =	vcvt.f32.s32 v9  }
0xb4: {  	v13 =	vmov s31;
	v11 =	vand.u32 $0xFFFFFFF9, v11;
	v14 =	vmov s20  }
0xb5: {  	v13 =	vand.u32 $0xFFFFFFFA, v13;
	v11 =	vbroadcast v11, $0x0;
	v10 =	vcvt.s32.f32 v9  }
0xb6: {  	v14 =	vand.u32 $0xFFFFFFFB, v14;
	v13 =	vbroadcast v13, $0x0  }
0xb7: {  	v14 =	vbroadcast v14, $0x0;
	v9 =	vshll.u32 v9, $0x7;
	v8 =	vsub.f32 v8, v10  }
0xb8: {  	s29 =	simm.s32 $0x0;
	[tilespmem:$0x7E70] =	vst v9  }
0xb9: {  	s21 =	simm.s32 $0x4;
	v10 =	vmov s29;
	[tilespmem:$0x7F70] =	vst v8  }
0xba: {  	s22 =	simm.s32 $0x6;
	v15 =	vmov s21;
	v10 =	vand.u32 $0xFFFFFFF8, v10;
	v26 =	vld.idx.msk [tilespmem:v12+s10+$0x0], $0xffff  }
0xbb: {  	s23 =	simm.s32 $0x5;
	v9 =	vand.u32 $0xFFFFFFFC, v15;
	v15 =	vmov s22;
	v10 =	vbroadcast v10, $0x0;
	v32 =	vld.idx.msk [tilespmem:v11+s10+$0x0], $0xffff  }
0xbc: {  	v8 =	vbroadcast v9, $0x0;
	v9 =	vand.u32 $0xFFFFFFFE, v15;
	v15 =	vmov s23;
	v21 =	vld.idx.msk [tilespmem:v13+s10+$0x0], $0xffff  }
0xbd: {  	v9 =	vbroadcast v9, $0x0;
	v15 =	vand.u32 $0xFFFFFFFD, v15;
	v16 =	vld.idx.msk [tilespmem:v14+s10+$0x0], $0xffff  }
0xbe: {  	v12 =	vld.idx.msk [tilespmem:v12+s11+$0x0], $0xffff;
	v19 =	vbroadcast v15, $0x0  }
0xbf: {  	v15 =	vld.idx.msk [tilespmem:v11+s11+$0x0], $0xffff  }
0xc0: {  	v11 =	vld.idx.msk [tilespmem:v13+s11+$0x0], $0xffff;
	v17 =	vadd.s32 v0, v26  }
0xc1: {  	v22 =	vld.idx.msk [tilespmem:v10+s10+$0x0], $0xffff;
	v24 =	vadd.s32 v0, v32  }
0xc2: {  	v18 =	vld.idx.msk [tilespmem:v8+s10+$0x0], $0xffff;
	v25 =	vadd.s32 v0, v21  }
0xc3: {  	v13 =	vadd.s32 v0, v16;
	v33 =	vld.idx.msk [tilespmem:v9+s10+$0x0], $0xffff  }
0xc4: {  	v20 =	vld.idx.msk [tilespmem:v19+s10+$0x0], $0xffff  }
0xc5: {  	v27 =	vld.idx.msk [tilespmem:v17+s8+$0x0], $0xffff  }
0xc6: {  	v23 =	vadd.s32 v0, v22;
	v24 =	vld.idx.msk [tilespmem:v24+s8+$0x0], $0xffff  }
0xc7: {  	v17 =	vadd.s32 v0, v18;
	v25 =	vld.idx.msk [tilespmem:v25+s8+$0x0], $0xffff  }
0xc8: {  	v30 =	vld.idx.msk [tilespmem:v13+s8+$0x0], $0xffff;
	v28 =	vadd.s32 v0, v33  }
0xc9: {  	v13 =	vld.idx.msk [tilespmem:v14+s11+$0x0], $0xffff  }
0xca: {  	v14 =	vld.idx.msk [tilespmem:v8+s11+$0x0], $0xffff  }
0xcb: {  	v34 =	vadd.s32 v1, v26;
	v36 =	vadd.s32 v1, v32;
	v23 =	vld.idx.msk [tilespmem:v23+s8+$0x0], $0xffff  }
0xcc: {  	v37 =	vadd.s32 v1, v21;
	v38 =	vadd.s32 v1, v16;
	v61 =	vadd.s32 v2, v32;
	v31 =	vld.idx.msk [tilespmem:v17+s8+$0x0], $0xffff  }
0xcd: {  	v62 =	vadd.s32 v2, v21;
	v63 =	vadd.s32 v2, v16;
	v8 =	vshll.u32 v25, $0x10;
	v28 =	vld.idx.msk [tilespmem:v28+s8+$0x0], $0xffff  }
0xce: {  	v35 =	vadd.s32 v1, v22;
	v29 =	vadd.s32 v0, v20;
	v17 =	vld.idx.msk [tilespmem:v9+s11+$0x0], $0xffff;
	v8 =	vmul.f32 v8, v11  }
0xcf: {  	v39 =	vadd.s32 v1, v18;
	v42 =	vand.u32 $0xFFFF0000, v24;
	v44 =	vand.u32 $0xFFFF0000, v25  }
0xd0: {  	v43 =	vshll.u32 v27, $0x10;
	v45 =	vand.u32 $0xFFFF0000, v30;
	v8 =	vadd.f32 v44, v8  }
0xd1: {  	s19 =	simm.s32 $0x8180;
	v24 =	vshll.u32 v24, $0x10;
	v25 =	vshll.u32 v30, $0x10;
	v41 =	vshll.u32 v23, $0x10  }
0xd2: {  	v9 =	vld.idx.msk [tilespmem:v19+s11+$0x0], $0xffff;
	[tilespmem:s19+$0xFFFFFF00] =	vst v8;
	v8 =	vand.u32 $0xFFFF0000, v23;
	v23 =	vmul.f32 v43, v12;
	v19 =	vshll.u32 v28, $0x10  }
0xd3: {  	v30 =	vadd.s32 v1, v33;
	v27 =	vand.u32 $0xFFFF0000, v27;
	v29 =	vld.idx.msk [tilespmem:v29+s8+$0x0], $0xffff;
	v19 =	vmul.f32 v19, v17  }
0xd4: {  	v24 =	vmul.f32 v24, v15;
	v28 =	vand.u32 $0xFFFF0000, v28;
	v27 =	vadd.f32 v27, v23  }
0xd5: {  	v10 =	vld.idx.msk [tilespmem:v10+s11+$0x0], $0xffff;
	v58 =	vadd.s32 v2, v18;
	v49 =	vadd.s32 v2, v33;
	v19 =	vadd.f32 v28, v19  }
0xd6: {  	s24 =	simm.s32 $0x8;
	v25 =	vmul.f32 v25, v13;
	v24 =	vadd.f32 v42, v24;
	v46 =	vshll.u32 v31, $0x10;
	[tilespmem:s19+$0x180] =	vst v27  }
0xd7: {  	v59 =	vmov s24;
	v40 =	vadd.s32 v1, v20;
	v28 =	vmul.f32 v46, v14;
	v34 =	vld.idx.msk [tilespmem:v34+s8+$0x0], $0xffff;
	[tilespmem:s19+$0x100] =	vst v19  }
0xd8: {  	[tilespmem:s19+$0xFFFFFE80] =	vst v24;
	v47 =	vshll.u32 v29, $0x10;
	v19 =	vadd.f32 v45, v25;
	v25 =	vand.u32 $0xFFFF0000, v31;
	v24 =	vld.idx.msk [tilespmem:v30+s8+$0x0], $0xffff  }
0xd9: {  	s29 =	simm.s32 $0xB;
	v31 =	vmul.f32 v47, v9;
	v25 =	vadd.f32 v25, v28;
	v28 =	vand.u32 $0xFFFF0000, v29;
	v29 =	vld.idx.msk [tilespmem:v36+s8+$0x0], $0xffff  }
0xda: {  	s25 =	simm.s32 $0xF;
	v23 =	vadd.s32 v7, v26;
	v46 =	vmov s29;
	v30 =	vmul.f32 v41, v10  }
0xdb: {  	v46 =	vand.u32 $0xFFFFFFFB, v46;
	v28 =	vadd.f32 v28, v31;
	v31 =	vld.idx.msk [tilespmem:v37+s8+$0x0], $0xffff;
	[tilespmem:s19+$0xFFFFFF80] =	vst v19;
	v19 =	vmov s25  }
0xdc: {  	v8 =	vadd.f32 v8, v30;
	v30 =	vld.idx.msk [tilespmem:v38+s8+$0x0], $0xffff;
	[tilespmem:s19+$0x0] =	vst v25;
	v25 =	vadd.s32 v6, v26;
	v55 =	vshll.u32 v34, $0x10  }
0xdd: {  	[tilespmem:s19+$0x80] =	vst v28;
	v28 =	vand.u32 $0xFFFFFFF8, v59;
	v59 =	vadd.s32 v2, v20;
	v45 =	vmul.f32 v55, v12  }
0xde: {  	v60 =	vld.idx.msk [tilespmem:v39+s8+$0x0], $0xffff;
	v55 =	vadd.s32 v5, v33;
	v48 =	vshll.u32 v24, $0x10;
	v27 =	vshll.u32 v29, $0x10  }
0xdf: {  	[tilespmem:s19+$0xFFFFFE00] =	vst v8;
	v8 =	vld.idx.msk [tilespmem:v40+s8+$0x0], $0xffff;
	v24 =	vand.u32 $0xFFFF0000, v24;
	v29 =	vand.u32 $0xFFFF0000, v29;
	v40 =	vmul.f32 v48, v17  }
0xe0: {  	v27 =	vmul.f32 v27, v15;
	v50 =	vshll.u32 v31, $0x10;
	v31 =	vand.u32 $0xFFFF0000, v31  }
0xe1: {  	v35 =	vld.idx.msk [tilespmem:v35+s8+$0x0], $0xffff;
	v48 =	vadd.s32 v3, v21;
	v42 =	vmul.f32 v50, v11;
	v51 =	vshll.u32 v30, $0x10  }
0xe2: {  	v30 =	vand.u32 $0xFFFF0000, v30;
	v24 =	vadd.f32 v24, v40;
	v52 =	vmul.f32 v51, v13  }
0xe3: {  	v53 =	vshll.u32 v60, $0x10;
	v37 =	vand.u32 $0xFFFF0000, v60;
	v27 =	vadd.f32 v29, v27  }
0xe4: {  	v60 =	vadd.s32 v2, v22;
	v43 =	vmul.f32 v53, v14;
	v54 =	vshll.u32 v8, $0x10  }
0xe5: {  	v56 =	vand.u32 $0xFFFF0000, v8;
	v29 =	vadd.f32 v31, v42;
	v31 =	vand.u32 $0xFFFF0000, v34;
	v8 =	vld.idx.msk [tilespmem:v19+s10+$0x0], $0xffff;
	[tilespmem:s19+$0x110] =	vst v24  }
0xe6: {  	v53 =	vadd.s32 v4, v33;
	v24 =	vshll.u32 v35, $0x10;
	v44 =	vmul.f32 v54, v9;
	v41 =	vld.idx.msk [tilespmem:v49+s8+$0x0], $0xffff  }
0xe7: {  	v30 =	vadd.f32 v30, v52;
	[tilespmem:s19+$0xFFFFFE90] =	vst v27;
	v31 =	vadd.f32 v31, v45;
	v24 =	vmul.f32 v24, v10  }
0xe8: {  	s30 =	simm.s32 $0xC;
	v35 =	vand.u32 $0xFFFF0000, v35;
	v45 =	vadd.s32 v5, v22;
	v57 =	vadd.f32 v37, v43;
	v36 =	vld.idx.msk [tilespmem:v61+s8+$0x0], $0xffff;
	[tilespmem:s19+$0xFFFFFF10] =	vst v29  }
0xe9: {  	v47 =	vmov s30;
	v38 =	vld.idx.msk [tilespmem:v62+s8+$0x0], $0xffff;
	[tilespmem:s19+$0xFFFFFF90] =	vst v30;
	v35 =	vadd.f32 v35, v24;
	v24 =	vadd.f32 v56, v44  }
0xea: {  	v28 =	vbroadcast v28, $0x0;
	v61 =	vadd.s32 v3, v33;
	v62 =	vadd.s32 v2, v26;
	v39 =	vld.idx.msk [tilespmem:v63+s8+$0x0], $0xffff;
	[tilespmem:s19+$0x10] =	vst v57  }
0xeb: {  	v44 =	vadd.s32 v5, v26;
	v63 =	vadd.s32 v3, v32;
	v37 =	vld.idx.msk [tilespmem:v58+s8+$0x0], $0xffff;
	[tilespmem:s19+$0x90] =	vst v24;
	v27 =	vshll.u32 v41, $0x10  }
0xec: {  	v58 =	vadd.s32 v3, v16;
	v24 =	vadd.s32 v1, v8;
	[tilespmem:s19+$0xFFFFFE10] =	vst v35;
	v27 =	vmul.f32 v27, v17  }
0xed: {  	v35 =	vadd.s32 v0, v8;
	v30 =	vand.u32 $0xFFFF0000, v41;
	v42 =	vld.idx.msk [tilespmem:v60+s8+$0x0], $0xffff;
	v60 =	vadd.s32 v3, v18  }
0xee: {  	[tilespmem:s19+$0x190] =	vst v31;
	v40 =	vld.idx.msk [tilespmem:v59+s8+$0x0], $0xffff;
	v57 =	vand.u32 $0xFFFF0000, v38;
	v38 =	vshll.u32 v38, $0x10;
	v30 =	vadd.f32 v30, v27  }
0xef: {  	v41 =	vld.idx.msk [tilespmem:v62+s8+$0x0], $0xffff;
	v62 =	vadd.s32 v3, v22;
	v38 =	vmul.f32 v38, v11;
	v49 =	vand.u32 $0xFFFF0000, v39  }
0xf0: {  	v39 =	vshll.u32 v39, $0x10;
	v27 =	vadd.s32 v4, v26;
	v26 =	vadd.s32 v3, v26;
	[tilespmem:s19+$0x120] =	vst v30  }
0xf1: {  	v39 =	vmul.f32 v39, v13;
	v50 =	vand.u32 $0xFFFF0000, v37;
	v37 =	vshll.u32 v37, $0x10;
	v43 =	vld.idx.msk [tilespmem:v61+s8+$0x0], $0xffff  }
0xf2: {  	v37 =	vmul.f32 v37, v14;
	v30 =	vand.u32 $0xFFFF0000, v36;
	v36 =	vshll.u32 v36, $0x10  }
0xf3: {  	v52 =	vand.u32 $0xFFFF0000, v42;
	v42 =	vshll.u32 v42, $0x10;
	v31 =	vmul.f32 v36, v15  }
0xf4: {  	v51 =	vand.u32 $0xFFFF0000, v40;
	v39 =	vadd.f32 v49, v39;
	v42 =	vmul.f32 v42, v10  }
0xf5: {  	v40 =	vshll.u32 v40, $0x10;
	v49 =	vadd.s32 v4, v18;
	v30 =	vadd.f32 v30, v31  }
0xf6: {  	v40 =	vmul.f32 v40, v9;
	[tilespmem:s19+$0xFFFFFFA0] =	vst v39;
	v42 =	vadd.f32 v52, v42;
	v31 =	vshll.u32 v43, $0x10  }
0xf7: {  	v54 =	vshll.u32 v41, $0x10;
	[tilespmem:s19+$0xFFFFFEA0] =	vst v30;
	v30 =	vadd.f32 v57, v38;
	v31 =	vmul.f32 v31, v17  }
0xf8: {  	v37 =	vadd.f32 v50, v37;
	v54 =	vmul.f32 v54, v12;
	[tilespmem:s19+$0xFFFFFE20] =	vst v42;
	v43 =	vand.u32 $0xFFFF0000, v43;
	v59 =	vld.idx.msk [tilespmem:v63+s8+$0x0], $0xffff  }
0xf9: {  	s28 =	simm.s32 $0xA;
	v41 =	vand.u32 $0xFFFF0000, v41;
	v61 =	vadd.s32 v3, v20;
	v50 =	vld.idx.msk [tilespmem:v62+s8+$0x0], $0xffff;
	[tilespmem:s19+$0xFFFFFF20] =	vst v30;
	v31 =	vadd.f32 v43, v31  }
0xfa: {  	v34 =	vmov s28;
	v40 =	vadd.f32 v51, v40;
	[tilespmem:s19+$0x20] =	vst v37;
	v41 =	vadd.f32 v41, v54;
	v48 =	vld.idx.msk [tilespmem:v48+s8+$0x0], $0xffff  }
0xfb: {  	s26 =	simm.s32 $0x9;
	v37 =	vadd.s32 v4, v21;
	v54 =	vadd.s32 v4, v22;
	v38 =	vadd.s32 v4, v32;
	[tilespmem:s19+$0x130] =	vst v31  }
0xfc: {  	v29 =	vmov s26;
	v42 =	vadd.s32 v4, v16;
	[tilespmem:s19+$0x1A0] =	vst v41;
	v41 =	vadd.s32 v4, v20;
	v63 =	vld.idx.msk [tilespmem:v53+s8+$0x0], $0xffff  }
0xfd: {  	v30 =	vadd.s32 v7, v22;
	v43 =	vand.u32 $0xFFFFFFFA, v34;
	v31 =	vadd.s32 v6, v22;
	v22 =	vld.idx.msk [tilespmem:v58+s8+$0x0], $0xffff  }
0xfe: {  	v53 =	vand.u32 $0xFFFFFFF9, v29;
	v29 =	vand.u32 $0xFFFF0000, v59;
	v59 =	vshll.u32 v59, $0x10  }
0xff: {  	v39 =	vld.idx.msk [tilespmem:v60+s8+$0x0], $0xffff;
	[tilespmem:s19+$0xA0] =	vst v40;
	v57 =	vshll.u32 v50, $0x10;
	v60 =	vmul.f32 v59, v15;
	v62 =	vshll.u32 v48, $0x10  }
0x100: {  	v40 =	vld.idx.msk [tilespmem:v61+s8+$0x0], $0xffff;
	v50 =	vand.u32 $0xFFFF0000, v50;
	v48 =	vand.u32 $0xFFFF0000, v48;
	v51 =	vmul.f32 v62, v11  }
0x101: {  	v26 =	vld.idx.msk [tilespmem:v26+s8+$0x0], $0xffff;
	v62 =	vmul.f32 v57, v10;
	v29 =	vadd.f32 v29, v60;
	v61 =	vshll.u32 v63, $0x10  }
0x102: {  	v56 =	vshll.u32 v22, $0x10;
	v58 =	vand.u32 $0xFFFF0000, v22;
	v34 =	vmul.f32 v61, v17  }
0x103: {  	v48 =	vadd.f32 v48, v51;
	v50 =	vadd.f32 v50, v62;
	v52 =	vand.u32 $0xFFFF0000, v63  }
0x104: {  	[tilespmem:s19+$0xFFFFFEB0] =	vst v29;
	v29 =	vmul.f32 v56, v13;
	v63 =	vshll.u32 v39, $0x10;
	v34 =	vadd.f32 v52, v34  }
0x105: {  	v22 =	vld.idx.msk [tilespmem:v28+s10+$0x0], $0xffff;
	v39 =	vand.u32 $0xFFFF0000, v39;
	v60 =	vmul.f32 v63, v14;
	v61 =	vshll.u32 v40, $0x10;
	[tilespmem:s19+$0xFFFFFF30] =	vst v48  }
0x106: {  	v38 =	vld.idx.msk [tilespmem:v38+s8+$0x0], $0xffff;
	v63 =	vshll.u32 v26, $0x10;
	v40 =	vand.u32 $0xFFFF0000, v40;
	v26 =	vand.u32 $0xFFFF0000, v26;
	[tilespmem:s19+$0x140] =	vst v34  }
0x107: {  	v48 =	vadd.s32 v5, v32;
	v56 =	vmul.f32 v61, v9;
	v59 =	vadd.f32 v58, v29;
	v55 =	vld.idx.msk [tilespmem:v55+s8+$0x0], $0xffff  }
0x108: {  	[tilespmem:s19+$0xFFFFFE30] =	vst v50;
	v50 =	vbroadcast v53, $0x0;
	v57 =	vmul.f32 v63, v12;
	v37 =	vld.idx.msk [tilespmem:v37+s8+$0x0], $0xffff;
	v39 =	vadd.f32 v39, v60  }
0x109: {  	v53 =	vadd.s32 v5, v21;
	v63 =	vadd.s32 v6, v33;
	v52 =	vadd.f32 v40, v56;
	[tilespmem:s19+$0xFFFFFFB0] =	vst v59  }
0x10a: {  	v47 =	vand.u32 $0xFFFFFFFC, v47;
	v33 =	vadd.s32 v7, v33;
	v26 =	vadd.f32 v26, v57;
	v42 =	vld.idx.msk [tilespmem:v42+s8+$0x0], $0xffff;
	[tilespmem:s19+$0x30] =	vst v39  }
0x10b: {  	v40 =	vadd.s32 v0, v22;
	v39 =	vadd.s32 v7, v32;
	v29 =	vshll.u32 v38, $0x10;
	v49 =	vld.idx.msk [tilespmem:v49+s8+$0x0], $0xffff;
	[tilespmem:s19+$0xB0] =	vst v52  }
0x10c: {  	v34 =	vadd.s32 v7, v21;
	[tilespmem:s19+$0x1B0] =	vst v26;
	v60 =	vmul.f32 v29, v15;
	v41 =	vld.idx.msk [tilespmem:v41+s8+$0x0], $0xffff;
	v61 =	vshll.u32 v55, $0x10  }
0x10d: {  	v38 =	vand.u32 $0xFFFF0000, v38;
	v26 =	vld.idx.msk [tilespmem:v27+s8+$0x0], $0xffff;
	v57 =	vand.u32 $0xFFFF0000, v37;
	v62 =	vmul.f32 v61, v17  }
0x10e: {  	v27 =	vshll.u32 v37, $0x10;
	v38 =	vadd.f32 v38, v60;
	v60 =	vand.u32 $0xFFFF0000, v55;
	v61 =	vld.idx.msk [tilespmem:v54+s8+$0x0], $0xffff  }
0x10f: {  	v37 =	vadd.s32 v5, v20;
	v58 =	vand.u32 $0xFFFF0000, v42;
	v51 =	vadd.f32 v60, v62  }
0x110: {  	v55 =	vadd.s32 v5, v18;
	v59 =	vand.u32 $0xFFFF0000, v49;
	v54 =	vbroadcast v43, $0x0  }
0x111: {  	v43 =	vadd.s32 v5, v16;
	[tilespmem:s19+$0x150] =	vst v51;
	v51 =	vmul.f32 v27, v11;
	v27 =	vshll.u32 v42, $0x10  }
0x112: {  	v56 =	vmul.f32 v27, v13;
	v27 =	vshll.u32 v49, $0x10;
	v49 =	vand.u32 $0xFFFF0000, v41  }
0x113: {  	[tilespmem:s19+$0xFFFFFEC0] =	vst v38;
	v42 =	vld.idx.msk [tilespmem:v63+s8+$0x0], $0xffff;
	v52 =	vshll.u32 v61, $0x10;
	v38 =	vmul.f32 v27, v14;
	v27 =	vshll.u32 v41, $0x10  }
0x114: {  	v41 =	vld.idx.msk [tilespmem:v48+s8+$0x0], $0xffff;
	v48 =	vand.u32 $0xFFFF0000, v61;
	v52 =	vmul.f32 v52, v10;
	v51 =	vadd.f32 v57, v51  }
0x115: {  	v35 =	vld.idx.msk [tilespmem:v35+s8+$0x0], $0xffff;
	v61 =	vand.u32 $0xFFFF0000, v26;
	v26 =	vshll.u32 v26, $0x10;
	v56 =	vadd.f32 v58, v56  }
0x116: {  	s31 =	simm.s32 $0xD;
	v60 =	vmul.f32 v27, v9;
	v57 =	vmul.f32 v26, v12;
	v38 =	vadd.f32 v59, v38;
	[tilespmem:s19+$0xFFFFFF40] =	vst v51  }
0x117: {  	v36 =	vmov s31;
	v29 =	vadd.s32 v1, v22;
	v27 =	vld.idx.msk [tilespmem:v50+s11+$0x0], $0xffff;
	v48 =	vadd.f32 v48, v52;
	[tilespmem:s19+$0xFFFFFFC0] =	vst v56  }
0x118: {  	v49 =	vadd.f32 v49, v60;
	v53 =	vld.idx.msk [tilespmem:v53+s8+$0x0], $0xffff;
	v56 =	vadd.f32 v61, v57;
	v62 =	vshll.u32 v42, $0x10;
	[tilespmem:s19+$0x40] =	vst v38  }
0x119: {  	v42 =	vand.u32 $0xFFFF0000, v42;
	v57 =	vld.idx.msk [tilespmem:v43+s8+$0x0], $0xffff;
	v43 =	vadd.s32 v7, v18;
	[tilespmem:s19+$0xFFFFFE40] =	vst v48;
	v63 =	vmul.f32 v62, v17  }
0x11a: {  	v48 =	vadd.s32 v6, v21;
	v60 =	vshll.u32 v41, $0x10;
	v41 =	vand.u32 $0xFFFF0000, v41;
	v55 =	vld.idx.msk [tilespmem:v55+s8+$0x0], $0xffff;
	[tilespmem:s19+$0xC0] =	vst v49  }
0x11b: {  	v62 =	vand.u32 $0xFFFFFFFD, v36;
	v36 =	vbroadcast v46, $0x0;
	v61 =	vld.idx.msk [tilespmem:v37+s8+$0x0], $0xffff;
	v38 =	vadd.f32 v42, v63  }
0x11c: {  	v26 =	vld.idx.msk [tilespmem:v54+s11+$0x0], $0xffff;
	v52 =	vmul.f32 v60, v15;
	v37 =	vbroadcast v47, $0x0;
	v63 =	vadd.s32 v6, v32  }
0x11d: {  	v47 =	vadd.s32 v6, v16;
	v42 =	vadd.s32 v7, v16;
	v32 =	vadd.s32 v6, v20;
	[tilespmem:s19+$0x160] =	vst v38  }
0x11e: {  	v60 =	vadd.f32 v41, v52;
	v41 =	vadd.s32 v7, v20;
	v16 =	vshll.u32 v53, $0x10;
	v33 =	vld.idx.msk [tilespmem:v33+s8+$0x0], $0xffff  }
0x11f: {  	[tilespmem:s19+$0x1C0] =	vst v56;
	v38 =	vbroadcast v62, $0x0;
	v62 =	vld.idx.msk [tilespmem:v45+s8+$0x0], $0xffff;
	v45 =	vadd.s32 v6, v18;
	v18 =	vand.u32 $0xFFFF0000, v53  }
0x120: {  	v51 =	vld.idx.msk [tilespmem:v44+s8+$0x0], $0xffff;
	v53 =	vand.u32 $0xFFFF0000, v57;
	[tilespmem:s19+$0xFFFFFED0] =	vst v60;
	v56 =	vand.u32 $0xFFFF0000, v55;
	v46 =	vshll.u32 v61, $0x10  }
0x121: {  	v44 =	vld.idx.msk [tilespmem:v63+s8+$0x0], $0xffff;
	v63 =	vmul.f32 v16, v11;
	v16 =	vshll.u32 v57, $0x10;
	v57 =	vmul.f32 v46, v9  }
0x122: {  	v21 =	vld.idx.msk [tilespmem:v50+s10+$0x0], $0xffff;
	v50 =	vmul.f32 v16, v13;
	v16 =	vshll.u32 v55, $0x10;
	v55 =	vand.u32 $0xFFFF0000, v61  }
0x123: {  	v20 =	vld.idx.msk [tilespmem:v54+s10+$0x0], $0xffff;
	v54 =	vmul.f32 v16, v14;
	v52 =	vadd.f32 v18, v63;
	v60 =	vshll.u32 v33, $0x10  }
0x124: {  	v16 =	vld.idx.msk [tilespmem:v36+s10+$0x0], $0xffff;
	v61 =	vand.u32 $0xFFFF0000, v62;
	v49 =	vshll.u32 v62, $0x10;
	v46 =	vmul.f32 v60, v17  }
0x125: {  	v18 =	vld.idx.msk [tilespmem:v37+s10+$0x0], $0xffff;
	v62 =	vshll.u32 v51, $0x10;
	v49 =	vmul.f32 v49, v10;
	v33 =	vand.u32 $0xFFFF0000, v33  }
0x126: {  	v53 =	vadd.f32 v53, v50;
	[tilespmem:s19+$0xFFFFFF50] =	vst v52;
	v52 =	vmul.f32 v62, v12;
	v33 =	vadd.f32 v33, v46  }
0x127: {  	v50 =	vadd.f32 v56, v54;
	v48 =	vld.idx.msk [tilespmem:v48+s8+$0x0], $0xffff;
	v63 =	vshll.u32 v44, $0x10;
	v49 =	vadd.f32 v61, v49  }
0x128: {  	s21 =	simm.s32 $0x10;
	s20 =	simm.s32 $0x8180;
	s22 =	simm.s32 $0xE;
	v17 =	vld.idx.msk [tilespmem:v38+s10+$0x0], $0xffff;
	v46 =	vand.u32 $0xFFFF0000, v51;
	v54 =	vmul.f32 v63, v15;
	v51 =	vadd.f32 v55, v57;
	[tilespmem:s19+$0x170] =	vst v33  }
.LBB2_3:
0x129: {  	p1 =	slt.u32 s21, $0xF8;
	v40 =	vld.idx.msk [tilespmem:v40+s8+$0x0], $0xffff;
	v33 =	vmov s22;
	v44 =	vand.u32 $0xFFFF0000, v44;
	[tilespmem:s19+$0xFFFFFFD0] =	vst v53;
	v52 =	vadd.f32 v46, v52  }
0x12a: {  	v46 =	vadd.s32 v1, v21;
	v33 =	vand.u32 $0xFFFFFFFE, v33;
	v53 =	vadd.f32 v44, v54;
	v54 =	vld.idx.msk [tilespmem:v47+s8+$0x0], $0xffff;
	[tilespmem:s19+$0x50] =	vst v50  }
0x12b: {  	v50 =	vadd.s32 v0, v21;
	v47 =	vadd.s32 v1, v20;
	v33 =	vbroadcast v33, $0x0;
	v55 =	vld.idx.msk [tilespmem:v45+s8+$0x0], $0xffff;
	[tilespmem:s19+$0xD0] =	vst v51  }
0x12c: {  	v44 =	vadd.s32 v1, v16;
	[tilespmem:s19+$0xFFFFFE50] =	vst v49;
	v49 =	vand.u32 $0xFFFF0000, v48;
	v48 =	vshll.u32 v48, $0x10;
	v51 =	vld.idx.msk [tilespmem:v32+s8+$0x0], $0xffff  }
0x12d: {  	v45 =	vadd.s32 v1, v18;
	v56 =	vld.idx.msk [tilespmem:v31+s8+$0x0], $0xffff;
	v32 =	vmul.f32 v48, v11;
	[tilespmem:s19+$0x1D0] =	vst v52  }
0x12e: {  	v48 =	vadd.s32 v0, v20;
	v31 =	vadd.s32 v1, v17;
	[tilespmem:s19+$0xFFFFFEE0] =	vst v53;
	v25 =	vld.idx.msk [tilespmem:v25+s8+$0x0], $0xffff  }
0x12f: {  	v52 =	vadd.s32 v0, v16;
	v53 =	vadd.s32 v0, v18;
	v39 =	vld.idx.msk [tilespmem:v39+s8+$0x0], $0xffff;
	v49 =	vadd.f32 v49, v32  }
0x130: {  	v57 =	vadd.s32 v0, v17;
	v58 =	vand.u32 $0xFFFF0000, v54;
	v54 =	vshll.u32 v54, $0x10;
	v50 =	vld.idx.msk [tilespmem:v50+s8+$0x0], $0xffff  }
0x131: {  	v32 =	vld.idx.msk [tilespmem:v33+s10+$0x0], $0xffff;
	[tilespmem:s19+$0xFFFFFF60] =	vst v49;
	v49 =	vmul.f32 v54, v13;
	v54 =	vand.u32 $0xFFFF0000, v55;
	v55 =	vshll.u32 v55, $0x10  }
0x132: {  	v59 =	vand.u32 $0xFFFF0000, v51;
	v51 =	vshll.u32 v51, $0x10;
	v34 =	vld.idx.msk [tilespmem:v34+s8+$0x0], $0xffff;
	v55 =	vmul.f32 v55, v14  }
0x133: {  	v60 =	vand.u32 $0xFFFF0000, v56;
	v56 =	vshll.u32 v56, $0x10;
	v51 =	vmul.f32 v51, v9;
	v48 =	vld.idx.msk [tilespmem:v48+s8+$0x0], $0xffff  }
0x134: {  	v56 =	vmul.f32 v56, v10;
	v61 =	vand.u32 $0xFFFF0000, v25;
	v25 =	vshll.u32 v25, $0x10;
	v52 =	vld.idx.msk [tilespmem:v52+s8+$0x0], $0xffff  }
0x135: {  	v49 =	vadd.f32 v58, v49;
	v54 =	vadd.f32 v54, v55;
	v25 =	vmul.f32 v25, v12;
	v53 =	vld.idx.msk [tilespmem:v53+s8+$0x0], $0xffff  }
0x136: {  	v51 =	vadd.f32 v59, v51;
	v56 =	vadd.f32 v60, v56;
	v55 =	vld.idx.msk [tilespmem:v57+s8+$0x0], $0xffff;
	v57 =	vshll.u32 v39, $0x10  }
0x137: {  	v58 =	vadd.s32 v0, v32;
	v25 =	vadd.f32 v61, v25;
	v57 =	vmul.f32 v57, v15;
	[tilespmem:s19+$0xFFFFFFE0] =	vst v49  }
0x138: {  	v39 =	vand.u32 $0xFFFF0000, v39;
	v49 =	vand.u32 $0xFFFF0000, v34;
	v34 =	vshll.u32 v34, $0x10;
	v15 =	vmovc v27;
	v42 =	vld.idx.msk [tilespmem:v42+s8+$0x0], $0xffff;
	[tilespmem:s19+$0x60] =	vst v54  }
0x139: {  	v34 =	vmul.f32 v34, v11;
	v11 =	vmov v26;
	v27 =	vadd.f32 v39, v57;
	v39 =	vld.idx.msk [tilespmem:v43+s8+$0x0], $0xffff;
	[tilespmem:s19+$0xE0] =	vst v51  }
0x13a: {  	v26 =	vshll.u32 v40, $0x10;
	v43 =	vand.u32 $0xFFFF0000, v50;
	v51 =	vshll.u32 v35, $0x10;
	[tilespmem:s19+$0xFFFFFE60] =	vst v56;
	v41 =	vld.idx.msk [tilespmem:v41+s8+$0x0], $0xffff  }
0x13b: {  	v54 =	vand.u32 $0xFFFF0000, v48;
	v56 =	vand.u32 $0xFFFF0000, v52;
	v34 =	vadd.f32 v49, v34;
	v30 =	vld.idx.msk [tilespmem:v30+s8+$0x0], $0xffff;
	[tilespmem:s19+$0x1E0] =	vst v25  }
0x13c: {  	v48 =	vshll.u32 v48, $0x10;
	v49 =	vshll.u32 v52, $0x10;
	v25 =	vshll.u32 v50, $0x10;
	v50 =	vld.idx.msk [tilespmem:v58+s8+$0x0], $0xffff;
	[tilespmem:s19+$0xFFFFFEF0] =	vst v27  }
0x13d: {  	v52 =	vshll.u32 v55, $0x10;
	v25 =	vmul.f32 v25, v15;
	v27 =	vshll.u32 v53, $0x10;
	v33 =	vld.idx.msk [tilespmem:v33+s11+$0x0], $0xffff;
	[tilespmem:s19+$0xFFFFFF70] =	vst v34  }
0x13e: {  	v34 =	vmul.f32 v48, v11;
	v48 =	vand.u32 $0xFFFF0000, v42;
	v42 =	vshll.u32 v42, $0x10;
	v23 =	vld.idx.msk [tilespmem:v23+s8+$0x0], $0xffff  }
0x13f: {  	v42 =	vmul.f32 v42, v13;
	v57 =	vand.u32 $0xFFFF0000, v39;
	v39 =	vshll.u32 v39, $0x10  }
0x140: {  	v13 =	vld.idx.msk [tilespmem:v36+s11+$0x0], $0xffff;
	v36 =	vmul.f32 v39, v14;
	v39 =	vand.u32 $0xFFFF0000, v41;
	v41 =	vshll.u32 v41, $0x10  }
0x141: {  	v14 =	vld.idx.msk [tilespmem:v37+s11+$0x0], $0xffff;
	v37 =	vand.u32 $0xFFFF0000, v30;
	v30 =	vshll.u32 v30, $0x10;
	v41 =	vmul.f32 v41, v9  }
0x142: {  	v42 =	vadd.f32 v48, v42;
	v9 =	vld.idx.msk [tilespmem:v38+s11+$0x0], $0xffff;
	v38 =	vshll.u32 v50, $0x10;
	v30 =	vmul.f32 v30, v10  }
0x143: {  	v36 =	vadd.f32 v57, v36;
	v10 =	vld.idx.msk [tilespmem:v28+s11+$0x0], $0xffff;
	v28 =	vmul.f32 v38, v33;
	v38 =	vadd.s32 v1, v32  }
0x144: {  	v48 =	vand.u32 $0xFFFF0000, v50;
	v19 =	vld.idx.msk [tilespmem:v19+s11+$0x0], $0xffff;
	[tilespmem:s19+$0xFFFFFFF0] =	vst v42;
	v42 =	vand.u32 $0xFFFF0000, v23;
	v23 =	vshll.u32 v23, $0x10  }
0x145: {  	v28 =	vadd.f32 v48, v28;
	[tilespmem:s19+$0x70] =	vst v36;
	v36 =	vadd.f32 v39, v41;
	v12 =	vmul.f32 v23, v12  }
0x146: {  	v30 =	vadd.f32 v37, v30;
	v23 =	vadd.f32 v43, v25;
	v25 =	vmul.f32 v49, v13;
	s19 =	sadd.s32 $0x400, s19  }
0x147: {  	v34 =	vadd.f32 v54, v34;
	v27 =	vmul.f32 v27, v14;
	[tilespmem:s19+$0x100] =	vst v28;
	v28 =	vadd.f32 v42, v12  }
0x148: {  	v41 =	vadd.f32 v56, v25;
	v25 =	vmul.f32 v52, v9;
	[tilespmem:s19+$0xFFFFFE80] =	vst v23;
	v23 =	vand.u32 $0xFFFF0000, v53;
	v37 =	vld.idx.msk [tilespmem:v38+s8+$0x0], $0xffff  }
0x149: {  	v26 =	vmul.f32 v26, v10;
	v38 =	vld.idx.msk [tilespmem:v46+s8+$0x0], $0xffff;
	[tilespmem:s19+$0xFFFFFF00] =	vst v34;
	v23 =	vadd.f32 v23, v27;
	v27 =	vand.u32 $0xFFFF0000, v55  }
0x14a: {  	v34 =	vand.u32 $0xFFFF0000, v40;
	v39 =	vld.idx.msk [tilespmem:v47+s8+$0x0], $0xffff;
	[tilespmem:s19+$0xFFFFFF80] =	vst v41;
	v25 =	vadd.f32 v27, v25;
	v27 =	vmul.f32 v51, v19  }
0x14b: {  	s22 =	sadd.s32 $0x7, s21;
	v40 =	vmov s21;
	v12 =	vmovc v19;
	v26 =	vadd.f32 v34, v26;
	v34 =	vld.idx.msk [tilespmem:v44+s8+$0x0], $0xffff;
	[tilespmem:s19+$0x0] =	vst v23;
	v23 =	vand.u32 $0xFFFF0000, v35  }
0x14c: {  	v19 =	vmov s22;
	v35 =	vld.idx.msk [tilespmem:v45+s8+$0x0], $0xffff;
	[tilespmem:s19+$0x80] =	vst v25;
	v41 =	vadd.f32 v23, v27;
	v23 =	vadd.s32 v7, v8  }
0x14d: {  	v27 =	vand.u32 $0xFFFFFFF8, v40;
	v25 =	vadd.s32 v6, v8;
	[tilespmem:s19+$0xFFFFFE00] =	vst v26;
	v26 =	vadd.s32 v2, v21;
	v31 =	vld.idx.msk [tilespmem:v31+s8+$0x0], $0xffff  }
0x14e: {  	v42 =	vadd.s32 v2, v16;
	v40 =	vadd.s32 v2, v20;
	v43 =	vshll.u32 v37, $0x10;
	v29 =	vld.idx.msk [tilespmem:v29+s8+$0x0], $0xffff;
	[tilespmem:s19+$0x180] =	vst v41  }
0x14f: {  	v44 =	vadd.s32 v2, v32;
	v41 =	vshll.u32 v38, $0x10;
	v43 =	vmul.f32 v43, v33;
	v24 =	vld.idx.msk [tilespmem:v24+s8+$0x0], $0xffff;
	[tilespmem:s20+$0xF0] =	vst v36  }
0x150: {  	v37 =	vand.u32 $0xFFFF0000, v37;
	v36 =	vmul.f32 v41, v15;
	v41 =	vshll.u32 v39, $0x10;
	[tilespmem:s20+$0xFFFFFE70] =	vst v30  }
0x151: {  	v30 =	vmul.f32 v41, v11;
	v41 =	vshll.u32 v34, $0x10;
	v37 =	vadd.f32 v37, v43;
	[tilespmem:s20+$0x1F0] =	vst v28;
	s20 =	smov.u32 s19  }
0x152: {  	v28 =	vand.u32 $0xFFFF0000, v38;
	v38 =	vmul.f32 v41, v13;
	v41 =	vshll.u32 v35, $0x10  }
0x153: {  	v39 =	vand.u32 $0xFFFF0000, v39;
	v41 =	vmul.f32 v41, v14;
	v43 =	vshll.u32 v31, $0x10;
	[tilespmem:s19+$0x110] =	vst v37  }
0x154: {  	v34 =	vand.u32 $0xFFFF0000, v34;
	v37 =	vshll.u32 v29, $0x10;
	v43 =	vmul.f32 v43, v9;
	v44 =	vld.idx.msk [tilespmem:v44+s8+$0x0], $0xffff  }
0x155: {  	v35 =	vand.u32 $0xFFFF0000, v35;
	v37 =	vmul.f32 v37, v10;
	v45 =	vshll.u32 v24, $0x10  }
0x156: {  	v31 =	vand.u32 $0xFFFF0000, v31;
	v29 =	vand.u32 $0xFFFF0000, v29;
	v45 =	vmul.f32 v45, v12  }
0x157: {  	v28 =	vadd.f32 v28, v36;
	v30 =	vadd.f32 v39, v30;
	v24 =	vand.u32 $0xFFFF0000, v24  }
0x158: {  	v34 =	vadd.f32 v34, v38;
	v38 =	vadd.s32 v2, v18;
	v35 =	vadd.f32 v35, v41;
	v36 =	vld.idx.msk [tilespmem:v19+s10+$0x0], $0xffff  }
0x159: {  	v29 =	vadd.f32 v29, v37;
	[tilespmem:s19+$0xFFFFFE90] =	vst v28;
	v28 =	vadd.f32 v31, v43;
	v31 =	vadd.s32 v2, v17  }
0x15a: {  	s22 =	sadd.s32 $0x1, s21;
	v37 =	vadd.s32 v2, v22;
	v39 =	vld.idx.msk [tilespmem:v26+s8+$0x0], $0xffff;
	[tilespmem:s19+$0xFFFFFF10] =	vst v30;
	v26 =	vshll.u32 v44, $0x10;
	v30 =	vadd.f32 v24, v45  }
0x15b: {  	v41 =	vmov s22;
	v43 =	vadd.s32 v3, v32;
	v40 =	vld.idx.msk [tilespmem:v40+s8+$0x0], $0xffff;
	[tilespmem:s19+$0xFFFFFF90] =	vst v34;
	v24 =	vmul.f32 v26, v33  }
0x15c: {  	s22 =	sadd.s32 $0x2, s21;
	v45 =	vadd.s32 v2, v8;
	v26 =	vand.u32 $0xFFFF0000, v44;
	v44 =	vadd.s32 v5, v8;
	v42 =	vld.idx.msk [tilespmem:v42+s8+$0x0], $0xffff;
	[tilespmem:s19+$0x10] =	vst v35  }
0x15d: {  	v46 =	vmov s22;
	s22 =	sadd.s32 $0x3, s21;
	v38 =	vld.idx.msk [tilespmem:v38+s8+$0x0], $0xffff;
	[tilespmem:s19+$0x90] =	vst v28;
	v28 =	vadd.f32 v26, v24;
	v26 =	vadd.s32 v4, v8  }
0x15e: {  	v48 =	vadd.s32 v3, v8;
	v47 =	vmov s22;
	s22 =	sadd.s32 $0x4, s21;
	v24 =	vadd.s32 v1, v36;
	v8 =	vmovc v36;
	[tilespmem:s19+$0xFFFFFE10] =	vst v29;
	v29 =	vld.idx.msk [tilespmem:v31+s8+$0x0], $0xffff  }
0x15f: {  	v34 =	vmov s22;
	v36 =	vadd.s32 v3, v21;
	v35 =	vadd.s32 v0, v8;
	v31 =	vld.idx.msk [tilespmem:v37+s8+$0x0], $0xffff;
	[tilespmem:s19+$0x120] =	vst v28  }
0x160: {  	v28 =	vand.u32 $0xFFFF0000, v39;
	v37 =	vshll.u32 v39, $0x10;
	v39 =	vadd.s32 v3, v20;
	v43 =	vld.idx.msk [tilespmem:v43+s8+$0x0], $0xffff;
	[tilespmem:s19+$0x190] =	vst v30  }
0x161: {  	v30 =	vmul.f32 v37, v15;
	v37 =	vand.u32 $0xFFFF0000, v40;
	v40 =	vshll.u32 v40, $0x10;
	v45 =	vld.idx.msk [tilespmem:v45+s8+$0x0], $0xffff  }
0x162: {  	v40 =	vmul.f32 v40, v11;
	v49 =	vand.u32 $0xFFFF0000, v42;
	v42 =	vshll.u32 v42, $0x10  }
0x163: {  	v42 =	vmul.f32 v42, v13;
	v50 =	vand.u32 $0xFFFF0000, v38;
	v38 =	vshll.u32 v38, $0x10  }
0x164: {  	v38 =	vmul.f32 v38, v14;
	v51 =	vand.u32 $0xFFFF0000, v29;
	v29 =	vshll.u32 v29, $0x10  }
0x165: {  	v52 =	vand.u32 $0xFFFF0000, v31;
	v31 =	vshll.u32 v31, $0x10;
	v29 =	vmul.f32 v29, v9  }
0x166: {  	v28 =	vadd.f32 v28, v30;
	v31 =	vmul.f32 v31, v10;
	v30 =	vshll.u32 v43, $0x10  }
0x167: {  	v53 =	vadd.s32 v4, v32;
	v30 =	vmul.f32 v30, v33;
	v54 =	vshll.u32 v45, $0x10  }
0x168: {  	[tilespmem:s19+$0xFFFFFEA0] =	vst v28;
	v28 =	vand.u32 $0xFFFF0000, v43;
	v43 =	vand.u32 $0xFFFF0000, v45;
	v45 =	vmul.f32 v54, v12  }
0x169: {  	v37 =	vadd.f32 v37, v40;
	v40 =	vadd.s32 v3, v16;
	v54 =	vld.idx.msk [tilespmem:v36+s8+$0x0], $0xffff;
	v28 =	vadd.f32 v28, v30  }
0x16a: {  	v42 =	vadd.f32 v49, v42;
	v49 =	vadd.s32 v3, v18;
	v38 =	vadd.f32 v50, v38  }
0x16b: {  	s22 =	sadd.s32 $0x5, s21;
	v29 =	vadd.f32 v51, v29;
	v51 =	vadd.s32 v3, v17;
	v50 =	vadd.f32 v52, v31;
	[tilespmem:s19+$0x130] =	vst v28  }
0x16c: {  	v52 =	vadd.s32 v3, v22;
	v36 =	vmov s22;
	v43 =	vadd.f32 v43, v45;
	[tilespmem:s19+$0xFFFFFF20] =	vst v37;
	v53 =	vld.idx.msk [tilespmem:v53+s8+$0x0], $0xffff  }
0x16d: {  	v31 =	vadd.s32 v6, v22;
	v30 =	vadd.s32 v7, v22;
	v28 =	vbroadcast v27, $0x0;
	v27 =	vld.idx.msk [tilespmem:v39+s8+$0x0], $0xffff;
	[tilespmem:s19+$0xFFFFFFA0] =	vst v42  }
0x16e: {  	v41 =	vand.u32 $0xFFFFFFF9, v41;
	v45 =	vadd.s32 v5, v22;
	v42 =	vadd.s32 v4, v22;
	v39 =	vld.idx.msk [tilespmem:v40+s8+$0x0], $0xffff;
	[tilespmem:s19+$0x20] =	vst v38  }
0x16f: {  	v22 =	vand.u32 $0xFFFF0000, v54;
	v37 =	vshll.u32 v54, $0x10;
	v38 =	vadd.s32 v4, v21;
	v40 =	vld.idx.msk [tilespmem:v49+s8+$0x0], $0xffff;
	[tilespmem:s19+$0xA0] =	vst v29  }
0x170: {  	v46 =	vand.u32 $0xFFFFFFFA, v46;
	v29 =	vmul.f32 v37, v15;
	v49 =	vadd.s32 v4, v20;
	[tilespmem:s19+$0xFFFFFE20] =	vst v50;
	v50 =	vld.idx.msk [tilespmem:v51+s8+$0x0], $0xffff  }
0x171: {  	v37 =	vand.u32 $0xFFFFFFFB, v47;
	v51 =	vadd.s32 v4, v16;
	v47 =	vld.idx.msk [tilespmem:v52+s8+$0x0], $0xffff;
	v52 =	vadd.s32 v4, v18;
	[tilespmem:s19+$0x1A0] =	vst v43  }
0x172: {  	v22 =	vadd.f32 v22, v29;
	v43 =	vadd.s32 v4, v17;
	v29 =	vshll.u32 v53, $0x10;
	v48 =	vld.idx.msk [tilespmem:v48+s8+$0x0], $0xffff  }
0x173: {  	v55 =	vadd.s32 v5, v32;
	v54 =	vshll.u32 v27, $0x10;
	v29 =	vmul.f32 v29, v33  }
0x174: {  	v53 =	vand.u32 $0xFFFF0000, v53;
	v54 =	vmul.f32 v54, v11;
	[tilespmem:s19+$0xFFFFFEB0] =	vst v22;
	v22 =	vshll.u32 v39, $0x10  }
0x175: {  	v29 =	vadd.f32 v53, v29;
	v38 =	vld.idx.msk [tilespmem:v38+s8+$0x0], $0xffff;
	v56 =	vmul.f32 v22, v13;
	v22 =	vshll.u32 v40, $0x10  }
0x176: {  	v27 =	vand.u32 $0xFFFF0000, v27;
	v57 =	vshll.u32 v50, $0x10;
	v53 =	vmul.f32 v22, v14  }
0x177: {  	v39 =	vand.u32 $0xFFFF0000, v39;
	v58 =	vshll.u32 v47, $0x10;
	v57 =	vmul.f32 v57, v9;
	v22 =	vld.idx.msk [tilespmem:v28+s10+$0x0], $0xffff;
	[tilespmem:s19+$0x140] =	vst v29  }
0x178: {  	v40 =	vand.u32 $0xFFFF0000, v40;
	v29 =	vmul.f32 v58, v10;
	v58 =	vshll.u32 v48, $0x10;
	v55 =	vld.idx.msk [tilespmem:v55+s8+$0x0], $0xffff  }
0x179: {  	v50 =	vand.u32 $0xFFFF0000, v50;
	v47 =	vand.u32 $0xFFFF0000, v47;
	v58 =	vmul.f32 v58, v12  }
0x17a: {  	v27 =	vadd.f32 v27, v54;
	v39 =	vadd.f32 v39, v56;
	v48 =	vand.u32 $0xFFFF0000, v48  }
0x17b: {  	v53 =	vadd.f32 v40, v53;
	v50 =	vadd.f32 v50, v57;
	v54 =	vshll.u32 v38, $0x10  }
0x17c: {  	v47 =	vadd.f32 v47, v29;
	v54 =	vmul.f32 v54, v15;
	[tilespmem:s19+$0xFFFFFF30] =	vst v27;
	v27 =	vadd.f32 v48, v58  }
0x17d: {  	v38 =	vand.u32 $0xFFFF0000, v38;
	v40 =	vadd.s32 v0, v22;
	v29 =	vadd.s32 v1, v22;
	v48 =	vld.idx.msk [tilespmem:v49+s8+$0x0], $0xffff;
	[tilespmem:s19+$0xFFFFFFB0] =	vst v39  }
0x17e: {  	v38 =	vadd.f32 v38, v54;
	v49 =	vadd.s32 v5, v21;
	v39 =	vshll.u32 v55, $0x10;
	v51 =	vld.idx.msk [tilespmem:v51+s8+$0x0], $0xffff;
	[tilespmem:s19+$0x30] =	vst v53  }
0x17f: {  	v54 =	vadd.s32 v6, v32;
	v53 =	vand.u32 $0xFFFFFFFC, v34;
	v52 =	vld.idx.msk [tilespmem:v52+s8+$0x0], $0xffff;
	[tilespmem:s19+$0xB0] =	vst v50;
	v50 =	vmul.f32 v39, v33  }
0x180: {  	v34 =	vadd.s32 v7, v20;
	v39 =	vadd.s32 v7, v21;
	[tilespmem:s19+$0xFFFFFE30] =	vst v47;
	v43 =	vld.idx.msk [tilespmem:v43+s8+$0x0], $0xffff;
	v47 =	vand.u32 $0xFFFF0000, v55  }
0x181: {  	v55 =	vbroadcast v41, $0x0;
	v41 =	vld.idx.msk [tilespmem:v42+s8+$0x0], $0xffff;
	v42 =	vadd.s32 v5, v20;
	v47 =	vadd.f32 v47, v50;
	[tilespmem:s19+$0x1B0] =	vst v27  }
0x182: {  	v46 =	vbroadcast v46, $0x0;
	v50 =	vadd.s32 v5, v18;
	[tilespmem:s19+$0xFFFFFEC0] =	vst v38;
	v38 =	vadd.s32 v5, v16;
	v26 =	vld.idx.msk [tilespmem:v26+s8+$0x0], $0xffff  }
0x183: {  	v56 =	vand.u32 $0xFFFF0000, v48;
	v27 =	vshll.u32 v48, $0x10;
	v48 =	vadd.s32 v5, v17;
	v49 =	vld.idx.msk [tilespmem:v49+s8+$0x0], $0xffff;
	[tilespmem:s19+$0x150] =	vst v47  }
0x184: {  	v47 =	vmul.f32 v27, v11;
	v57 =	vand.u32 $0xFFFF0000, v51;
	v27 =	vshll.u32 v51, $0x10;
	v51 =	vld.idx.msk [tilespmem:v54+s8+$0x0], $0xffff  }
0x185: {  	v54 =	vmul.f32 v27, v13;
	v58 =	vand.u32 $0xFFFF0000, v52;
	v27 =	vshll.u32 v52, $0x10  }
0x186: {  	v52 =	vmul.f32 v27, v14;
	v59 =	vand.u32 $0xFFFF0000, v43;
	v27 =	vshll.u32 v43, $0x10  }
0x187: {  	v43 =	vand.u32 $0xFFFF0000, v41;
	v41 =	vshll.u32 v41, $0x10;
	v60 =	vmul.f32 v27, v9  }
0x188: {  	v41 =	vmul.f32 v41, v10;
	v61 =	vand.u32 $0xFFFF0000, v26;
	v26 =	vshll.u32 v26, $0x10  }
0x189: {  	v47 =	vadd.f32 v56, v47;
	v54 =	vadd.f32 v57, v54;
	v56 =	vmul.f32 v26, v12;
	v27 =	vld.idx.msk [tilespmem:v55+s11+$0x0], $0xffff  }
0x18a: {  	v52 =	vadd.f32 v58, v52;
	v57 =	vadd.f32 v59, v60;
	v58 =	vshll.u32 v51, $0x10;
	v26 =	vld.idx.msk [tilespmem:v46+s11+$0x0], $0xffff  }
0x18b: {  	v32 =	vadd.s32 v7, v32;
	v41 =	vadd.f32 v43, v41;
	v43 =	vmul.f32 v58, v33;
	[tilespmem:s19+$0xFFFFFF40] =	vst v47  }
0x18c: {  	v47 =	vshll.u32 v49, $0x10;
	v58 =	vld.idx.msk [tilespmem:v42+s8+$0x0], $0xffff;
	[tilespmem:s19+$0xFFFFFFC0] =	vst v54;
	v42 =	vand.u32 $0xFFFF0000, v51;
	v51 =	vadd.f32 v61, v56  }
0x18d: {  	v49 =	vand.u32 $0xFFFF0000, v49;
	v47 =	vmul.f32 v47, v15;
	v54 =	vld.idx.msk [tilespmem:v38+s8+$0x0], $0xffff;
	[tilespmem:s19+$0x40] =	vst v52;
	v38 =	vadd.f32 v42, v43  }
0x18e: {  	v21 =	vadd.s32 v6, v21;
	v52 =	vand.u32 $0xFFFFFFFD, v36;
	v42 =	vadd.s32 v7, v16;
	v50 =	vld.idx.msk [tilespmem:v50+s8+$0x0], $0xffff;
	[tilespmem:s19+$0xC0] =	vst v57  }
0x18f: {  	v36 =	vbroadcast v37, $0x0;
	v43 =	vadd.s32 v7, v18;
	v49 =	vadd.f32 v49, v47;
	v48 =	vld.idx.msk [tilespmem:v48+s8+$0x0], $0xffff;
	[tilespmem:s19+$0x160] =	vst v38  }
0x190: {  	v37 =	vbroadcast v53, $0x0;
	v53 =	vadd.s32 v6, v20;
	[tilespmem:s19+$0xFFFFFE40] =	vst v41;
	v41 =	vadd.s32 v7, v17;
	v56 =	vld.idx.msk [tilespmem:v32+s8+$0x0], $0xffff  }
0x191: {  	v47 =	vadd.s32 v6, v16;
	v38 =	vbroadcast v52, $0x0;
	v52 =	vld.idx.msk [tilespmem:v45+s8+$0x0], $0xffff;
	v45 =	vadd.s32 v6, v18;
	[tilespmem:s19+$0x1C0] =	vst v51  }
0x192: {  	v32 =	vadd.s32 v6, v17;
	v18 =	vand.u32 $0xFFFF0000, v58;
	v16 =	vshll.u32 v58, $0x10;
	[tilespmem:s19+$0xFFFFFED0] =	vst v49;
	v49 =	vld.idx.msk [tilespmem:v44+s8+$0x0], $0xffff  }
0x193: {  	v17 =	vmul.f32 v16, v11;
	v51 =	vand.u32 $0xFFFF0000, v54;
	v16 =	vshll.u32 v54, $0x10;
	v44 =	vld.idx.msk [tilespmem:v21+s8+$0x0], $0xffff  }
0x194: {  	v54 =	vmul.f32 v16, v13;
	v16 =	vshll.u32 v50, $0x10;
	v21 =	vld.idx.msk [tilespmem:v55+s10+$0x0], $0xffff;
	v55 =	vand.u32 $0xFFFF0000, v50  }
0x195: {  	v50 =	vmul.f32 v16, v14;
	v57 =	vand.u32 $0xFFFF0000, v48;
	v20 =	vld.idx.msk [tilespmem:v46+s10+$0x0], $0xffff;
	v46 =	vshll.u32 v48, $0x10  }
0x196: {  	v48 =	vadd.f32 v18, v17;
	v17 =	vshll.u32 v56, $0x10;
	v16 =	vld.idx.msk [tilespmem:v36+s10+$0x0], $0xffff;
	v58 =	vmul.f32 v46, v9  }
.Ltmp0:
0x197: {  	v59 =	vand.u32 $0xFFFF0000, v52;
	v46 =	vshll.u32 v52, $0x10;
	v33 =	vmul.f32 v17, v33;
	v18 =	vld.idx.msk [tilespmem:v37+s10+$0x0], $0xffff;
	(pc) =	sbr.rel @p1 .LBB2_3-.Ltmp0, $4  }
0x198: {  	v60 =	vmul.f32 v46, v10;
	v46 =	vand.u32 $0xFFFF0000, v56;
	v52 =	vshll.u32 v49, $0x10;
	v17 =	vld.idx.msk [tilespmem:v38+s10+$0x0], $0xffff;
	[tilespmem:s19+$0xFFFFFF50] =	vst v48  }
0x199: {  	v33 =	vadd.f32 v46, v33;
	v46 =	vand.u32 $0xFFFF0000, v49;
	v52 =	vmul.f32 v52, v12;
	v48 =	vld.idx.msk [tilespmem:v53+s8+$0x0], $0xffff  }
0x19a: {  	v50 =	vadd.f32 v55, v50;
	v56 =	vshll.u32 v44, $0x10;
	v53 =	vadd.f32 v51, v54;
	v35 =	vld.idx.msk [tilespmem:v35+s8+$0x0], $0xffff  }
0x19b: {  	s22 =	sadd.s32 $0x6, s21;
	s21 =	sadd.s32 $0x8, s21;
	v49 =	vadd.f32 v59, v60;
	v54 =	vmul.f32 v56, v15;
	v51 =	vadd.f32 v57, v58;
	[tilespmem:s19+$0x170] =	vst v33  }
0x19c: {  	_ =	sdelay $0x3  }
0x19d: {  	v33 =	vld.idx.msk [tilespmem:v40+s8+$0x0], $0xffff;
	v59 =	vmov s22;
	[tilespmem:s19+$0xFFFFFFD0] =	vst v53;
	v46 =	vadd.f32 v46, v52;
	v52 =	vadd.s32 v1, v21  }
0x19e: {  	v44 =	vand.u32 $0xFFFF0000, v44;
	[tilespmem:s19+$0x50] =	vst v50;
	v50 =	vadd.s32 v0, v21;
	v53 =	vadd.s32 v1, v20;
	v47 =	vld.idx.msk [tilespmem:v47+s8+$0x0], $0xffff  }
0x19f: {  	v55 =	vadd.s32 v1, v18;
	v56 =	vadd.s32 v0, v18;
	v40 =	vand.u32 $0xFFFFFFFE, v59;
	v45 =	vld.idx.msk [tilespmem:v45+s8+$0x0], $0xffff;
	[tilespmem:s19+$0xD0] =	vst v51  }
0x1a0: {  	v44 =	vadd.f32 v44, v54;
	v51 =	vadd.s32 v1, v16;
	[tilespmem:s19+$0xFFFFFE50] =	vst v49;
	v60 =	vshll.u32 v48, $0x10;
	v61 =	vld.idx.msk [tilespmem:v32+s8+$0x0], $0xffff  }
0x1a1: {  	v54 =	vbroadcast v40, $0x0;
	v31 =	vld.idx.msk [tilespmem:v31+s8+$0x0], $0xffff;
	[tilespmem:s19+$0x1D0] =	vst v46;
	v46 =	vadd.s32 v0, v20;
	v62 =	vmul.f32 v60, v11  }
0x1a2: {  	v57 =	vadd.s32 v0, v17;
	v63 =	vand.u32 $0xFFFF0000, v48;
	v40 =	vadd.s32 v1, v17;
	[tilespmem:s19+$0xFFFFFEE0] =	vst v44;
	v25 =	vld.idx.msk [tilespmem:v25+s8+$0x0], $0xffff  }
0x1a3: {  	v44 =	vadd.s32 v0, v16;
	v39 =	vld.idx.msk [tilespmem:v39+s8+$0x0], $0xffff;
	v48 =	vadd.f32 v63, v62;
	v58 =	vand.u32 $0xFFFF0000, v47  }
0x1a4: {  	v50 =	vld.idx.msk [tilespmem:v50+s8+$0x0], $0xffff;
	v47 =	vshll.u32 v47, $0x10;
	v59 =	vshll.u32 v45, $0x10;
	v45 =	vand.u32 $0xFFFF0000, v45  }
0x1a5: {  	v56 =	vld.idx.msk [tilespmem:v56+s8+$0x0], $0xffff;
	[tilespmem:s19+$0xFFFFFF60] =	vst v48;
	v47 =	vmul.f32 v47, v13;
	v48 =	vmul.f32 v59, v14;
	v59 =	vand.u32 $0xFFFF0000, v61  }
0x1a6: {  	v49 =	vshll.u32 v61, $0x10;
	v60 =	vshll.u32 v31, $0x10;
	v46 =	vld.idx.msk [tilespmem:v46+s8+$0x0], $0xffff;
	v31 =	vand.u32 $0xFFFF0000, v31  }
0x1a7: {  	v32 =	vld.idx.msk [tilespmem:v54+s10+$0x0], $0xffff;
	v49 =	vmul.f32 v49, v9;
	v60 =	vmul.f32 v60, v10;
	v61 =	vand.u32 $0xFFFF0000, v25  }
0x1a8: {  	v34 =	vld.idx.msk [tilespmem:v34+s8+$0x0], $0xffff;
	v25 =	vshll.u32 v25, $0x10;
	v47 =	vadd.f32 v58, v47;
	v45 =	vadd.f32 v45, v48  }
0x1a9: {  	v44 =	vld.idx.msk [tilespmem:v44+s8+$0x0], $0xffff;
	v25 =	vmul.f32 v25, v12;
	v60 =	vadd.f32 v31, v60;
	v31 =	vshll.u32 v39, $0x10  }
0x1aa: {  	v57 =	vld.idx.msk [tilespmem:v57+s8+$0x0], $0xffff;
	v48 =	vshll.u32 v35, $0x10;
	v49 =	vadd.f32 v59, v49;
	[tilespmem:s19+$0xFFFFFFE0] =	vst v47;
	v15 =	vmul.f32 v31, v15  }
0x1ab: {  	v47 =	vadd.f32 v61, v25;
	[tilespmem:s19+$0x60] =	vst v45;
	v25 =	vand.u32 $0xFFFF0000, v39;
	v45 =	vshll.u32 v33, $0x10;
	v42 =	vld.idx.msk [tilespmem:v42+s8+$0x0], $0xffff  }
0x1ac: {  	v43 =	vld.idx.msk [tilespmem:v43+s8+$0x0], $0xffff;
	[tilespmem:s19+$0xE0] =	vst v49;
	v49 =	vand.u32 $0xFFFF0000, v46;
	v62 =	vshll.u32 v46, $0x10;
	v58 =	vadd.s32 v0, v32  }
0x1ad: {  	[tilespmem:s19+$0xFFFFFE60] =	vst v60;
	v39 =	vand.u32 $0xFFFF0000, v34;
	v34 =	vshll.u32 v34, $0x10;
	v31 =	vadd.f32 v25, v15;
	v15 =	vld.idx.msk [tilespmem:v41+s8+$0x0], $0xffff  }
0x1ae: {  	v41 =	vand.u32 $0xFFFF0000, v50;
	v59 =	vld.idx.msk [tilespmem:v30+s8+$0x0], $0xffff;
	v60 =	vand.u32 $0xFFFF0000, v44;
	v11 =	vmul.f32 v34, v11  }
0x1af: {  	v44 =	vshll.u32 v44, $0x10;
	v25 =	vld.idx.msk [tilespmem:v54+s11+$0x0], $0xffff;
	[tilespmem:s19+$0x1E0] =	vst v47;
	v47 =	vshll.u32 v56, $0x10;
	v54 =	vmul.f32 v62, v26  }
0x1b0: {  	v34 =	vld.idx.msk [tilespmem:v23+s8+$0x0], $0xffff;
	v30 =	vadd.f32 v39, v11;
	v11 =	vshll.u32 v50, $0x10;
	v50 =	vshll.u32 v57, $0x10  }
0x1b1: {  	v57 =	vand.u32 $0xFFFF0000, v57;
	v46 =	vmul.f32 v11, v27;
	v11 =	vshll.u32 v42, $0x10;
	v39 =	vld.idx.msk [tilespmem:v58+s8+$0x0], $0xffff  }
0x1b2: {  	v23 =	vshll.u32 v43, $0x10;
	v58 =	vand.u32 $0xFFFF0000, v42;
	v42 =	vmul.f32 v11, v13;
	v13 =	vld.idx.msk [tilespmem:v36+s11+$0x0], $0xffff  }
0x1b3: {  	v43 =	vand.u32 $0xFFFF0000, v43;
	v23 =	vmul.f32 v23, v14;
	v36 =	vand.u32 $0xFFFF0000, v15  }
0x1b4: {  	v15 =	vshll.u32 v15, $0x10;
	v14 =	vld.idx.msk [tilespmem:v37+s11+$0x0], $0xffff;
	v61 =	vand.u32 $0xFFFF0000, v59;
	v59 =	vshll.u32 v59, $0x10  }
0x1b5: {  	v11 =	vld.idx.msk [tilespmem:v38+s11+$0x0], $0xffff;
	v38 =	vadd.s32 v1, v32;
	v62 =	vmul.f32 v15, v9;
	v10 =	vmul.f32 v59, v10  }
0x1b6: {  	v15 =	vld.idx.msk [tilespmem:v28+s11+$0x0], $0xffff;
	v63 =	vadd.f32 v41, v46;
	v41 =	vadd.s32 v2, v21;
	v28 =	vadd.f32 v58, v42  }
0x1b7: {  	v9 =	vld.idx.msk [tilespmem:v19+s11+$0x0], $0xffff;
	v23 =	vadd.f32 v43, v23;
	v37 =	vshll.u32 v39, $0x10;
	v46 =	vmul.f32 v44, v13  }
0x1b8: {  	s21 =	sadd.s32 $0x400, s19;
	v58 =	vadd.f32 v49, v54;
	v19 =	vadd.f32 v36, v62;
	v37 =	vmul.f32 v37, v25  }
0x1b9: {  	[tilespmem:s21+$0xFFFFFE80] =	vst v63;
	v39 =	vand.u32 $0xFFFF0000, v39;
	v59 =	vmul.f32 v47, v14;
	v62 =	vadd.f32 v60, v46  }
0x1ba: {  	v63 =	vand.u32 $0xFFFF0000, v56;
	[tilespmem:s21+$0xFFFFFF00] =	vst v58;
	v50 =	vmul.f32 v50, v11;
	v44 =	vld.idx.msk [tilespmem:v52+s8+$0x0], $0xffff;
	v37 =	vadd.f32 v39, v37  }
0x1bb: {  	v49 =	vshll.u32 v34, $0x10;
	v56 =	vmul.f32 v45, v15;
	v45 =	vld.idx.msk [tilespmem:v53+s8+$0x0], $0xffff;
	v54 =	vadd.f32 v63, v59;
	[tilespmem:s21+$0xFFFFFF80] =	vst v62  }
0x1bc: {  	v10 =	vadd.f32 v61, v10;
	v58 =	vmul.f32 v48, v9;
	v42 =	vadd.f32 v57, v50;
	[tilespmem:s21+$0x100] =	vst v37  }
0x1bd: {  	v59 =	vand.u32 $0xFFFF0000, v33;
	v33 =	vmul.f32 v49, v12;
	v12 =	vadd.s32 v7, v8;
	[tilespmem:s21+$0x0] =	vst v54;
	v38 =	vld.idx.msk [tilespmem:v38+s8+$0x0], $0xffff  }
0x1be: {  	v60 =	vand.u32 $0xFFFF0000, v35;
	v35 =	vadd.s32 v6, v8;
	v61 =	vadd.f32 v59, v56;
	[tilespmem:s21+$0x80] =	vst v42;
	v43 =	vld.idx.msk [tilespmem:v51+s8+$0x0], $0xffff  }
0x1bf: {  	v42 =	vadd.s32 v2, v16;
	v54 =	vadd.s32 v2, v32;
	v62 =	vld.idx.msk [tilespmem:v55+s8+$0x0], $0xffff;
	v37 =	vadd.f32 v60, v58  }
0x1c0: {  	[tilespmem:s21+$0xFFFFFE00] =	vst v61;
	v63 =	vld.idx.msk [tilespmem:v40+s8+$0x0], $0xffff;
	v40 =	vadd.s32 v2, v20;
	v53 =	vshll.u32 v44, $0x10;
	v55 =	vshll.u32 v45, $0x10  }
0x1c1: {  	v44 =	vand.u32 $0xFFFF0000, v44;
	[tilespmem:s21+$0x180] =	vst v37;
	v37 =	vmul.f32 v53, v27;
	v48 =	vmul.f32 v55, v26  }
0x1c2: {  	v29 =	vld.idx.msk [tilespmem:v29+s8+$0x0], $0xffff;
	v45 =	vand.u32 $0xFFFF0000, v45;
	v53 =	vadd.s32 v2, v22;
	v52 =	vshll.u32 v38, $0x10  }
0x1c3: {  	v37 =	vadd.f32 v44, v37;
	v45 =	vadd.f32 v45, v48;
	v46 =	vmul.f32 v52, v25  }
0x1c4: {  	v56 =	vshll.u32 v43, $0x10;
	v58 =	vshll.u32 v62, $0x10;
	v38 =	vand.u32 $0xFFFF0000, v38  }
0x1c5: {  	v24 =	vld.idx.msk [tilespmem:v24+s8+$0x0], $0xffff;
	v59 =	vshll.u32 v63, $0x10;
	v43 =	vand.u32 $0xFFFF0000, v43;
	v38 =	vadd.f32 v38, v46  }
0x1c6: {  	v39 =	vand.u32 $0xFFFF0000, v62;
	v36 =	vand.u32 $0xFFFF0000, v63;
	v63 =	vadd.s32 v2, v18;
	[tilespmem:s21+$0xFFFFFE90] =	vst v37  }
0x1c7: {  	v57 =	vmul.f32 v56, v13;
	v49 =	vmul.f32 v58, v14;
	v60 =	vshll.u32 v29, $0x10;
	v41 =	vld.idx.msk [tilespmem:v41+s8+$0x0], $0xffff;
	[tilespmem:s21+$0x110] =	vst v38  }
0x1c8: {  	v50 =	vmul.f32 v59, v11;
	v29 =	vand.u32 $0xFFFF0000, v29;
	v56 =	vadd.s32 v3, v32;
	v47 =	vld.idx.msk [tilespmem:v54+s8+$0x0], $0xffff  }
0x1c9: {  	[tilespmem:s21+$0xFFFFFF10] =	vst v45;
	v58 =	vadd.s32 v2, v8;
	v37 =	vadd.s32 v3, v8;
	v52 =	vadd.s32 v2, v17  }
0x1ca: {  	v40 =	vld.idx.msk [tilespmem:v40+s8+$0x0], $0xffff;
	v61 =	vshll.u32 v24, $0x10;
	v43 =	vadd.f32 v43, v57;
	v36 =	vadd.f32 v36, v50  }
0x1cb: {  	v39 =	vadd.f32 v39, v49;
	v24 =	vand.u32 $0xFFFF0000, v24;
	v62 =	vmul.f32 v61, v9  }
0x1cc: {  	v46 =	vadd.s32 v3, v21;
	[tilespmem:s21+$0x90] =	vst v36;
	v36 =	vadd.s32 v4, v8;
	v38 =	vmul.f32 v60, v15  }
0x1cd: {  	[tilespmem:s21+$0xFFFFFF90] =	vst v43;
	v57 =	vadd.f32 v24, v62;
	v60 =	vand.u32 $0xFFFF0000, v41;
	v54 =	vshll.u32 v47, $0x10  }
0x1ce: {  	[tilespmem:s21+$0x10] =	vst v39;
	v42 =	vld.idx.msk [tilespmem:v42+s8+$0x0], $0xffff;
	v41 =	vshll.u32 v41, $0x10;
	v29 =	vadd.f32 v29, v38;
	v55 =	vmul.f32 v54, v25  }
0x1cf: {  	v59 =	vld.idx.msk [tilespmem:v63+s8+$0x0], $0xffff;
	v61 =	vshll.u32 v40, $0x10;
	[tilespmem:s21+$0x190] =	vst v57;
	v62 =	vmul.f32 v41, v27;
	v24 =	vand.u32 $0xFFFF0000, v47  }
0x1d0: {  	v40 =	vand.u32 $0xFFFF0000, v40;
	v41 =	vmul.f32 v61, v26;
	[tilespmem:s21+$0xFFFFFE10] =	vst v29;
	v29 =	vld.idx.msk [tilespmem:v52+s8+$0x0], $0xffff;
	v43 =	vadd.f32 v24, v55  }
0x1d1: {  	v39 =	vld.idx.msk [tilespmem:v58+s8+$0x0], $0xffff;
	v38 =	vadd.f32 v60, v62;
	v52 =	vadd.s32 v4, v32;
	v62 =	vadd.s32 v3, v16  }
0x1d2: {  	v40 =	vadd.f32 v40, v41;
	v24 =	vadd.s32 v5, v8;
	v8 =	vld.idx.msk [tilespmem:v53+s8+$0x0], $0xffff;
	[tilespmem:s21+$0x120] =	vst v43  }
0x1d3: {  	v41 =	vadd.s32 v4, v22;
	v63 =	vand.u32 $0xFFFF0000, v42;
	v42 =	vshll.u32 v42, $0x10;
	v45 =	vld.idx.msk [tilespmem:v56+s8+$0x0], $0xffff  }
0x1d4: {  	v44 =	vand.u32 $0xFFFF0000, v59;
	v47 =	vadd.s32 v3, v20;
	v42 =	vmul.f32 v42, v13  }
0x1d5: {  	v54 =	vadd.s32 v3, v18;
	v50 =	vand.u32 $0xFFFF0000, v29;
	v29 =	vshll.u32 v29, $0x10  }
0x1d6: {  	v63 =	vadd.f32 v63, v42;
	v29 =	vmul.f32 v29, v11;
	v56 =	vshll.u32 v59, $0x10  }
0x1d7: {  	[tilespmem:s21+$0xFFFFFEA0] =	vst v38;
	v59 =	vshll.u32 v39, $0x10;
	v57 =	vand.u32 $0xFFFF0000, v8;
	v8 =	vshll.u32 v8, $0x10  }
0x1d8: {  	[tilespmem:s21+$0xFFFFFF20] =	vst v40;
	v49 =	vmul.f32 v56, v14;
	v8 =	vmul.f32 v8, v15;
	v58 =	vshll.u32 v45, $0x10  }
0x1d9: {  	v46 =	vld.idx.msk [tilespmem:v46+s8+$0x0], $0xffff;
	v61 =	vmul.f32 v59, v9;
	v59 =	vadd.s32 v3, v22;
	v43 =	vmul.f32 v58, v25  }
0x1da: {  	[tilespmem:s21+$0xFFFFFFA0] =	vst v63;
	v47 =	vld.idx.msk [tilespmem:v47+s8+$0x0], $0xffff;
	v55 =	vadd.f32 v44, v49;
	v60 =	vand.u32 $0xFFFF0000, v45;
	v56 =	vadd.f32 v57, v8  }
0x1db: {  	v49 =	vld.idx.msk [tilespmem:v62+s8+$0x0], $0xffff;
	v57 =	vadd.s32 v3, v17;
	v8 =	vand.u32 $0xFFFF0000, v39;
	v38 =	vadd.f32 v60, v43  }
0x1dc: {  	[tilespmem:s21+$0x20] =	vst v55;
	v58 =	vadd.f32 v50, v29;
	v45 =	vadd.f32 v8, v61;
	v29 =	vadd.s32 v6, v22  }
0x1dd: {  	v8 =	vadd.s32 v7, v22;
	v50 =	vadd.s32 v5, v22;
	v22 =	vld.idx.msk [tilespmem:v54+s8+$0x0], $0xffff;
	[tilespmem:s21+$0x130] =	vst v38  }
0x1de: {  	v51 =	vadd.s32 v4, v18;
	v48 =	vadd.s32 v4, v16;
	v42 =	vadd.s32 v4, v17;
	v40 =	vld.idx.msk [tilespmem:v52+s8+$0x0], $0xffff  }
0x1df: {  	v53 =	vadd.s32 v5, v32;
	v63 =	vadd.s32 v4, v21;
	[tilespmem:s21+$0xFFFFFE20] =	vst v56;
	v60 =	vshll.u32 v46, $0x10  }
0x1e0: {  	v62 =	vand.u32 $0xFFFF0000, v46;
	v44 =	vadd.s32 v4, v20;
	[tilespmem:s21+$0xA0] =	vst v58;
	v39 =	vld.idx.msk [tilespmem:v59+s8+$0x0], $0xffff;
	v61 =	vmul.f32 v60, v27  }
0x1e1: {  	[tilespmem:s21+$0x1A0] =	vst v45;
	v58 =	vshll.u32 v47, $0x10;
	v59 =	vshll.u32 v49, $0x10;
	v49 =	vand.u32 $0xFFFF0000, v49;
	v46 =	vld.idx.msk [tilespmem:v57+s8+$0x0], $0xffff  }
0x1e2: {  	v37 =	vld.idx.msk [tilespmem:v37+s8+$0x0], $0xffff;
	v60 =	vmul.f32 v58, v26;
	v38 =	vadd.f32 v62, v61;
	v52 =	vmul.f32 v59, v13  }
0x1e3: {  	v61 =	vshll.u32 v22, $0x10;
	v62 =	vand.u32 $0xFFFF0000, v47;
	v57 =	vshll.u32 v40, $0x10  }
0x1e4: {  	v22 =	vand.u32 $0xFFFF0000, v22;
	v47 =	vmul.f32 v61, v14;
	v45 =	vmul.f32 v57, v25  }
0x1e5: {  	[tilespmem:s21+$0xFFFFFEB0] =	vst v38;
	v38 =	vadd.f32 v62, v60;
	v61 =	vadd.f32 v49, v52;
	v40 =	vand.u32 $0xFFFF0000, v40  }
0x1e6: {  	v49 =	vadd.s32 v5, v20;
	v43 =	vld.idx.msk [tilespmem:v63+s8+$0x0], $0xffff;
	v63 =	vshll.u32 v46, $0x10;
	v40 =	vadd.f32 v40, v45  }
0x1e7: {  	v52 =	vadd.s32 v5, v17;
	v59 =	vshll.u32 v37, $0x10;
	[tilespmem:s21+$0xFFFFFF30] =	vst v38;
	v54 =	vmul.f32 v63, v11  }
0x1e8: {  	v60 =	vand.u32 $0xFFFF0000, v46;
	v62 =	vmul.f32 v59, v9;
	v44 =	vld.idx.msk [tilespmem:v44+s8+$0x0], $0xffff;
	v57 =	vshll.u32 v39, $0x10;
	[tilespmem:s21+$0x140] =	vst v40  }
0x1e9: {  	v37 =	vand.u32 $0xFFFF0000, v37;
	v58 =	vmul.f32 v57, v15;
	v55 =	vadd.f32 v60, v54;
	v53 =	vld.idx.msk [tilespmem:v53+s8+$0x0], $0xffff  }
0x1ea: {  	v22 =	vadd.f32 v22, v47;
	[tilespmem:s21+$0xFFFFFFB0] =	vst v61;
	v39 =	vand.u32 $0xFFFF0000, v39;
	v37 =	vadd.f32 v37, v62  }
0x1eb: {  	v60 =	vadd.s32 v6, v32;
	v39 =	vadd.f32 v39, v58;
	v58 =	vld.idx.msk [tilespmem:v48+s8+$0x0], $0xffff;
	[tilespmem:s21+$0xB0] =	vst v55  }
0x1ec: {  	[tilespmem:s21+$0x30] =	vst v22;
	v63 =	vshll.u32 v43, $0x10;
	v57 =	vand.u32 $0xFFFF0000, v43;
	v45 =	vadd.s32 v5, v21;
	v61 =	vld.idx.msk [tilespmem:v42+s8+$0x0], $0xffff  }
0x1ed: {  	[tilespmem:s21+$0x1B0] =	vst v37;
	v37 =	vadd.s32 v5, v16;
	v56 =	vmul.f32 v63, v27;
	v48 =	vadd.s32 v5, v18  }
0x1ee: {  	v46 =	vld.idx.msk [tilespmem:v51+s8+$0x0], $0xffff;
	v42 =	vadd.s32 v7, v21;
	v63 =	vand.u32 $0xFFFF0000, v44;
	v22 =	vshll.u32 v53, $0x10  }
0x1ef: {  	v44 =	vshll.u32 v44, $0x10;
	v21 =	vadd.s32 v6, v21;
	[tilespmem:s21+$0xFFFFFE30] =	vst v39;
	v59 =	vmul.f32 v22, v25  }
0x1f0: {  	v40 =	vadd.f32 v57, v56;
	v56 =	vmul.f32 v44, v26;
	v41 =	vld.idx.msk [tilespmem:v41+s8+$0x0], $0xffff;
	v62 =	vand.u32 $0xFFFF0000, v53  }
0x1f1: {  	v57 =	vshll.u32 v58, $0x10;
	v39 =	vshll.u32 v61, $0x10;
	v38 =	vadd.f32 v62, v59  }
0x1f2: {  	v36 =	vld.idx.msk [tilespmem:v36+s8+$0x0], $0xffff;
	[tilespmem:s21+$0xFFFFFEC0] =	vst v40;
	v58 =	vand.u32 $0xFFFF0000, v58;
	v44 =	vmul.f32 v57, v13;
	v39 =	vmul.f32 v39, v11  }
0x1f3: {  	v45 =	vld.idx.msk [tilespmem:v45+s8+$0x0], $0xffff;
	v53 =	vadd.s32 v6, v16;
	v59 =	vshll.u32 v46, $0x10;
	[tilespmem:s21+$0x150] =	vst v38;
	v38 =	vadd.f32 v63, v56  }
0x1f4: {  	v40 =	vadd.f32 v58, v44;
	v46 =	vand.u32 $0xFFFF0000, v46;
	v47 =	vmul.f32 v59, v14  }
0x1f5: {  	v43 =	vld.idx.msk [tilespmem:v60+s8+$0x0], $0xffff;
	v60 =	vand.u32 $0xFFFF0000, v61;
	v61 =	vand.u32 $0xFFFF0000, v41;
	v41 =	vshll.u32 v41, $0x10;
	[tilespmem:s21+$0xFFFFFF40] =	vst v38  }
0x1f6: {  	[tilespmem:s21+$0xFFFFFFC0] =	vst v40;
	v46 =	vadd.f32 v46, v47;
	v63 =	vmul.f32 v41, v15;
	v56 =	vld.idx.msk [tilespmem:v49+s8+$0x0], $0xffff  }
0x1f7: {  	v22 =	vadd.s32 v7, v20;
	v62 =	vshll.u32 v36, $0x10;
	v37 =	vld.idx.msk [tilespmem:v37+s8+$0x0], $0xffff;
	v39 =	vadd.f32 v60, v39  }
0x1f8: {  	v58 =	vshll.u32 v45, $0x10;
	v55 =	vmul.f32 v62, v9;
	[tilespmem:s21+$0x40] =	vst v46;
	v38 =	vadd.f32 v61, v63  }
0x1f9: {  	v20 =	vadd.s32 v6, v20;
	v36 =	vand.u32 $0xFFFF0000, v36;
	v59 =	vmul.f32 v58, v27;
	v61 =	vld.idx.msk [tilespmem:v48+s8+$0x0], $0xffff;
	[tilespmem:s21+$0xC0] =	vst v39  }
0x1fa: {  	v36 =	vadd.f32 v36, v55;
	v55 =	vadd.s32 v6, v18;
	v60 =	vand.u32 $0xFFFF0000, v45;
	v63 =	vld.idx.msk [tilespmem:v52+s8+$0x0], $0xffff;
	[tilespmem:s21+$0xFFFFFE40] =	vst v38  }
0x1fb: {  	v62 =	vadd.f32 v60, v59;
	v57 =	vshll.u32 v43, $0x10;
	v52 =	vld.idx.msk [tilespmem:v50+s8+$0x0], $0xffff;
	v51 =	vshll.u32 v56, $0x10  }
0x1fc: {  	[tilespmem:s21+$0x1C0] =	vst v36;
	v47 =	vmul.f32 v57, v25;
	v57 =	vand.u32 $0xFFFF0000, v37;
	v54 =	vmul.f32 v51, v26  }
0x1fd: {  	v24 =	vld.idx.msk [tilespmem:v24+s8+$0x0], $0xffff;
	v37 =	vshll.u32 v37, $0x10;
	v44 =	vand.u32 $0xFFFF0000, v56;
	v56 =	vadd.s32 v6, v17  }
0x1fe: {  	v37 =	vmul.f32 v37, v13;
	v59 =	vshll.u32 v61, $0x10;
	v36 =	vadd.f32 v44, v54  }
0x1ff: {  	[tilespmem:s21+$0xFFFFFED0] =	vst v62;
	v58 =	vand.u32 $0xFFFF0000, v61;
	v40 =	vshll.u32 v63, $0x10;
	v44 =	vmul.f32 v59, v14  }
0x200: {  	v21 =	vld.idx.msk [tilespmem:v21+s8+$0x0], $0xffff;
	v37 =	vadd.f32 v57, v37;
	v61 =	vmul.f32 v40, v11;
	v62 =	vshll.u32 v52, $0x10;
	[tilespmem:s21+$0xFFFFFF50] =	vst v36  }
0x201: {  	[tilespmem:s19+$0xFFFFFEF0] =	vst v31;
	v60 =	vand.u32 $0xFFFF0000, v63;
	v31 =	vmul.f32 v62, v15;
	v39 =	vadd.f32 v58, v44;
	v20 =	vld.idx.msk [tilespmem:v20+s8+$0x0], $0xffff  }
0x202: {  	v63 =	vshll.u32 v24, $0x10;
	v41 =	vand.u32 $0xFFFF0000, v52;
	[tilespmem:s21+$0xFFFFFFD0] =	vst v37;
	v36 =	vadd.f32 v60, v61  }
0x203: {  	v40 =	vmul.f32 v63, v9;
	v50 =	vld.idx.msk [tilespmem:v53+s8+$0x0], $0xffff;
	v31 =	vadd.f32 v41, v31;
	[tilespmem:s21+$0x50] =	vst v39  }
0x204: {  	v32 =	vadd.s32 v7, v32;
	v16 =	vadd.s32 v7, v16;
	v24 =	vand.u32 $0xFFFF0000, v24;
	[tilespmem:s21+$0xD0] =	vst v36;
	v38 =	vld.idx.msk [tilespmem:v55+s8+$0x0], $0xffff  }
0x205: {  	v18 =	vadd.s32 v7, v18;
	v51 =	vshll.u32 v21, $0x10;
	v24 =	vadd.f32 v24, v40;
	v53 =	vld.idx.msk [tilespmem:v56+s8+$0x0], $0xffff;
	[tilespmem:s21+$0xFFFFFE50] =	vst v31  }
0x206: {  	[tilespmem:s19+$0xFFFFFF70] =	vst v30;
	v49 =	vand.u32 $0xFFFF0000, v43;
	v52 =	vmul.f32 v51, v27;
	v29 =	vld.idx.msk [tilespmem:v29+s8+$0x0], $0xffff;
	v31 =	vshll.u32 v20, $0x10  }
0x207: {  	v21 =	vand.u32 $0xFFFF0000, v21;
	v37 =	vadd.f32 v49, v47;
	[tilespmem:s21+$0x1D0] =	vst v24;
	v31 =	vmul.f32 v31, v26  }
0x208: {  	[tilespmem:s19+$0xFFFFFFF0] =	vst v28;
	v17 =	vadd.s32 v7, v17;
	v21 =	vadd.f32 v21, v52;
	v24 =	vld.idx.msk [tilespmem:v35+s8+$0x0], $0xffff;
	v20 =	vand.u32 $0xFFFF0000, v20  }
0x209: {  	[tilespmem:s21+$0x160] =	vst v37;
	v30 =	vand.u32 $0xFFFF0000, v50;
	v20 =	vadd.f32 v20, v31;
	v31 =	vshll.u32 v50, $0x10  }
0x20a: {  	v32 =	vld.idx.msk [tilespmem:v32+s8+$0x0], $0xffff;
	[tilespmem:s21+$0xFFFFFEE0] =	vst v21;
	v54 =	vshll.u32 v38, $0x10;
	v57 =	vshll.u32 v53, $0x10;
	v21 =	vmul.f32 v31, v13  }
0x20b: {  	v55 =	vld.idx.msk [tilespmem:v42+s8+$0x0], $0xffff;
	v37 =	vmul.f32 v57, v11;
	v28 =	vshll.u32 v29, $0x10;
	[tilespmem:s21+$0xFFFFFF60] =	vst v20;
	v20 =	vmul.f32 v54, v14  }
0x20c: {  	[tilespmem:s19+$0x70] =	vst v23;
	v31 =	vand.u32 $0xFFFF0000, v38;
	v23 =	vmul.f32 v28, v15;
	v22 =	vld.idx.msk [tilespmem:v22+s8+$0x0], $0xffff;
	v21 =	vadd.f32 v30, v21  }
0x20d: {  	v29 =	vand.u32 $0xFFFF0000, v29;
	v28 =	vshll.u32 v24, $0x10;
	v20 =	vadd.f32 v31, v20  }
0x20e: {  	v56 =	vand.u32 $0xFFFF0000, v53;
	v28 =	vmul.f32 v28, v9;
	v23 =	vadd.f32 v29, v23;
	[tilespmem:s21+$0xFFFFFFE0] =	vst v21  }
0x20f: {  	v24 =	vand.u32 $0xFFFF0000, v24;
	v30 =	vadd.f32 v56, v37;
	v16 =	vld.idx.msk [tilespmem:v16+s8+$0x0], $0xffff;
	[tilespmem:s21+$0x60] =	vst v20  }
0x210: {  	v29 =	vshll.u32 v55, $0x10;
	v24 =	vadd.f32 v24, v28;
	v20 =	vshll.u32 v32, $0x10;
	[tilespmem:s21+$0xFFFFFE60] =	vst v23;
	v18 =	vld.idx.msk [tilespmem:v18+s8+$0x0], $0xffff  }
0x211: {  	[tilespmem:s21+$0xE0] =	vst v30;
	v20 =	vmul.f32 v20, v25;
	v25 =	vmul.f32 v29, v27;
	v8 =	vld.idx.msk [tilespmem:v8+s8+$0x0], $0xffff;
	v27 =	vshll.u32 v22, $0x10  }
0x212: {  	v34 =	vand.u32 $0xFFFF0000, v34;
	[tilespmem:s20+$0xF0] =	vst v19;
	v17 =	vld.idx.msk [tilespmem:v17+s8+$0x0], $0xffff;
	v23 =	vand.u32 $0xFFFF0000, v32;
	v26 =	vmul.f32 v27, v26  }
0x213: {  	v28 =	vand.u32 $0xFFFF0000, v55;
	[tilespmem:s21+$0x1E0] =	vst v24;
	v19 =	vadd.f32 v23, v20;
	v20 =	vand.u32 $0xFFFF0000, v22  }
0x214: {  	[tilespmem:s20+$0xFFFFFE70] =	vst v10;
	v12 =	vld.idx.msk [tilespmem:v12+s8+$0x0], $0xffff;
	v10 =	vadd.f32 v20, v26;
	v20 =	vand.u32 $0xFFFF0000, v16;
	v16 =	vshll.u32 v16, $0x10  }
0x215: {  	v21 =	vadd.f32 v34, v33;
	v22 =	vadd.f32 v28, v25;
	v13 =	vmul.f32 v16, v13  }
0x216: {  	[tilespmem:s21+$0x170] =	vst v19;
	v16 =	vand.u32 $0xFFFF0000, v18;
	v18 =	vshll.u32 v18, $0x10;
	v19 =	vshll.u32 v8, $0x10  }
0x217: {  	[tilespmem:s20+$0x1F0] =	vst v21;
	v8 =	vand.u32 $0xFFFF0000, v8;
	v14 =	vmul.f32 v18, v14;
	v18 =	vand.u32 $0xFFFF0000, v17  }
0x218: {  	v17 =	vshll.u32 v17, $0x10;
	[tilespmem:s21+$0xFFFFFF70] =	vst v10;
	v10 =	vmul.f32 v19, v15;
	v13 =	vadd.f32 v20, v13  }
0x219: {  	[tilespmem:s21+$0xFFFFFEF0] =	vst v22;
	v15 =	vshll.u32 v12, $0x10;
	v11 =	vmul.f32 v17, v11;
	v14 =	vadd.f32 v16, v14  }
0x21a: {  	v9 =	vmul.f32 v15, v9;
	v8 =	vadd.f32 v8, v10;
	[tilespmem:s21+$0xFFFFFFF0] =	vst v13  }
0x21b: {  	v12 =	vand.u32 $0xFFFF0000, v12;
	v11 =	vadd.f32 v18, v11;
	[tilespmem:s21+$0x70] =	vst v14  }
0x21c: {  	s26 =	sadd.s32 s3, s18;
	v9 =	vadd.f32 v12, v9;
	[tilespmem:s21+$0xFFFFFE70] =	vst v8  }
0x21d: {  	s19 =	sshll.u32 s26, $0x4;
	[tilespmem:s21+$0xF0] =	vst v11  }
0x21e: {  	s19 =	sadd.s32 s2, s19;
	[tilespmem:s21+$0x1F0] =	vst v9  }
0x21f: {  	[hbm4b:s19+s4] =	stream.linear.scatter [tilespmem:s12], [sflag:$0x1], $0x8000, $0x38;
	[tilespmem:$0x17F80] =	vst v63  }
0x220: {  	s19 =	simm.s32 @!p0 $0x2  }
0x221: {  	_ =	swait.ge @!p0 [sflag:s19], $0x8000  }
0x222: {  	[sflag:s19] =	ssyncset.done @!p0 $0x0  }
0x223: {  	[sflag:s19] =	ssyncadd.s32 @!p0 $0xFFFF8000;
	s19 =	sor.u32 $0x100, s18  }
0x224: {  	v8 =	vld [tilespmem:s19+$0x0];
	_ =	sdelay $0x4  }
0x225: {  	v8 =	vmul.f32 $5.100000000e+01, v8;
	_ =	sdelay $0x1  }
0x226: {  	v8 =	vmax.f32 v8, $0.0e+00  }
0x227: {  	v8 =	vmin.f32 v8, $5.000000000e+01  }
0x228: {  	v9 =	vtrunc.f32 v8  }
0x229: {  	v9 =	vcvt.f32.s32 v9;
	_ =	sdelay $0x1  }
0x22a: {  	v10 =	vcvt.s32.f32 v9;
	_ =	sdelay $0x1  }
0x22b: {  	v9 =	vshll.u32 v9, $0x7;
	v8 =	vsub.f32 v8, v10  }
0x22c: {  	[tilespmem:$0x7D80] =	vst v9  }
0x22d: {  	[tilespmem:$0x7E80] =	vst v8  }
0x22e: {  	v8 =	vld [tilespmem:s18+$0x110];
	_ =	sdelay $0x4  }
0x22f: {  	v8 =	vmul.f32 $5.100000000e+01, v8;
	_ =	sdelay $0x1  }
0x230: {  	v8 =	vmax.f32 v8, $0.0e+00  }
0x231: {  	v8 =	vmin.f32 v8, $5.000000000e+01  }
0x232: {  	v9 =	vtrunc.f32 v8  }
0x233: {  	v9 =	vcvt.f32.s32 v9;
	_ =	sdelay $0x1  }
0x234: {  	v10 =	vcvt.s32.f32 v9;
	_ =	sdelay $0x1  }
0x235: {  	v9 =	vshll.u32 v9, $0x7;
	v8 =	vsub.f32 v8, v10  }
0x236: {  	[tilespmem:$0x7D90] =	vst v9  }
0x237: {  	[tilespmem:$0x7E90] =	vst v8  }
0x238: {  	v8 =	vld [tilespmem:s18+$0x120];
	_ =	sdelay $0x4  }
0x239: {  	v8 =	vmul.f32 $5.100000000e+01, v8;
	_ =	sdelay $0x1  }
0x23a: {  	v8 =	vmax.f32 v8, $0.0e+00  }
0x23b: {  	v8 =	vmin.f32 v8, $5.000000000e+01  }
0x23c: {  	v9 =	vtrunc.f32 v8  }
0x23d: {  	v9 =	vcvt.f32.s32 v9;
	_ =	sdelay $0x1  }
0x23e: {  	v10 =	vcvt.s32.f32 v9;
	_ =	sdelay $0x1  }
0x23f: {  	v9 =	vshll.u32 v9, $0x7;
	v8 =	vsub.f32 v8, v10  }
0x240: {  	[tilespmem:$0x7DA0] =	vst v9  }
0x241: {  	[tilespmem:$0x7EA0] =	vst v8  }
0x242: {  	v8 =	vld [tilespmem:s18+$0x130];
	_ =	sdelay $0x4  }
0x243: {  	v8 =	vmul.f32 $5.100000000e+01, v8;
	_ =	sdelay $0x1  }
0x244: {  	v8 =	vmax.f32 v8, $0.0e+00  }
0x245: {  	v8 =	vmin.f32 v8, $5.000000000e+01  }
0x246: {  	v9 =	vtrunc.f32 v8  }
0x247: {  	v9 =	vcvt.f32.s32 v9;
	_ =	sdelay $0x1  }
0x248: {  	v10 =	vcvt.s32.f32 v9;
	_ =	sdelay $0x1  }
0x249: {  	v9 =	vshll.u32 v9, $0x7;
	v8 =	vsub.f32 v8, v10  }
0x24a: {  	[tilespmem:$0x7DB0] =	vst v9  }
0x24b: {  	[tilespmem:$0x7EB0] =	vst v8  }
0x24c: {  	v8 =	vld [tilespmem:s18+$0x140];
	_ =	sdelay $0x4  }
0x24d: {  	v8 =	vmul.f32 $5.100000000e+01, v8;
	_ =	sdelay $0x1  }
0x24e: {  	v8 =	vmax.f32 v8, $0.0e+00  }
0x24f: {  	v8 =	vmin.f32 v8, $5.000000000e+01  }
0x250: {  	v9 =	vtrunc.f32 v8  }
0x251: {  	v9 =	vcvt.f32.s32 v9;
	_ =	sdelay $0x1  }
0x252: {  	v10 =	vcvt.s32.f32 v9;
	_ =	sdelay $0x1  }
0x253: {  	v9 =	vshll.u32 v9, $0x7;
	v8 =	vsub.f32 v8, v10  }
0x254: {  	[tilespmem:$0x7DC0] =	vst v9  }
0x255: {  	[tilespmem:$0x7EC0] =	vst v8  }
0x256: {  	v8 =	vld [tilespmem:s18+$0x150];
	_ =	sdelay $0x4  }
0x257: {  	v8 =	vmul.f32 $5.100000000e+01, v8;
	_ =	sdelay $0x1  }
0x258: {  	v8 =	vmax.f32 v8, $0.0e+00  }
0x259: {  	v8 =	vmin.f32 v8, $5.000000000e+01  }
0x25a: {  	v9 =	vtrunc.f32 v8  }
0x25b: {  	v9 =	vcvt.f32.s32 v9;
	_ =	sdelay $0x1  }
0x25c: {  	v10 =	vcvt.s32.f32 v9;
	_ =	sdelay $0x1  }
0x25d: {  	v9 =	vshll.u32 v9, $0x7;
	v8 =	vsub.f32 v8, v10  }
0x25e: {  	[tilespmem:$0x7DD0] =	vst v9  }
0x25f: {  	[tilespmem:$0x7ED0] =	vst v8  }
0x260: {  	v8 =	vld [tilespmem:s18+$0x160];
	_ =	sdelay $0x4  }
0x261: {  	v8 =	vmul.f32 $5.100000000e+01, v8;
	_ =	sdelay $0x1  }
0x262: {  	v8 =	vmax.f32 v8, $0.0e+00  }
0x263: {  	v8 =	vmin.f32 v8, $5.000000000e+01  }
0x264: {  	v9 =	vtrunc.f32 v8  }
0x265: {  	v9 =	vcvt.f32.s32 v9;
	_ =	sdelay $0x1  }
0x266: {  	v10 =	vcvt.s32.f32 v9;
	_ =	sdelay $0x1  }
0x267: {  	v9 =	vshll.u32 v9, $0x7;
	v8 =	vsub.f32 v8, v10  }
0x268: {  	[tilespmem:$0x7DE0] =	vst v9  }
0x269: {  	[tilespmem:$0x7EE0] =	vst v8  }
0x26a: {  	v8 =	vld [tilespmem:s18+$0x170];
	_ =	sdelay $0x4  }
0x26b: {  	v8 =	vmul.f32 $5.100000000e+01, v8;
	_ =	sdelay $0x1  }
0x26c: {  	v8 =	vmax.f32 v8, $0.0e+00  }
0x26d: {  	v8 =	vmin.f32 v8, $5.000000000e+01  }
0x26e: {  	v9 =	vtrunc.f32 v8  }
0x26f: {  	v9 =	vcvt.f32.s32 v9;
	_ =	sdelay $0x1  }
0x270: {  	v10 =	vcvt.s32.f32 v9;
	_ =	sdelay $0x1  }
0x271: {  	v9 =	vshll.u32 v9, $0x7;
	v8 =	vsub.f32 v8, v10  }
0x272: {  	[tilespmem:$0x7DF0] =	vst v9  }
0x273: {  	[tilespmem:$0x7EF0] =	vst v8  }
0x274: {  	v8 =	vld [tilespmem:s18+$0x180];
	_ =	sdelay $0x4  }
0x275: {  	v8 =	vmul.f32 $5.100000000e+01, v8;
	_ =	sdelay $0x1  }
0x276: {  	v8 =	vmax.f32 v8, $0.0e+00  }
0x277: {  	v8 =	vmin.f32 v8, $5.000000000e+01  }
0x278: {  	v9 =	vtrunc.f32 v8  }
0x279: {  	v9 =	vcvt.f32.s32 v9;
	_ =	sdelay $0x1  }
0x27a: {  	v10 =	vcvt.s32.f32 v9;
	_ =	sdelay $0x1  }
0x27b: {  	v9 =	vshll.u32 v9, $0x7;
	v8 =	vsub.f32 v8, v10  }
0x27c: {  	[tilespmem:$0x7E00] =	vst v9  }
0x27d: {  	[tilespmem:$0x7F00] =	vst v8  }
0x27e: {  	v8 =	vld [tilespmem:s18+$0x190];
	_ =	sdelay $0x4  }
0x27f: {  	v8 =	vmul.f32 $5.100000000e+01, v8;
	_ =	sdelay $0x1  }
0x280: {  	v8 =	vmax.f32 v8, $0.0e+00  }
0x281: {  	v8 =	vmin.f32 v8, $5.000000000e+01  }
0x282: {  	v9 =	vtrunc.f32 v8  }
0x283: {  	v9 =	vcvt.f32.s32 v9;
	_ =	sdelay $0x1  }
0x284: {  	v10 =	vcvt.s32.f32 v9;
	_ =	sdelay $0x1  }
0x285: {  	v9 =	vshll.u32 v9, $0x7;
	v8 =	vsub.f32 v8, v10  }
0x286: {  	[tilespmem:$0x7E10] =	vst v9  }
0x287: {  	[tilespmem:$0x7F10] =	vst v8  }
0x288: {  	v8 =	vld [tilespmem:s18+$0x1A0];
	_ =	sdelay $0x4  }
0x289: {  	v8 =	vmul.f32 $5.100000000e+01, v8;
	_ =	sdelay $0x1  }
0x28a: {  	v8 =	vmax.f32 v8, $0.0e+00  }
0x28b: {  	v8 =	vmin.f32 v8, $5.000000000e+01  }
0x28c: {  	v9 =	vtrunc.f32 v8  }
0x28d: {  	v9 =	vcvt.f32.s32 v9;
	_ =	sdelay $0x1  }
0x28e: {  	v10 =	vcvt.s32.f32 v9;
	_ =	sdelay $0x1  }
0x28f: {  	v9 =	vshll.u32 v9, $0x7;
	v8 =	vsub.f32 v8, v10  }
0x290: {  	[tilespmem:$0x7E20] =	vst v9  }
0x291: {  	[tilespmem:$0x7F20] =	vst v8  }
0x292: {  	v8 =	vld [tilespmem:s18+$0x1B0];
	_ =	sdelay $0x4  }
0x293: {  	v8 =	vmul.f32 $5.100000000e+01, v8;
	_ =	sdelay $0x1  }
0x294: {  	v8 =	vmax.f32 v8, $0.0e+00  }
0x295: {  	v8 =	vmin.f32 v8, $5.000000000e+01  }
0x296: {  	v9 =	vtrunc.f32 v8  }
0x297: {  	v9 =	vcvt.f32.s32 v9;
	_ =	sdelay $0x1  }
0x298: {  	v10 =	vcvt.s32.f32 v9;
	_ =	sdelay $0x1  }
0x299: {  	v9 =	vshll.u32 v9, $0x7;
	v8 =	vsub.f32 v8, v10  }
0x29a: {  	[tilespmem:$0x7E30] =	vst v9  }
0x29b: {  	[tilespmem:$0x7F30] =	vst v8  }
0x29c: {  	v8 =	vld [tilespmem:s18+$0x1C0];
	_ =	sdelay $0x4  }
0x29d: {  	v8 =	vmul.f32 $5.100000000e+01, v8;
	_ =	sdelay $0x1  }
0x29e: {  	v8 =	vmax.f32 v8, $0.0e+00  }
0x29f: {  	v8 =	vmin.f32 v8, $5.000000000e+01  }
0x2a0: {  	v9 =	vtrunc.f32 v8  }
0x2a1: {  	v9 =	vcvt.f32.s32 v9;
	_ =	sdelay $0x1  }
0x2a2: {  	v10 =	vcvt.s32.f32 v9;
	_ =	sdelay $0x1  }
0x2a3: {  	v9 =	vshll.u32 v9, $0x7;
	v8 =	vsub.f32 v8, v10  }
0x2a4: {  	[tilespmem:$0x7E40] =	vst v9  }
0x2a5: {  	[tilespmem:$0x7F40] =	vst v8  }
0x2a6: {  	v8 =	vld [tilespmem:s18+$0x1D0];
	_ =	sdelay $0x4  }
0x2a7: {  	v8 =	vmul.f32 $5.100000000e+01, v8;
	_ =	sdelay $0x1  }
0x2a8: {  	v8 =	vmax.f32 v8, $0.0e+00  }
0x2a9: {  	v8 =	vmin.f32 v8, $5.000000000e+01  }
0x2aa: {  	v9 =	vtrunc.f32 v8  }
0x2ab: {  	v9 =	vcvt.f32.s32 v9;
	_ =	sdelay $0x1  }
0x2ac: {  	v10 =	vcvt.s32.f32 v9;
	_ =	sdelay $0x1  }
0x2ad: {  	v9 =	vshll.u32 v9, $0x7;
	v8 =	vsub.f32 v8, v10  }
0x2ae: {  	[tilespmem:$0x7E50] =	vst v9  }
0x2af: {  	[tilespmem:$0x7F50] =	vst v8  }
0x2b0: {  	v8 =	vld [tilespmem:s18+$0x1E0];
	_ =	sdelay $0x4  }
0x2b1: {  	v8 =	vmul.f32 $5.100000000e+01, v8;
	_ =	sdelay $0x1  }
0x2b2: {  	v8 =	vmax.f32 v8, $0.0e+00  }
0x2b3: {  	v8 =	vmin.f32 v8, $5.000000000e+01  }
0x2b4: {  	v9 =	vtrunc.f32 v8  }
0x2b5: {  	v9 =	vcvt.f32.s32 v9;
	_ =	sdelay $0x1  }
0x2b6: {  	v10 =	vcvt.s32.f32 v9;
	_ =	sdelay $0x1  }
0x2b7: {  	v9 =	vshll.u32 v9, $0x7;
	v8 =	vsub.f32 v8, v10  }
0x2b8: {  	[tilespmem:$0x7E60] =	vst v9  }
0x2b9: {  	[tilespmem:$0x7F60] =	vst v8  }
0x2ba: {  	v8 =	vld [tilespmem:s18+$0x1F0];
	_ =	sdelay $0x4  }
0x2bb: {  	v8 =	vmul.f32 $5.100000000e+01, v8;
	_ =	sdelay $0x1  }
0x2bc: {  	v8 =	vmax.f32 v8, $0.0e+00  }
0x2bd: {  	v8 =	vmin.f32 v8, $5.000000000e+01  }
0x2be: {  	s29 =	simm.s32 $0x7;
	s30 =	simm.s32 $0x1;
	v9 =	vtrunc.f32 v8  }
0x2bf: {  	s31 =	simm.s32 $0x2;
	s20 =	simm.s32 $0x3;
	v12 =	vmov s29;
	v11 =	vmov s30;
	v9 =	vcvt.f32.s32 v9  }
0x2c0: {  	v13 =	vmov s31;
	v14 =	vmov s20;
	v11 =	vand.u32 $0xFFFFFFF9, v11  }
0x2c1: {  	v13 =	vand.u32 $0xFFFFFFFA, v13;
	v11 =	vbroadcast v11, $0x0;
	v10 =	vcvt.s32.f32 v9  }
0x2c2: {  	v14 =	vand.u32 $0xFFFFFFFB, v14;
	v13 =	vbroadcast v13, $0x0  }
0x2c3: {  	v14 =	vbroadcast v14, $0x0;
	v9 =	vshll.u32 v9, $0x7;
	v8 =	vsub.f32 v8, v10  }
0x2c4: {  	s28 =	simm.s32 $0x0;
	[tilespmem:$0x7E70] =	vst v9  }
0x2c5: {  	s21 =	simm.s32 $0x4;
	v10 =	vmov s28;
	[tilespmem:$0x7F70] =	vst v8  }
0x2c6: {  	s22 =	simm.s32 $0x6;
	v15 =	vmov s21;
	v10 =	vand.u32 $0xFFFFFFF8, v10;
	v26 =	vld.idx.msk [tilespmem:v12+s10+$0x0], $0xffff  }
0x2c7: {  	s23 =	simm.s32 $0x5;
	v9 =	vand.u32 $0xFFFFFFFC, v15;
	v15 =	vmov s22;
	v10 =	vbroadcast v10, $0x0;
	v32 =	vld.idx.msk [tilespmem:v11+s10+$0x0], $0xffff  }
0x2c8: {  	v8 =	vbroadcast v9, $0x0;
	v9 =	vand.u32 $0xFFFFFFFE, v15;
	v15 =	vmov s23;
	v21 =	vld.idx.msk [tilespmem:v13+s10+$0x0], $0xffff  }
0x2c9: {  	v9 =	vbroadcast v9, $0x0;
	v15 =	vand.u32 $0xFFFFFFFD, v15;
	v16 =	vld.idx.msk [tilespmem:v14+s10+$0x0], $0xffff  }
0x2ca: {  	v12 =	vld.idx.msk [tilespmem:v12+s11+$0x0], $0xffff;
	v19 =	vbroadcast v15, $0x0  }
0x2cb: {  	v15 =	vld.idx.msk [tilespmem:v11+s11+$0x0], $0xffff  }
0x2cc: {  	v11 =	vld.idx.msk [tilespmem:v13+s11+$0x0], $0xffff;
	v17 =	vadd.s32 v0, v26  }
0x2cd: {  	v22 =	vld.idx.msk [tilespmem:v10+s10+$0x0], $0xffff;
	v24 =	vadd.s32 v0, v32  }
0x2ce: {  	v18 =	vld.idx.msk [tilespmem:v8+s10+$0x0], $0xffff;
	v25 =	vadd.s32 v0, v21  }
0x2cf: {  	v13 =	vadd.s32 v0, v16;
	v33 =	vld.idx.msk [tilespmem:v9+s10+$0x0], $0xffff  }
0x2d0: {  	v20 =	vld.idx.msk [tilespmem:v19+s10+$0x0], $0xffff  }
0x2d1: {  	v27 =	vld.idx.msk [tilespmem:v17+s8+$0x0], $0xffff  }
0x2d2: {  	v23 =	vadd.s32 v0, v22;
	v24 =	vld.idx.msk [tilespmem:v24+s8+$0x0], $0xffff  }
0x2d3: {  	v17 =	vadd.s32 v0, v18;
	v25 =	vld.idx.msk [tilespmem:v25+s8+$0x0], $0xffff  }
0x2d4: {  	v30 =	vld.idx.msk [tilespmem:v13+s8+$0x0], $0xffff;
	v28 =	vadd.s32 v0, v33  }
0x2d5: {  	s24 =	simm.s32 $0x8;
	s29 =	simm.s32 $0xB;
	v13 =	vld.idx.msk [tilespmem:v14+s11+$0x0], $0xffff  }
0x2d6: {  	v54 =	vmov s24;
	v46 =	vmov s29;
	s30 =	simm.s32 $0xC;
	v14 =	vld.idx.msk [tilespmem:v8+s11+$0x0], $0xffff  }
0x2d7: {  	v46 =	vand.u32 $0xFFFFFFFB, v46;
	v47 =	vmov s30;
	v34 =	vadd.s32 v1, v26;
	v23 =	vld.idx.msk [tilespmem:v23+s8+$0x0], $0xffff  }
0x2d8: {  	v58 =	vadd.s32 v1, v32;
	v59 =	vadd.s32 v1, v21;
	v60 =	vadd.s32 v1, v16;
	v31 =	vld.idx.msk [tilespmem:v17+s8+$0x0], $0xffff  }
0x2d9: {  	v56 =	vadd.s32 v2, v32;
	v29 =	vadd.s32 v0, v20;
	v8 =	vshll.u32 v25, $0x10;
	v28 =	vld.idx.msk [tilespmem:v28+s8+$0x0], $0xffff  }
0x2da: {  	v57 =	vadd.s32 v2, v21;
	v35 =	vadd.s32 v1, v22;
	v17 =	vld.idx.msk [tilespmem:v9+s11+$0x0], $0xffff;
	v8 =	vmul.f32 v8, v11  }
0x2db: {  	v61 =	vadd.s32 v1, v18;
	v48 =	vand.u32 $0xFFFF0000, v24;
	v50 =	vand.u32 $0xFFFF0000, v25  }
0x2dc: {  	v49 =	vshll.u32 v27, $0x10;
	v51 =	vand.u32 $0xFFFF0000, v30;
	v8 =	vadd.f32 v50, v8  }
0x2dd: {  	s18 =	simm.s32 $0x10180;
	v24 =	vshll.u32 v24, $0x10;
	v25 =	vshll.u32 v30, $0x10;
	v9 =	vld.idx.msk [tilespmem:v19+s11+$0x0], $0xffff;
	v63 =	vshll.u32 v23, $0x10  }
0x2de: {  	v29 =	vld.idx.msk [tilespmem:v29+s8+$0x0], $0xffff;
	[tilespmem:s18+$0xFFFFFF00] =	vst v8;
	v8 =	vand.u32 $0xFFFF0000, v23;
	v23 =	vmul.f32 v49, v12;
	v19 =	vshll.u32 v28, $0x10  }
0x2df: {  	v30 =	vadd.s32 v1, v33;
	v27 =	vand.u32 $0xFFFF0000, v27;
	v19 =	vmul.f32 v19, v17  }
0x2e0: {  	v10 =	vld.idx.msk [tilespmem:v10+s11+$0x0], $0xffff;
	v24 =	vmul.f32 v24, v15;
	v28 =	vand.u32 $0xFFFF0000, v28;
	v27 =	vadd.f32 v27, v23  }
0x2e1: {  	v62 =	vadd.s32 v1, v20;
	v25 =	vmul.f32 v25, v13;
	v19 =	vadd.f32 v28, v19  }
0x2e2: {  	v24 =	vadd.f32 v48, v24;
	v52 =	vshll.u32 v31, $0x10;
	v23 =	vadd.s32 v7, v26;
	[tilespmem:s18+$0x180] =	vst v27  }
0x2e3: {  	v53 =	vshll.u32 v29, $0x10;
	v28 =	vmul.f32 v52, v14;
	v34 =	vld.idx.msk [tilespmem:v34+s8+$0x0], $0xffff;
	[tilespmem:s18+$0x100] =	vst v19;
	v19 =	vadd.f32 v51, v25  }
0x2e4: {  	[tilespmem:s18+$0xFFFFFE80] =	vst v24;
	v25 =	vand.u32 $0xFFFF0000, v31;
	v31 =	vmul.f32 v53, v9;
	v53 =	vadd.s32 v2, v18;
	v24 =	vld.idx.msk [tilespmem:v30+s8+$0x0], $0xffff  }
0x2e5: {  	v30 =	vmul.f32 v63, v10;
	v25 =	vadd.f32 v25, v28;
	v28 =	vand.u32 $0xFFFF0000, v29;
	v29 =	vld.idx.msk [tilespmem:v58+s8+$0x0], $0xffff  }
0x2e6: {  	s25 =	simm.s32 $0xF;
	v47 =	vand.u32 $0xFFFFFFFC, v47;
	v58 =	vadd.s32 v2, v16;
	v28 =	vadd.f32 v28, v31;
	v31 =	vld.idx.msk [tilespmem:v59+s8+$0x0], $0xffff;
	[tilespmem:s18+$0xFFFFFF80] =	vst v19  }
0x2e7: {  	v19 =	vmov s25;
	v8 =	vadd.f32 v8, v30;
	[tilespmem:s18+$0x0] =	vst v25;
	v25 =	vadd.s32 v6, v26  }
0x2e8: {  	v30 =	vld.idx.msk [tilespmem:v60+s8+$0x0], $0xffff;
	v60 =	vadd.s32 v2, v33;
	[tilespmem:s18+$0x80] =	vst v28;
	v28 =	vand.u32 $0xFFFFFFF8, v54;
	v50 =	vshll.u32 v34, $0x10  }
0x2e9: {  	v55 =	vld.idx.msk [tilespmem:v61+s8+$0x0], $0xffff;
	v54 =	vadd.s32 v2, v20;
	v45 =	vmul.f32 v50, v12;
	v28 =	vbroadcast v28, $0x0  }
0x2ea: {  	v59 =	vshll.u32 v24, $0x10;
	v27 =	vshll.u32 v29, $0x10;
	v24 =	vand.u32 $0xFFFF0000, v24  }
0x2eb: {  	[tilespmem:s18+$0xFFFFFE00] =	vst v8;
	v8 =	vld.idx.msk [tilespmem:v62+s8+$0x0], $0xffff;
	v29 =	vand.u32 $0xFFFF0000, v29;
	v40 =	vmul.f32 v59, v17;
	v61 =	vshll.u32 v31, $0x10  }
0x2ec: {  	v35 =	vld.idx.msk [tilespmem:v35+s8+$0x0], $0xffff;
	v27 =	vmul.f32 v27, v15;
	v31 =	vand.u32 $0xFFFF0000, v31;
	v42 =	vmul.f32 v61, v11  }
0x2ed: {  	v62 =	vshll.u32 v30, $0x10;
	v30 =	vand.u32 $0xFFFF0000, v30;
	v24 =	vadd.f32 v24, v40  }
0x2ee: {  	v63 =	vmul.f32 v62, v13;
	v48 =	vshll.u32 v55, $0x10;
	v37 =	vand.u32 $0xFFFF0000, v55  }
0x2ef: {  	v27 =	vadd.f32 v29, v27;
	v55 =	vadd.s32 v2, v22;
	v62 =	vadd.s32 v4, v33  }
0x2f0: {  	v49 =	vshll.u32 v8, $0x10;
	v51 =	vand.u32 $0xFFFF0000, v8;
	v29 =	vadd.f32 v31, v42;
	v8 =	vld.idx.msk [tilespmem:v19+s10+$0x0], $0xffff;
	[tilespmem:s18+$0x110] =	vst v24  }
0x2f1: {  	v43 =	vmul.f32 v48, v14;
	v24 =	vshll.u32 v35, $0x10;
	v44 =	vmul.f32 v49, v9;
	[tilespmem:s18+$0xFFFFFE90] =	vst v27;
	v41 =	vld.idx.msk [tilespmem:v60+s8+$0x0], $0xffff  }
0x2f2: {  	v31 =	vand.u32 $0xFFFF0000, v34;
	v30 =	vadd.f32 v30, v63;
	v24 =	vmul.f32 v24, v10;
	v36 =	vld.idx.msk [tilespmem:v56+s8+$0x0], $0xffff;
	[tilespmem:s18+$0xFFFFFF10] =	vst v29  }
0x2f3: {  	v48 =	vadd.s32 v3, v21;
	v35 =	vand.u32 $0xFFFF0000, v35;
	v52 =	vadd.f32 v37, v43;
	v38 =	vld.idx.msk [tilespmem:v57+s8+$0x0], $0xffff  }
0x2f4: {  	s28 =	simm.s32 $0xA;
	[tilespmem:s18+$0xFFFFFF90] =	vst v30;
	v57 =	vadd.s32 v2, v26;
	v35 =	vadd.f32 v35, v24;
	v24 =	vadd.f32 v51, v44  }
0x2f5: {  	v34 =	vmov s28;
	v31 =	vadd.f32 v31, v45;
	v45 =	vadd.s32 v3, v32;
	v39 =	vld.idx.msk [tilespmem:v58+s8+$0x0], $0xffff;
	[tilespmem:s18+$0x10] =	vst v52  }
0x2f6: {  	v56 =	vadd.s32 v3, v33;
	v44 =	vadd.s32 v5, v26;
	v37 =	vld.idx.msk [tilespmem:v53+s8+$0x0], $0xffff;
	[tilespmem:s18+$0x90] =	vst v24;
	v27 =	vshll.u32 v41, $0x10  }
0x2f7: {  	v24 =	vadd.s32 v1, v8;
	[tilespmem:s18+$0xFFFFFE10] =	vst v35;
	v35 =	vadd.s32 v0, v8;
	v27 =	vmul.f32 v27, v17  }
0x2f8: {  	[tilespmem:s18+$0x190] =	vst v31;
	v30 =	vand.u32 $0xFFFF0000, v41;
	v42 =	vld.idx.msk [tilespmem:v55+s8+$0x0], $0xffff;
	v55 =	vadd.s32 v5, v33;
	v58 =	vand.u32 $0xFFFF0000, v38  }
0x2f9: {  	v38 =	vshll.u32 v38, $0x10;
	v41 =	vld.idx.msk [tilespmem:v57+s8+$0x0], $0xffff;
	v57 =	vadd.s32 v3, v16;
	v30 =	vadd.f32 v30, v27  }
0x2fa: {  	v38 =	vmul.f32 v38, v11;
	v49 =	vand.u32 $0xFFFF0000, v39;
	v39 =	vshll.u32 v39, $0x10  }
0x2fb: {  	v40 =	vld.idx.msk [tilespmem:v54+s8+$0x0], $0xffff;
	v27 =	vadd.s32 v4, v26;
	v59 =	vand.u32 $0xFFFF0000, v37;
	v37 =	vshll.u32 v37, $0x10;
	[tilespmem:s18+$0x120] =	vst v30  }
0x2fc: {  	v26 =	vadd.s32 v3, v26;
	v39 =	vmul.f32 v39, v13;
	v37 =	vmul.f32 v37, v14;
	v43 =	vld.idx.msk [tilespmem:v56+s8+$0x0], $0xffff  }
0x2fd: {  	v30 =	vand.u32 $0xFFFF0000, v36;
	v36 =	vshll.u32 v36, $0x10;
	v61 =	vand.u32 $0xFFFF0000, v42  }
0x2fe: {  	v42 =	vshll.u32 v42, $0x10;
	v39 =	vadd.f32 v49, v39;
	v31 =	vmul.f32 v36, v15  }
0x2ff: {  	v42 =	vmul.f32 v42, v10;
	v37 =	vadd.f32 v59, v37;
	v59 =	vadd.s32 v3, v18  }
0x300: {  	v60 =	vand.u32 $0xFFFF0000, v40;
	v40 =	vshll.u32 v40, $0x10;
	v30 =	vadd.f32 v30, v31  }
0x301: {  	[tilespmem:s18+$0xFFFFFFA0] =	vst v39;
	v42 =	vadd.f32 v61, v42;
	v61 =	vadd.s32 v3, v22;
	v31 =	vshll.u32 v43, $0x10  }
0x302: {  	v49 =	vadd.s32 v4, v18;
	[tilespmem:s18+$0xFFFFFEA0] =	vst v30;
	v30 =	vadd.f32 v58, v38;
	v31 =	vmul.f32 v31, v17  }
0x303: {  	s26 =	simm.s32 $0x9;
	v40 =	vmul.f32 v40, v9;
	v63 =	vshll.u32 v41, $0x10;
	[tilespmem:s18+$0x20] =	vst v37;
	v43 =	vand.u32 $0xFFFF0000, v43;
	v58 =	vld.idx.msk [tilespmem:v45+s8+$0x0], $0xffff  }
0x304: {  	v29 =	vmov s26;
	v54 =	vmul.f32 v63, v12;
	v39 =	vld.idx.msk [tilespmem:v59+s8+$0x0], $0xffff;
	[tilespmem:s18+$0xFFFFFF20] =	vst v30;
	v31 =	vadd.f32 v43, v31  }
0x305: {  	v41 =	vand.u32 $0xFFFF0000, v41;
	v40 =	vadd.f32 v60, v40;
	v60 =	vadd.s32 v3, v20;
	[tilespmem:s18+$0xFFFFFE20] =	vst v42;
	v48 =	vld.idx.msk [tilespmem:v48+s8+$0x0], $0xffff  }
0x306: {  	v53 =	vand.u32 $0xFFFFFFF9, v29;
	v63 =	vadd.s32 v4, v32;
	v41 =	vadd.f32 v41, v54;
	v50 =	vld.idx.msk [tilespmem:v61+s8+$0x0], $0xffff;
	[tilespmem:s18+$0x130] =	vst v31  }
0x307: {  	v37 =	vadd.s32 v4, v21;
	v54 =	vadd.s32 v4, v22;
	v42 =	vadd.s32 v4, v16;
	v52 =	vld.idx.msk [tilespmem:v62+s8+$0x0], $0xffff  }
0x308: {  	v45 =	vadd.s32 v5, v22;
	[tilespmem:s18+$0x1A0] =	vst v41;
	v41 =	vadd.s32 v4, v20;
	v30 =	vadd.s32 v7, v22  }
0x309: {  	[tilespmem:s18+$0xA0] =	vst v40;
	v43 =	vand.u32 $0xFFFFFFFA, v34;
	v31 =	vadd.s32 v6, v22;
	v22 =	vld.idx.msk [tilespmem:v57+s8+$0x0], $0xffff;
	v62 =	vshll.u32 v58, $0x10  }
0x30a: {  	v40 =	vld.idx.msk [tilespmem:v60+s8+$0x0], $0xffff;
	v29 =	vand.u32 $0xFFFF0000, v58;
	v58 =	vmul.f32 v62, v15;
	v60 =	vshll.u32 v48, $0x10  }
0x30b: {  	v62 =	vshll.u32 v39, $0x10;
	v48 =	vand.u32 $0xFFFF0000, v48;
	v39 =	vand.u32 $0xFFFF0000, v39  }
0x30c: {  	v51 =	vmul.f32 v60, v11;
	v60 =	vshll.u32 v50, $0x10;
	v59 =	vshll.u32 v52, $0x10  }
0x30d: {  	v26 =	vld.idx.msk [tilespmem:v26+s8+$0x0], $0xffff;
	v50 =	vand.u32 $0xFFFF0000, v50;
	v29 =	vadd.f32 v29, v58;
	v34 =	vmul.f32 v59, v17  }
0x30e: {  	v61 =	vshll.u32 v22, $0x10;
	v48 =	vadd.f32 v48, v51;
	v52 =	vand.u32 $0xFFFF0000, v52  }
0x30f: {  	[tilespmem:s18+$0xFFFFFEB0] =	vst v29;
	v29 =	vmul.f32 v61, v13;
	v61 =	vand.u32 $0xFFFF0000, v22;
	v22 =	vld.idx.msk [tilespmem:v28+s10+$0x0], $0xffff;
	v34 =	vadd.f32 v52, v34  }
0x310: {  	v38 =	vld.idx.msk [tilespmem:v63+s8+$0x0], $0xffff;
	v63 =	vshll.u32 v40, $0x10;
	v40 =	vand.u32 $0xFFFF0000, v40;
	[tilespmem:s18+$0xFFFFFF30] =	vst v48;
	v52 =	vmul.f32 v62, v14  }
0x311: {  	v48 =	vadd.s32 v5, v32;
	v56 =	vmul.f32 v63, v9;
	v59 =	vadd.f32 v61, v29;
	[tilespmem:s18+$0x140] =	vst v34  }
0x312: {  	v63 =	vshll.u32 v26, $0x10;
	v62 =	vmul.f32 v60, v10;
	v39 =	vadd.f32 v39, v52;
	v55 =	vld.idx.msk [tilespmem:v55+s8+$0x0], $0xffff  }
0x313: {  	v26 =	vand.u32 $0xFFFF0000, v26;
	v37 =	vld.idx.msk [tilespmem:v37+s8+$0x0], $0xffff;
	v57 =	vmul.f32 v63, v12;
	[tilespmem:s18+$0xFFFFFFB0] =	vst v59;
	v52 =	vadd.f32 v40, v56  }
0x314: {  	v63 =	vadd.s32 v6, v33;
	v33 =	vadd.s32 v7, v33;
	v50 =	vadd.f32 v50, v62;
	[tilespmem:s18+$0x30] =	vst v39  }
0x315: {  	v26 =	vadd.f32 v26, v57;
	v40 =	vadd.s32 v0, v22;
	v42 =	vld.idx.msk [tilespmem:v42+s8+$0x0], $0xffff;
	v29 =	vshll.u32 v38, $0x10;
	[tilespmem:s18+$0xB0] =	vst v52  }
0x316: {  	v34 =	vadd.s32 v7, v21;
	v38 =	vand.u32 $0xFFFF0000, v38;
	v60 =	vmul.f32 v29, v15;
	[tilespmem:s18+$0xFFFFFE30] =	vst v50;
	v49 =	vld.idx.msk [tilespmem:v49+s8+$0x0], $0xffff  }
0x317: {  	v29 =	vadd.s32 v1, v22;
	v50 =	vbroadcast v53, $0x0;
	[tilespmem:s18+$0x1B0] =	vst v26;
	v41 =	vld.idx.msk [tilespmem:v41+s8+$0x0], $0xffff;
	v61 =	vshll.u32 v55, $0x10  }
0x318: {  	v53 =	vadd.s32 v5, v21;
	v57 =	vand.u32 $0xFFFF0000, v37;
	v26 =	vld.idx.msk [tilespmem:v27+s8+$0x0], $0xffff;
	v62 =	vmul.f32 v61, v17  }
0x319: {  	v27 =	vshll.u32 v37, $0x10;
	v38 =	vadd.f32 v38, v60;
	v60 =	vand.u32 $0xFFFF0000, v55;
	v61 =	vld.idx.msk [tilespmem:v54+s8+$0x0], $0xffff  }
0x31a: {  	v37 =	vadd.s32 v5, v20;
	v58 =	vand.u32 $0xFFFF0000, v42;
	v51 =	vadd.f32 v60, v62  }
0x31b: {  	v55 =	vadd.s32 v5, v18;
	v54 =	vbroadcast v43, $0x0;
	v43 =	vadd.s32 v5, v16  }
0x31c: {  	v59 =	vand.u32 $0xFFFF0000, v49;
	[tilespmem:s18+$0x150] =	vst v51;
	v51 =	vmul.f32 v27, v11;
	v27 =	vshll.u32 v42, $0x10  }
0x31d: {  	v56 =	vmul.f32 v27, v13;
	v27 =	vshll.u32 v49, $0x10;
	v49 =	vand.u32 $0xFFFF0000, v41  }
0x31e: {  	[tilespmem:s18+$0xFFFFFEC0] =	vst v38;
	v42 =	vld.idx.msk [tilespmem:v63+s8+$0x0], $0xffff;
	v52 =	vshll.u32 v61, $0x10;
	v38 =	vmul.f32 v27, v14;
	v27 =	vshll.u32 v41, $0x10  }
0x31f: {  	v41 =	vld.idx.msk [tilespmem:v48+s8+$0x0], $0xffff;
	v48 =	vand.u32 $0xFFFF0000, v61;
	v52 =	vmul.f32 v52, v10;
	v51 =	vadd.f32 v57, v51  }
0x320: {  	v35 =	vld.idx.msk [tilespmem:v35+s8+$0x0], $0xffff;
	v61 =	vand.u32 $0xFFFF0000, v26;
	v26 =	vshll.u32 v26, $0x10;
	v56 =	vadd.f32 v58, v56  }
0x321: {  	s31 =	simm.s32 $0xD;
	v60 =	vmul.f32 v27, v9;
	v57 =	vmul.f32 v26, v12;
	v38 =	vadd.f32 v59, v38;
	[tilespmem:s18+$0xFFFFFF40] =	vst v51  }
0x322: {  	v36 =	vmov s31;
	v39 =	vadd.s32 v7, v32;
	v27 =	vld.idx.msk [tilespmem:v50+s11+$0x0], $0xffff;
	v48 =	vadd.f32 v48, v52;
	[tilespmem:s18+$0xFFFFFFC0] =	vst v56  }
0x323: {  	v49 =	vadd.f32 v49, v60;
	v53 =	vld.idx.msk [tilespmem:v53+s8+$0x0], $0xffff;
	v56 =	vadd.f32 v61, v57;
	v62 =	vshll.u32 v42, $0x10;
	[tilespmem:s18+$0x40] =	vst v38  }
0x324: {  	v42 =	vand.u32 $0xFFFF0000, v42;
	v57 =	vld.idx.msk [tilespmem:v43+s8+$0x0], $0xffff;
	v43 =	vadd.s32 v7, v18;
	[tilespmem:s18+$0xFFFFFE40] =	vst v48;
	v63 =	vmul.f32 v62, v17  }
0x325: {  	v48 =	vadd.s32 v6, v21;
	v60 =	vshll.u32 v41, $0x10;
	v41 =	vand.u32 $0xFFFF0000, v41;
	v55 =	vld.idx.msk [tilespmem:v55+s8+$0x0], $0xffff;
	[tilespmem:s18+$0xC0] =	vst v49  }
0x326: {  	v62 =	vand.u32 $0xFFFFFFFD, v36;
	v36 =	vbroadcast v46, $0x0;
	v61 =	vld.idx.msk [tilespmem:v37+s8+$0x0], $0xffff;
	v38 =	vadd.f32 v42, v63  }
0x327: {  	v26 =	vld.idx.msk [tilespmem:v54+s11+$0x0], $0xffff;
	v52 =	vmul.f32 v60, v15;
	v37 =	vbroadcast v47, $0x0;
	v63 =	vadd.s32 v6, v32  }
0x328: {  	v47 =	vadd.s32 v6, v16;
	v42 =	vadd.s32 v7, v16;
	v32 =	vadd.s32 v6, v20;
	[tilespmem:s18+$0x160] =	vst v38  }
0x329: {  	v60 =	vadd.f32 v41, v52;
	v41 =	vadd.s32 v7, v20;
	v16 =	vshll.u32 v53, $0x10;
	v33 =	vld.idx.msk [tilespmem:v33+s8+$0x0], $0xffff  }
0x32a: {  	[tilespmem:s18+$0x1C0] =	vst v56;
	v38 =	vbroadcast v62, $0x0;
	v62 =	vld.idx.msk [tilespmem:v45+s8+$0x0], $0xffff;
	v45 =	vadd.s32 v6, v18;
	v18 =	vand.u32 $0xFFFF0000, v53  }
0x32b: {  	v51 =	vld.idx.msk [tilespmem:v44+s8+$0x0], $0xffff;
	v53 =	vand.u32 $0xFFFF0000, v57;
	[tilespmem:s18+$0xFFFFFED0] =	vst v60;
	v56 =	vand.u32 $0xFFFF0000, v55;
	v46 =	vshll.u32 v61, $0x10  }
0x32c: {  	v44 =	vld.idx.msk [tilespmem:v63+s8+$0x0], $0xffff;
	v63 =	vmul.f32 v16, v11;
	v16 =	vshll.u32 v57, $0x10;
	v57 =	vmul.f32 v46, v9  }
0x32d: {  	v21 =	vld.idx.msk [tilespmem:v50+s10+$0x0], $0xffff;
	v50 =	vmul.f32 v16, v13;
	v16 =	vshll.u32 v55, $0x10;
	v55 =	vand.u32 $0xFFFF0000, v61  }
0x32e: {  	v20 =	vld.idx.msk [tilespmem:v54+s10+$0x0], $0xffff;
	v54 =	vmul.f32 v16, v14;
	v52 =	vadd.f32 v18, v63;
	v60 =	vshll.u32 v33, $0x10  }
0x32f: {  	v16 =	vld.idx.msk [tilespmem:v36+s10+$0x0], $0xffff;
	v61 =	vand.u32 $0xFFFF0000, v62;
	v49 =	vshll.u32 v62, $0x10;
	v46 =	vmul.f32 v60, v17  }
0x330: {  	v18 =	vld.idx.msk [tilespmem:v37+s10+$0x0], $0xffff;
	v62 =	vshll.u32 v51, $0x10;
	v49 =	vmul.f32 v49, v10;
	v33 =	vand.u32 $0xFFFF0000, v33  }
0x331: {  	v53 =	vadd.f32 v53, v50;
	[tilespmem:s18+$0xFFFFFF50] =	vst v52;
	v52 =	vmul.f32 v62, v12;
	v33 =	vadd.f32 v33, v46  }
0x332: {  	v50 =	vadd.f32 v56, v54;
	v48 =	vld.idx.msk [tilespmem:v48+s8+$0x0], $0xffff;
	v63 =	vshll.u32 v44, $0x10;
	v49 =	vadd.f32 v61, v49  }
0x333: {  	s20 =	simm.s32 $0x10180;
	s21 =	simm.s32 $0x10;
	s22 =	simm.s32 $0xE;
	v17 =	vld.idx.msk [tilespmem:v38+s10+$0x0], $0xffff;
	v46 =	vand.u32 $0xFFFF0000, v51;
	v54 =	vmul.f32 v63, v15;
	v51 =	vadd.f32 v55, v57;
	[tilespmem:s18+$0x170] =	vst v33  }
.LBB2_5:
0x334: {  	p0 =	slt.u32 s21, $0xF8;
	v40 =	vld.idx.msk [tilespmem:v40+s8+$0x0], $0xffff;
	v33 =	vmov s22;
	v44 =	vand.u32 $0xFFFF0000, v44;
	[tilespmem:s18+$0xFFFFFFD0] =	vst v53;
	v52 =	vadd.f32 v46, v52  }
0x335: {  	v46 =	vadd.s32 v1, v21;
	v33 =	vand.u32 $0xFFFFFFFE, v33;
	v53 =	vadd.f32 v44, v54;
	v54 =	vld.idx.msk [tilespmem:v47+s8+$0x0], $0xffff;
	[tilespmem:s18+$0x50] =	vst v50  }
0x336: {  	v50 =	vadd.s32 v0, v21;
	v47 =	vadd.s32 v1, v20;
	v33 =	vbroadcast v33, $0x0;
	v55 =	vld.idx.msk [tilespmem:v45+s8+$0x0], $0xffff;
	[tilespmem:s18+$0xD0] =	vst v51  }
0x337: {  	v44 =	vadd.s32 v1, v16;
	[tilespmem:s18+$0xFFFFFE50] =	vst v49;
	v49 =	vand.u32 $0xFFFF0000, v48;
	v48 =	vshll.u32 v48, $0x10;
	v51 =	vld.idx.msk [tilespmem:v32+s8+$0x0], $0xffff  }
0x338: {  	v45 =	vadd.s32 v1, v18;
	v56 =	vld.idx.msk [tilespmem:v31+s8+$0x0], $0xffff;
	v32 =	vmul.f32 v48, v11;
	[tilespmem:s18+$0x1D0] =	vst v52  }
0x339: {  	v48 =	vadd.s32 v0, v20;
	v31 =	vadd.s32 v1, v17;
	[tilespmem:s18+$0xFFFFFEE0] =	vst v53;
	v25 =	vld.idx.msk [tilespmem:v25+s8+$0x0], $0xffff  }
0x33a: {  	v52 =	vadd.s32 v0, v16;
	v53 =	vadd.s32 v0, v18;
	v39 =	vld.idx.msk [tilespmem:v39+s8+$0x0], $0xffff;
	v49 =	vadd.f32 v49, v32  }
0x33b: {  	v57 =	vadd.s32 v0, v17;
	v58 =	vand.u32 $0xFFFF0000, v54;
	v54 =	vshll.u32 v54, $0x10;
	v50 =	vld.idx.msk [tilespmem:v50+s8+$0x0], $0xffff  }
0x33c: {  	v32 =	vld.idx.msk [tilespmem:v33+s10+$0x0], $0xffff;
	[tilespmem:s18+$0xFFFFFF60] =	vst v49;
	v49 =	vmul.f32 v54, v13;
	v54 =	vand.u32 $0xFFFF0000, v55;
	v55 =	vshll.u32 v55, $0x10  }
0x33d: {  	v59 =	vand.u32 $0xFFFF0000, v51;
	v51 =	vshll.u32 v51, $0x10;
	v34 =	vld.idx.msk [tilespmem:v34+s8+$0x0], $0xffff;
	v55 =	vmul.f32 v55, v14  }
0x33e: {  	v60 =	vand.u32 $0xFFFF0000, v56;
	v56 =	vshll.u32 v56, $0x10;
	v51 =	vmul.f32 v51, v9;
	v48 =	vld.idx.msk [tilespmem:v48+s8+$0x0], $0xffff  }
0x33f: {  	v56 =	vmul.f32 v56, v10;
	v61 =	vand.u32 $0xFFFF0000, v25;
	v25 =	vshll.u32 v25, $0x10;
	v52 =	vld.idx.msk [tilespmem:v52+s8+$0x0], $0xffff  }
0x340: {  	v49 =	vadd.f32 v58, v49;
	v54 =	vadd.f32 v54, v55;
	v25 =	vmul.f32 v25, v12;
	v53 =	vld.idx.msk [tilespmem:v53+s8+$0x0], $0xffff  }
0x341: {  	v51 =	vadd.f32 v59, v51;
	v56 =	vadd.f32 v60, v56;
	v55 =	vld.idx.msk [tilespmem:v57+s8+$0x0], $0xffff;
	v57 =	vshll.u32 v39, $0x10  }
0x342: {  	v58 =	vadd.s32 v0, v32;
	v25 =	vadd.f32 v61, v25;
	v57 =	vmul.f32 v57, v15;
	[tilespmem:s18+$0xFFFFFFE0] =	vst v49  }
0x343: {  	v39 =	vand.u32 $0xFFFF0000, v39;
	v49 =	vand.u32 $0xFFFF0000, v34;
	v34 =	vshll.u32 v34, $0x10;
	v15 =	vmovc v27;
	v42 =	vld.idx.msk [tilespmem:v42+s8+$0x0], $0xffff;
	[tilespmem:s18+$0x60] =	vst v54  }
0x344: {  	v34 =	vmul.f32 v34, v11;
	v11 =	vmov v26;
	v27 =	vadd.f32 v39, v57;
	v39 =	vld.idx.msk [tilespmem:v43+s8+$0x0], $0xffff;
	[tilespmem:s18+$0xE0] =	vst v51  }
0x345: {  	v26 =	vshll.u32 v40, $0x10;
	v43 =	vand.u32 $0xFFFF0000, v50;
	v51 =	vshll.u32 v35, $0x10;
	[tilespmem:s18+$0xFFFFFE60] =	vst v56;
	v41 =	vld.idx.msk [tilespmem:v41+s8+$0x0], $0xffff  }
0x346: {  	v54 =	vand.u32 $0xFFFF0000, v48;
	v56 =	vand.u32 $0xFFFF0000, v52;
	v34 =	vadd.f32 v49, v34;
	v30 =	vld.idx.msk [tilespmem:v30+s8+$0x0], $0xffff;
	[tilespmem:s18+$0x1E0] =	vst v25  }
0x347: {  	v48 =	vshll.u32 v48, $0x10;
	v49 =	vshll.u32 v52, $0x10;
	v25 =	vshll.u32 v50, $0x10;
	v50 =	vld.idx.msk [tilespmem:v58+s8+$0x0], $0xffff;
	[tilespmem:s18+$0xFFFFFEF0] =	vst v27  }
0x348: {  	v52 =	vshll.u32 v55, $0x10;
	v25 =	vmul.f32 v25, v15;
	v27 =	vshll.u32 v53, $0x10;
	v33 =	vld.idx.msk [tilespmem:v33+s11+$0x0], $0xffff;
	[tilespmem:s18+$0xFFFFFF70] =	vst v34  }
0x349: {  	v34 =	vmul.f32 v48, v11;
	v48 =	vand.u32 $0xFFFF0000, v42;
	v42 =	vshll.u32 v42, $0x10;
	v23 =	vld.idx.msk [tilespmem:v23+s8+$0x0], $0xffff  }
0x34a: {  	v42 =	vmul.f32 v42, v13;
	v57 =	vand.u32 $0xFFFF0000, v39;
	v39 =	vshll.u32 v39, $0x10  }
0x34b: {  	v13 =	vld.idx.msk [tilespmem:v36+s11+$0x0], $0xffff;
	v36 =	vmul.f32 v39, v14;
	v39 =	vand.u32 $0xFFFF0000, v41;
	v41 =	vshll.u32 v41, $0x10  }
0x34c: {  	v14 =	vld.idx.msk [tilespmem:v37+s11+$0x0], $0xffff;
	v37 =	vand.u32 $0xFFFF0000, v30;
	v30 =	vshll.u32 v30, $0x10;
	v41 =	vmul.f32 v41, v9  }
0x34d: {  	v42 =	vadd.f32 v48, v42;
	v9 =	vld.idx.msk [tilespmem:v38+s11+$0x0], $0xffff;
	v38 =	vshll.u32 v50, $0x10;
	v30 =	vmul.f32 v30, v10  }
0x34e: {  	v36 =	vadd.f32 v57, v36;
	v10 =	vld.idx.msk [tilespmem:v28+s11+$0x0], $0xffff;
	v28 =	vmul.f32 v38, v33;
	v38 =	vadd.s32 v1, v32  }
0x34f: {  	v48 =	vand.u32 $0xFFFF0000, v50;
	v19 =	vld.idx.msk [tilespmem:v19+s11+$0x0], $0xffff;
	[tilespmem:s18+$0xFFFFFFF0] =	vst v42;
	v42 =	vand.u32 $0xFFFF0000, v23;
	v23 =	vshll.u32 v23, $0x10  }
0x350: {  	v28 =	vadd.f32 v48, v28;
	[tilespmem:s18+$0x70] =	vst v36;
	v36 =	vadd.f32 v39, v41;
	v12 =	vmul.f32 v23, v12  }
0x351: {  	v30 =	vadd.f32 v37, v30;
	v23 =	vadd.f32 v43, v25;
	v25 =	vmul.f32 v49, v13;
	s18 =	sadd.s32 $0x400, s18  }
0x352: {  	v34 =	vadd.f32 v54, v34;
	v27 =	vmul.f32 v27, v14;
	[tilespmem:s18+$0x100] =	vst v28;
	v28 =	vadd.f32 v42, v12  }
0x353: {  	v41 =	vadd.f32 v56, v25;
	v25 =	vmul.f32 v52, v9;
	[tilespmem:s18+$0xFFFFFE80] =	vst v23;
	v23 =	vand.u32 $0xFFFF0000, v53;
	v37 =	vld.idx.msk [tilespmem:v38+s8+$0x0], $0xffff  }
0x354: {  	v26 =	vmul.f32 v26, v10;
	v38 =	vld.idx.msk [tilespmem:v46+s8+$0x0], $0xffff;
	[tilespmem:s18+$0xFFFFFF00] =	vst v34;
	v23 =	vadd.f32 v23, v27;
	v27 =	vand.u32 $0xFFFF0000, v55  }
0x355: {  	v34 =	vand.u32 $0xFFFF0000, v40;
	v39 =	vld.idx.msk [tilespmem:v47+s8+$0x0], $0xffff;
	[tilespmem:s18+$0xFFFFFF80] =	vst v41;
	v25 =	vadd.f32 v27, v25;
	v27 =	vmul.f32 v51, v19  }
0x356: {  	s22 =	sadd.s32 $0x7, s21;
	v40 =	vmov s21;
	v12 =	vmovc v19;
	v26 =	vadd.f32 v34, v26;
	v34 =	vld.idx.msk [tilespmem:v44+s8+$0x0], $0xffff;
	[tilespmem:s18+$0x0] =	vst v23;
	v23 =	vand.u32 $0xFFFF0000, v35  }
0x357: {  	v19 =	vmov s22;
	v35 =	vld.idx.msk [tilespmem:v45+s8+$0x0], $0xffff;
	[tilespmem:s18+$0x80] =	vst v25;
	v41 =	vadd.f32 v23, v27;
	v23 =	vadd.s32 v7, v8  }
0x358: {  	v27 =	vand.u32 $0xFFFFFFF8, v40;
	v25 =	vadd.s32 v6, v8;
	[tilespmem:s18+$0xFFFFFE00] =	vst v26;
	v26 =	vadd.s32 v2, v21;
	v31 =	vld.idx.msk [tilespmem:v31+s8+$0x0], $0xffff  }
0x359: {  	v42 =	vadd.s32 v2, v16;
	v40 =	vadd.s32 v2, v20;
	v43 =	vshll.u32 v37, $0x10;
	v29 =	vld.idx.msk [tilespmem:v29+s8+$0x0], $0xffff;
	[tilespmem:s18+$0x180] =	vst v41  }
0x35a: {  	v44 =	vadd.s32 v2, v32;
	v41 =	vshll.u32 v38, $0x10;
	v43 =	vmul.f32 v43, v33;
	v24 =	vld.idx.msk [tilespmem:v24+s8+$0x0], $0xffff;
	[tilespmem:s20+$0xF0] =	vst v36  }
0x35b: {  	v37 =	vand.u32 $0xFFFF0000, v37;
	v36 =	vmul.f32 v41, v15;
	v41 =	vshll.u32 v39, $0x10;
	[tilespmem:s20+$0xFFFFFE70] =	vst v30  }
0x35c: {  	v30 =	vmul.f32 v41, v11;
	v41 =	vshll.u32 v34, $0x10;
	v37 =	vadd.f32 v37, v43;
	[tilespmem:s20+$0x1F0] =	vst v28;
	s20 =	smov.u32 s18  }
0x35d: {  	v28 =	vand.u32 $0xFFFF0000, v38;
	v38 =	vmul.f32 v41, v13;
	v41 =	vshll.u32 v35, $0x10  }
0x35e: {  	v39 =	vand.u32 $0xFFFF0000, v39;
	v41 =	vmul.f32 v41, v14;
	v43 =	vshll.u32 v31, $0x10;
	[tilespmem:s18+$0x110] =	vst v37  }
0x35f: {  	v34 =	vand.u32 $0xFFFF0000, v34;
	v37 =	vshll.u32 v29, $0x10;
	v43 =	vmul.f32 v43, v9;
	v44 =	vld.idx.msk [tilespmem:v44+s8+$0x0], $0xffff  }
0x360: {  	v35 =	vand.u32 $0xFFFF0000, v35;
	v37 =	vmul.f32 v37, v10;
	v45 =	vshll.u32 v24, $0x10  }
0x361: {  	v31 =	vand.u32 $0xFFFF0000, v31;
	v29 =	vand.u32 $0xFFFF0000, v29;
	v45 =	vmul.f32 v45, v12  }
0x362: {  	v28 =	vadd.f32 v28, v36;
	v30 =	vadd.f32 v39, v30;
	v24 =	vand.u32 $0xFFFF0000, v24  }
0x363: {  	v34 =	vadd.f32 v34, v38;
	v38 =	vadd.s32 v2, v18;
	v35 =	vadd.f32 v35, v41;
	v36 =	vld.idx.msk [tilespmem:v19+s10+$0x0], $0xffff  }
0x364: {  	v29 =	vadd.f32 v29, v37;
	[tilespmem:s18+$0xFFFFFE90] =	vst v28;
	v28 =	vadd.f32 v31, v43;
	v31 =	vadd.s32 v2, v17  }
0x365: {  	s22 =	sadd.s32 $0x1, s21;
	v37 =	vadd.s32 v2, v22;
	v39 =	vld.idx.msk [tilespmem:v26+s8+$0x0], $0xffff;
	[tilespmem:s18+$0xFFFFFF10] =	vst v30;
	v26 =	vshll.u32 v44, $0x10;
	v30 =	vadd.f32 v24, v45  }
0x366: {  	v41 =	vmov s22;
	v43 =	vadd.s32 v3, v32;
	v40 =	vld.idx.msk [tilespmem:v40+s8+$0x0], $0xffff;
	[tilespmem:s18+$0xFFFFFF90] =	vst v34;
	v24 =	vmul.f32 v26, v33  }
0x367: {  	s22 =	sadd.s32 $0x2, s21;
	v45 =	vadd.s32 v2, v8;
	v26 =	vand.u32 $0xFFFF0000, v44;
	v44 =	vadd.s32 v5, v8;
	v42 =	vld.idx.msk [tilespmem:v42+s8+$0x0], $0xffff;
	[tilespmem:s18+$0x10] =	vst v35  }
0x368: {  	v46 =	vmov s22;
	s22 =	sadd.s32 $0x3, s21;
	v38 =	vld.idx.msk [tilespmem:v38+s8+$0x0], $0xffff;
	[tilespmem:s18+$0x90] =	vst v28;
	v28 =	vadd.f32 v26, v24;
	v26 =	vadd.s32 v4, v8  }
0x369: {  	v48 =	vadd.s32 v3, v8;
	v47 =	vmov s22;
	s22 =	sadd.s32 $0x4, s21;
	v24 =	vadd.s32 v1, v36;
	v8 =	vmovc v36;
	[tilespmem:s18+$0xFFFFFE10] =	vst v29;
	v29 =	vld.idx.msk [tilespmem:v31+s8+$0x0], $0xffff  }
0x36a: {  	v34 =	vmov s22;
	v36 =	vadd.s32 v3, v21;
	v35 =	vadd.s32 v0, v8;
	v31 =	vld.idx.msk [tilespmem:v37+s8+$0x0], $0xffff;
	[tilespmem:s18+$0x120] =	vst v28  }
0x36b: {  	v28 =	vand.u32 $0xFFFF0000, v39;
	v37 =	vshll.u32 v39, $0x10;
	v39 =	vadd.s32 v3, v20;
	v43 =	vld.idx.msk [tilespmem:v43+s8+$0x0], $0xffff;
	[tilespmem:s18+$0x190] =	vst v30  }
0x36c: {  	v30 =	vmul.f32 v37, v15;
	v37 =	vand.u32 $0xFFFF0000, v40;
	v40 =	vshll.u32 v40, $0x10;
	v45 =	vld.idx.msk [tilespmem:v45+s8+$0x0], $0xffff  }
0x36d: {  	v40 =	vmul.f32 v40, v11;
	v49 =	vand.u32 $0xFFFF0000, v42;
	v42 =	vshll.u32 v42, $0x10  }
0x36e: {  	v42 =	vmul.f32 v42, v13;
	v50 =	vand.u32 $0xFFFF0000, v38;
	v38 =	vshll.u32 v38, $0x10  }
0x36f: {  	v38 =	vmul.f32 v38, v14;
	v51 =	vand.u32 $0xFFFF0000, v29;
	v29 =	vshll.u32 v29, $0x10  }
0x370: {  	v52 =	vand.u32 $0xFFFF0000, v31;
	v31 =	vshll.u32 v31, $0x10;
	v29 =	vmul.f32 v29, v9  }
0x371: {  	v28 =	vadd.f32 v28, v30;
	v31 =	vmul.f32 v31, v10;
	v30 =	vshll.u32 v43, $0x10  }
0x372: {  	v53 =	vadd.s32 v4, v32;
	v30 =	vmul.f32 v30, v33;
	v54 =	vshll.u32 v45, $0x10  }
0x373: {  	[tilespmem:s18+$0xFFFFFEA0] =	vst v28;
	v28 =	vand.u32 $0xFFFF0000, v43;
	v43 =	vand.u32 $0xFFFF0000, v45;
	v45 =	vmul.f32 v54, v12  }
0x374: {  	v37 =	vadd.f32 v37, v40;
	v40 =	vadd.s32 v3, v16;
	v54 =	vld.idx.msk [tilespmem:v36+s8+$0x0], $0xffff;
	v28 =	vadd.f32 v28, v30  }
0x375: {  	v42 =	vadd.f32 v49, v42;
	v49 =	vadd.s32 v3, v18;
	v38 =	vadd.f32 v50, v38  }
0x376: {  	s22 =	sadd.s32 $0x5, s21;
	v29 =	vadd.f32 v51, v29;
	v51 =	vadd.s32 v3, v17;
	v50 =	vadd.f32 v52, v31;
	[tilespmem:s18+$0x130] =	vst v28  }
0x377: {  	v52 =	vadd.s32 v3, v22;
	v36 =	vmov s22;
	v43 =	vadd.f32 v43, v45;
	[tilespmem:s18+$0xFFFFFF20] =	vst v37;
	v53 =	vld.idx.msk [tilespmem:v53+s8+$0x0], $0xffff  }
0x378: {  	v31 =	vadd.s32 v6, v22;
	v30 =	vadd.s32 v7, v22;
	v28 =	vbroadcast v27, $0x0;
	v27 =	vld.idx.msk [tilespmem:v39+s8+$0x0], $0xffff;
	[tilespmem:s18+$0xFFFFFFA0] =	vst v42  }
0x379: {  	v41 =	vand.u32 $0xFFFFFFF9, v41;
	v45 =	vadd.s32 v5, v22;
	v42 =	vadd.s32 v4, v22;
	v39 =	vld.idx.msk [tilespmem:v40+s8+$0x0], $0xffff;
	[tilespmem:s18+$0x20] =	vst v38  }
0x37a: {  	v22 =	vand.u32 $0xFFFF0000, v54;
	v37 =	vshll.u32 v54, $0x10;
	v38 =	vadd.s32 v4, v21;
	v40 =	vld.idx.msk [tilespmem:v49+s8+$0x0], $0xffff;
	[tilespmem:s18+$0xA0] =	vst v29  }
0x37b: {  	v46 =	vand.u32 $0xFFFFFFFA, v46;
	v29 =	vmul.f32 v37, v15;
	v49 =	vadd.s32 v4, v20;
	[tilespmem:s18+$0xFFFFFE20] =	vst v50;
	v50 =	vld.idx.msk [tilespmem:v51+s8+$0x0], $0xffff  }
0x37c: {  	v37 =	vand.u32 $0xFFFFFFFB, v47;
	v51 =	vadd.s32 v4, v16;
	v47 =	vld.idx.msk [tilespmem:v52+s8+$0x0], $0xffff;
	v52 =	vadd.s32 v4, v18;
	[tilespmem:s18+$0x1A0] =	vst v43  }
0x37d: {  	v22 =	vadd.f32 v22, v29;
	v43 =	vadd.s32 v4, v17;
	v29 =	vshll.u32 v53, $0x10;
	v48 =	vld.idx.msk [tilespmem:v48+s8+$0x0], $0xffff  }
0x37e: {  	v55 =	vadd.s32 v5, v32;
	v54 =	vshll.u32 v27, $0x10;
	v29 =	vmul.f32 v29, v33  }
0x37f: {  	v53 =	vand.u32 $0xFFFF0000, v53;
	v54 =	vmul.f32 v54, v11;
	[tilespmem:s18+$0xFFFFFEB0] =	vst v22;
	v22 =	vshll.u32 v39, $0x10  }
0x380: {  	v29 =	vadd.f32 v53, v29;
	v38 =	vld.idx.msk [tilespmem:v38+s8+$0x0], $0xffff;
	v56 =	vmul.f32 v22, v13;
	v22 =	vshll.u32 v40, $0x10  }
0x381: {  	v27 =	vand.u32 $0xFFFF0000, v27;
	v57 =	vshll.u32 v50, $0x10;
	v53 =	vmul.f32 v22, v14  }
0x382: {  	v39 =	vand.u32 $0xFFFF0000, v39;
	v58 =	vshll.u32 v47, $0x10;
	v57 =	vmul.f32 v57, v9;
	v22 =	vld.idx.msk [tilespmem:v28+s10+$0x0], $0xffff;
	[tilespmem:s18+$0x140] =	vst v29  }
0x383: {  	v40 =	vand.u32 $0xFFFF0000, v40;
	v29 =	vmul.f32 v58, v10;
	v58 =	vshll.u32 v48, $0x10;
	v55 =	vld.idx.msk [tilespmem:v55+s8+$0x0], $0xffff  }
0x384: {  	v50 =	vand.u32 $0xFFFF0000, v50;
	v47 =	vand.u32 $0xFFFF0000, v47;
	v58 =	vmul.f32 v58, v12  }
0x385: {  	v27 =	vadd.f32 v27, v54;
	v39 =	vadd.f32 v39, v56;
	v48 =	vand.u32 $0xFFFF0000, v48  }
0x386: {  	v53 =	vadd.f32 v40, v53;
	v50 =	vadd.f32 v50, v57;
	v54 =	vshll.u32 v38, $0x10  }
0x387: {  	v47 =	vadd.f32 v47, v29;
	v54 =	vmul.f32 v54, v15;
	[tilespmem:s18+$0xFFFFFF30] =	vst v27;
	v27 =	vadd.f32 v48, v58  }
0x388: {  	v38 =	vand.u32 $0xFFFF0000, v38;
	v40 =	vadd.s32 v0, v22;
	v29 =	vadd.s32 v1, v22;
	v48 =	vld.idx.msk [tilespmem:v49+s8+$0x0], $0xffff;
	[tilespmem:s18+$0xFFFFFFB0] =	vst v39  }
0x389: {  	v38 =	vadd.f32 v38, v54;
	v49 =	vadd.s32 v5, v21;
	v39 =	vshll.u32 v55, $0x10;
	v51 =	vld.idx.msk [tilespmem:v51+s8+$0x0], $0xffff;
	[tilespmem:s18+$0x30] =	vst v53  }
0x38a: {  	v54 =	vadd.s32 v6, v32;
	v53 =	vand.u32 $0xFFFFFFFC, v34;
	v52 =	vld.idx.msk [tilespmem:v52+s8+$0x0], $0xffff;
	[tilespmem:s18+$0xB0] =	vst v50;
	v50 =	vmul.f32 v39, v33  }
0x38b: {  	v34 =	vadd.s32 v7, v20;
	v39 =	vadd.s32 v7, v21;
	[tilespmem:s18+$0xFFFFFE30] =	vst v47;
	v43 =	vld.idx.msk [tilespmem:v43+s8+$0x0], $0xffff;
	v47 =	vand.u32 $0xFFFF0000, v55  }
0x38c: {  	v55 =	vbroadcast v41, $0x0;
	v41 =	vld.idx.msk [tilespmem:v42+s8+$0x0], $0xffff;
	v42 =	vadd.s32 v5, v20;
	v47 =	vadd.f32 v47, v50;
	[tilespmem:s18+$0x1B0] =	vst v27  }
0x38d: {  	v46 =	vbroadcast v46, $0x0;
	v50 =	vadd.s32 v5, v18;
	[tilespmem:s18+$0xFFFFFEC0] =	vst v38;
	v38 =	vadd.s32 v5, v16;
	v26 =	vld.idx.msk [tilespmem:v26+s8+$0x0], $0xffff  }
0x38e: {  	v56 =	vand.u32 $0xFFFF0000, v48;
	v27 =	vshll.u32 v48, $0x10;
	v48 =	vadd.s32 v5, v17;
	v49 =	vld.idx.msk [tilespmem:v49+s8+$0x0], $0xffff;
	[tilespmem:s18+$0x150] =	vst v47  }
0x38f: {  	v47 =	vmul.f32 v27, v11;
	v57 =	vand.u32 $0xFFFF0000, v51;
	v27 =	vshll.u32 v51, $0x10;
	v51 =	vld.idx.msk [tilespmem:v54+s8+$0x0], $0xffff  }
0x390: {  	v54 =	vmul.f32 v27, v13;
	v58 =	vand.u32 $0xFFFF0000, v52;
	v27 =	vshll.u32 v52, $0x10  }
0x391: {  	v52 =	vmul.f32 v27, v14;
	v59 =	vand.u32 $0xFFFF0000, v43;
	v27 =	vshll.u32 v43, $0x10  }
0x392: {  	v43 =	vand.u32 $0xFFFF0000, v41;
	v41 =	vshll.u32 v41, $0x10;
	v60 =	vmul.f32 v27, v9  }
0x393: {  	v41 =	vmul.f32 v41, v10;
	v61 =	vand.u32 $0xFFFF0000, v26;
	v26 =	vshll.u32 v26, $0x10  }
0x394: {  	v47 =	vadd.f32 v56, v47;
	v54 =	vadd.f32 v57, v54;
	v56 =	vmul.f32 v26, v12;
	v27 =	vld.idx.msk [tilespmem:v55+s11+$0x0], $0xffff  }
0x395: {  	v52 =	vadd.f32 v58, v52;
	v57 =	vadd.f32 v59, v60;
	v58 =	vshll.u32 v51, $0x10;
	v26 =	vld.idx.msk [tilespmem:v46+s11+$0x0], $0xffff  }
0x396: {  	v32 =	vadd.s32 v7, v32;
	v41 =	vadd.f32 v43, v41;
	v43 =	vmul.f32 v58, v33;
	[tilespmem:s18+$0xFFFFFF40] =	vst v47  }
0x397: {  	v47 =	vshll.u32 v49, $0x10;
	v58 =	vld.idx.msk [tilespmem:v42+s8+$0x0], $0xffff;
	[tilespmem:s18+$0xFFFFFFC0] =	vst v54;
	v42 =	vand.u32 $0xFFFF0000, v51;
	v51 =	vadd.f32 v61, v56  }
0x398: {  	v49 =	vand.u32 $0xFFFF0000, v49;
	v47 =	vmul.f32 v47, v15;
	v54 =	vld.idx.msk [tilespmem:v38+s8+$0x0], $0xffff;
	[tilespmem:s18+$0x40] =	vst v52;
	v38 =	vadd.f32 v42, v43  }
0x399: {  	v21 =	vadd.s32 v6, v21;
	v52 =	vand.u32 $0xFFFFFFFD, v36;
	v42 =	vadd.s32 v7, v16;
	v50 =	vld.idx.msk [tilespmem:v50+s8+$0x0], $0xffff;
	[tilespmem:s18+$0xC0] =	vst v57  }
0x39a: {  	v36 =	vbroadcast v37, $0x0;
	v43 =	vadd.s32 v7, v18;
	v49 =	vadd.f32 v49, v47;
	v48 =	vld.idx.msk [tilespmem:v48+s8+$0x0], $0xffff;
	[tilespmem:s18+$0x160] =	vst v38  }
0x39b: {  	v37 =	vbroadcast v53, $0x0;
	v53 =	vadd.s32 v6, v20;
	[tilespmem:s18+$0xFFFFFE40] =	vst v41;
	v41 =	vadd.s32 v7, v17;
	v56 =	vld.idx.msk [tilespmem:v32+s8+$0x0], $0xffff  }
0x39c: {  	v47 =	vadd.s32 v6, v16;
	v38 =	vbroadcast v52, $0x0;
	v52 =	vld.idx.msk [tilespmem:v45+s8+$0x0], $0xffff;
	v45 =	vadd.s32 v6, v18;
	[tilespmem:s18+$0x1C0] =	vst v51  }
0x39d: {  	v32 =	vadd.s32 v6, v17;
	v18 =	vand.u32 $0xFFFF0000, v58;
	v16 =	vshll.u32 v58, $0x10;
	[tilespmem:s18+$0xFFFFFED0] =	vst v49;
	v49 =	vld.idx.msk [tilespmem:v44+s8+$0x0], $0xffff  }
0x39e: {  	v17 =	vmul.f32 v16, v11;
	v51 =	vand.u32 $0xFFFF0000, v54;
	v16 =	vshll.u32 v54, $0x10;
	v44 =	vld.idx.msk [tilespmem:v21+s8+$0x0], $0xffff  }
0x39f: {  	v54 =	vmul.f32 v16, v13;
	v16 =	vshll.u32 v50, $0x10;
	v21 =	vld.idx.msk [tilespmem:v55+s10+$0x0], $0xffff;
	v55 =	vand.u32 $0xFFFF0000, v50  }
0x3a0: {  	v50 =	vmul.f32 v16, v14;
	v57 =	vand.u32 $0xFFFF0000, v48;
	v20 =	vld.idx.msk [tilespmem:v46+s10+$0x0], $0xffff;
	v46 =	vshll.u32 v48, $0x10  }
0x3a1: {  	v48 =	vadd.f32 v18, v17;
	v17 =	vshll.u32 v56, $0x10;
	v16 =	vld.idx.msk [tilespmem:v36+s10+$0x0], $0xffff;
	v58 =	vmul.f32 v46, v9  }
.Ltmp1:
0x3a2: {  	v59 =	vand.u32 $0xFFFF0000, v52;
	v46 =	vshll.u32 v52, $0x10;
	v33 =	vmul.f32 v17, v33;
	v18 =	vld.idx.msk [tilespmem:v37+s10+$0x0], $0xffff;
	(pc) =	sbr.rel @p0 .LBB2_5-.Ltmp1, $4  }
0x3a3: {  	v60 =	vmul.f32 v46, v10;
	v46 =	vand.u32 $0xFFFF0000, v56;
	v52 =	vshll.u32 v49, $0x10;
	v17 =	vld.idx.msk [tilespmem:v38+s10+$0x0], $0xffff;
	[tilespmem:s18+$0xFFFFFF50] =	vst v48  }
0x3a4: {  	v33 =	vadd.f32 v46, v33;
	v46 =	vand.u32 $0xFFFF0000, v49;
	v52 =	vmul.f32 v52, v12;
	v48 =	vld.idx.msk [tilespmem:v53+s8+$0x0], $0xffff  }
0x3a5: {  	v50 =	vadd.f32 v55, v50;
	v56 =	vshll.u32 v44, $0x10;
	v53 =	vadd.f32 v51, v54;
	v35 =	vld.idx.msk [tilespmem:v35+s8+$0x0], $0xffff  }
0x3a6: {  	s22 =	sadd.s32 $0x6, s21;
	s21 =	sadd.s32 $0x8, s21;
	v49 =	vadd.f32 v59, v60;
	v54 =	vmul.f32 v56, v15;
	v51 =	vadd.f32 v57, v58;
	[tilespmem:s18+$0x170] =	vst v33  }
0x3a7: {  	_ =	sdelay $0x3  }
0x3a8: {  	v33 =	vld.idx.msk [tilespmem:v40+s8+$0x0], $0xffff;
	v61 =	vmov s22;
	[tilespmem:s18+$0xFFFFFFD0] =	vst v53;
	v46 =	vadd.f32 v46, v52;
	v52 =	vadd.s32 v1, v21  }
0x3a9: {  	v44 =	vand.u32 $0xFFFF0000, v44;
	[tilespmem:s18+$0x50] =	vst v50;
	v50 =	vadd.s32 v0, v21;
	v53 =	vadd.s32 v1, v20;
	v47 =	vld.idx.msk [tilespmem:v47+s8+$0x0], $0xffff  }
0x3aa: {  	v55 =	vadd.s32 v1, v18;
	v56 =	vadd.s32 v0, v18;
	v40 =	vand.u32 $0xFFFFFFFE, v61;
	v45 =	vld.idx.msk [tilespmem:v45+s8+$0x0], $0xffff;
	[tilespmem:s18+$0xD0] =	vst v51  }
0x3ab: {  	v44 =	vadd.f32 v44, v54;
	v51 =	vadd.s32 v1, v16;
	[tilespmem:s18+$0xFFFFFE50] =	vst v49;
	v62 =	vshll.u32 v48, $0x10;
	v63 =	vld.idx.msk [tilespmem:v32+s8+$0x0], $0xffff  }
0x3ac: {  	v54 =	vbroadcast v40, $0x0;
	v31 =	vld.idx.msk [tilespmem:v31+s8+$0x0], $0xffff;
	[tilespmem:s18+$0x1D0] =	vst v46;
	v46 =	vadd.s32 v0, v20;
	v60 =	vmul.f32 v62, v11  }
0x3ad: {  	v57 =	vadd.s32 v0, v17;
	v61 =	vand.u32 $0xFFFF0000, v48;
	v40 =	vadd.s32 v1, v17;
	[tilespmem:s18+$0xFFFFFEE0] =	vst v44;
	v25 =	vld.idx.msk [tilespmem:v25+s8+$0x0], $0xffff  }
0x3ae: {  	v44 =	vadd.s32 v0, v16;
	v39 =	vld.idx.msk [tilespmem:v39+s8+$0x0], $0xffff;
	v48 =	vadd.f32 v61, v60;
	v58 =	vand.u32 $0xFFFF0000, v47  }
0x3af: {  	v50 =	vld.idx.msk [tilespmem:v50+s8+$0x0], $0xffff;
	v47 =	vshll.u32 v47, $0x10;
	v59 =	vshll.u32 v45, $0x10;
	v45 =	vand.u32 $0xFFFF0000, v45  }
0x3b0: {  	v56 =	vld.idx.msk [tilespmem:v56+s8+$0x0], $0xffff;
	[tilespmem:s18+$0xFFFFFF60] =	vst v48;
	v47 =	vmul.f32 v47, v13;
	v48 =	vmul.f32 v59, v14;
	v59 =	vand.u32 $0xFFFF0000, v63  }
0x3b1: {  	v49 =	vshll.u32 v63, $0x10;
	v60 =	vshll.u32 v31, $0x10;
	v46 =	vld.idx.msk [tilespmem:v46+s8+$0x0], $0xffff;
	v31 =	vand.u32 $0xFFFF0000, v31  }
0x3b2: {  	v32 =	vld.idx.msk [tilespmem:v54+s10+$0x0], $0xffff;
	v49 =	vmul.f32 v49, v9;
	v60 =	vmul.f32 v60, v10;
	v47 =	vadd.f32 v58, v47  }
0x3b3: {  	v34 =	vld.idx.msk [tilespmem:v34+s8+$0x0], $0xffff;
	v61 =	vand.u32 $0xFFFF0000, v25;
	v25 =	vshll.u32 v25, $0x10;
	v45 =	vadd.f32 v45, v48  }
0x3b4: {  	v44 =	vld.idx.msk [tilespmem:v44+s8+$0x0], $0xffff;
	v25 =	vmul.f32 v25, v12;
	v63 =	vshll.u32 v39, $0x10;
	v62 =	vadd.f32 v31, v60;
	[tilespmem:s18+$0xFFFFFFE0] =	vst v47  }
0x3b5: {  	v48 =	vshll.u32 v35, $0x10;
	v49 =	vadd.f32 v59, v49;
	v15 =	vmul.f32 v63, v15;
	[tilespmem:s18+$0x60] =	vst v45;
	v42 =	vld.idx.msk [tilespmem:v42+s8+$0x0], $0xffff  }
0x3b6: {  	v31 =	vand.u32 $0xFFFF0000, v39;
	v47 =	vadd.f32 v61, v25;
	v45 =	vshll.u32 v33, $0x10;
	v43 =	vld.idx.msk [tilespmem:v43+s8+$0x0], $0xffff  }
0x3b7: {  	v57 =	vld.idx.msk [tilespmem:v57+s8+$0x0], $0xffff;
	[tilespmem:s18+$0xE0] =	vst v49;
	v31 =	vadd.f32 v31, v15;
	v49 =	vand.u32 $0xFFFF0000, v46;
	v58 =	vadd.s32 v0, v32  }
0x3b8: {  	[tilespmem:s18+$0xFFFFFE60] =	vst v62;
	v39 =	vand.u32 $0xFFFF0000, v34;
	v34 =	vshll.u32 v34, $0x10;
	v15 =	vld.idx.msk [tilespmem:v41+s8+$0x0], $0xffff;
	v41 =	vand.u32 $0xFFFF0000, v50  }
0x3b9: {  	v59 =	vld.idx.msk [tilespmem:v30+s8+$0x0], $0xffff;
	v60 =	vand.u32 $0xFFFF0000, v44;
	v50 =	vshll.u32 v50, $0x10;
	v34 =	vmul.f32 v34, v11  }
0x3ba: {  	v44 =	vshll.u32 v44, $0x10;
	[tilespmem:s18+$0x1E0] =	vst v47;
	v47 =	vshll.u32 v56, $0x10;
	v11 =	vld.idx.msk [tilespmem:v38+s11+$0x0], $0xffff;
	v38 =	vadd.s32 v1, v32  }
0x3bb: {  	v30 =	vadd.f32 v39, v34;
	v61 =	vshll.u32 v42, $0x10;
	v62 =	vshll.u32 v43, $0x10  }
0x3bc: {  	v43 =	vand.u32 $0xFFFF0000, v43;
	v39 =	vld.idx.msk [tilespmem:v58+s8+$0x0], $0xffff;
	v58 =	vshll.u32 v46, $0x10;
	v46 =	vmul.f32 v50, v27  }
0x3bd: {  	v34 =	vld.idx.msk [tilespmem:v23+s8+$0x0], $0xffff;
	v50 =	vshll.u32 v57, $0x10;
	v23 =	vmul.f32 v62, v14;
	v57 =	vand.u32 $0xFFFF0000, v57  }
0x3be: {  	v25 =	vld.idx.msk [tilespmem:v54+s11+$0x0], $0xffff;
	v54 =	vmul.f32 v58, v26;
	v58 =	vand.u32 $0xFFFF0000, v42;
	v42 =	vmul.f32 v61, v13  }
0x3bf: {  	v13 =	vld.idx.msk [tilespmem:v36+s11+$0x0], $0xffff;
	v36 =	vand.u32 $0xFFFF0000, v15;
	v15 =	vshll.u32 v15, $0x10;
	v61 =	vand.u32 $0xFFFF0000, v59  }
0x3c0: {  	v14 =	vld.idx.msk [tilespmem:v37+s11+$0x0], $0xffff;
	v59 =	vshll.u32 v59, $0x10;
	v50 =	vmul.f32 v50, v11;
	v62 =	vmul.f32 v15, v9  }
0x3c1: {  	v15 =	vld.idx.msk [tilespmem:v28+s11+$0x0], $0xffff;
	v10 =	vmul.f32 v59, v10;
	v23 =	vadd.f32 v43, v23;
	v63 =	vadd.f32 v41, v46  }
0x3c2: {  	s21 =	sadd.s32 $0x400, s18;
	v9 =	vld.idx.msk [tilespmem:v19+s11+$0x0], $0xffff;
	v41 =	vadd.s32 v2, v21;
	v28 =	vadd.f32 v58, v42;
	v58 =	vadd.f32 v49, v54  }
0x3c3: {  	v49 =	vshll.u32 v34, $0x10;
	v42 =	vadd.f32 v57, v50;
	[tilespmem:s21+$0xFFFFFE80] =	vst v63;
	v37 =	vshll.u32 v39, $0x10  }
0x3c4: {  	v19 =	vadd.f32 v36, v62;
	v10 =	vadd.f32 v61, v10;
	[tilespmem:s21+$0xFFFFFF00] =	vst v58;
	v37 =	vmul.f32 v37, v25  }
0x3c5: {  	v63 =	vand.u32 $0xFFFF0000, v56;
	v39 =	vand.u32 $0xFFFF0000, v39;
	v59 =	vmul.f32 v47, v14;
	[tilespmem:s21+$0x80] =	vst v42  }
0x3c6: {  	v42 =	vadd.s32 v2, v16;
	v46 =	vmul.f32 v44, v13;
	v44 =	vld.idx.msk [tilespmem:v52+s8+$0x0], $0xffff;
	v37 =	vadd.f32 v39, v37  }
0x3c7: {  	v54 =	vadd.f32 v63, v59;
	v56 =	vmul.f32 v45, v15;
	v45 =	vld.idx.msk [tilespmem:v53+s8+$0x0], $0xffff;
	v58 =	vmul.f32 v48, v9  }
0x3c8: {  	v59 =	vand.u32 $0xFFFF0000, v33;
	v33 =	vmul.f32 v49, v12;
	v12 =	vadd.s32 v7, v8;
	v63 =	vld.idx.msk [tilespmem:v40+s8+$0x0], $0xffff;
	[tilespmem:s21+$0x100] =	vst v37  }
0x3c9: {  	v40 =	vadd.s32 v2, v20;
	v62 =	vadd.f32 v60, v46;
	v60 =	vand.u32 $0xFFFF0000, v35;
	v38 =	vld.idx.msk [tilespmem:v38+s8+$0x0], $0xffff  }
0x3ca: {  	v35 =	vadd.s32 v6, v8;
	[tilespmem:s21+$0x0] =	vst v54;
	v61 =	vadd.f32 v59, v56;
	v37 =	vadd.f32 v60, v58  }
0x3cb: {  	v54 =	vadd.s32 v2, v32;
	[tilespmem:s21+$0xFFFFFF80] =	vst v62;
	v62 =	vld.idx.msk [tilespmem:v55+s8+$0x0], $0xffff;
	v53 =	vshll.u32 v44, $0x10;
	v44 =	vand.u32 $0xFFFF0000, v44  }
0x3cc: {  	v43 =	vld.idx.msk [tilespmem:v51+s8+$0x0], $0xffff;
	v51 =	vadd.s32 v2, v22;
	[tilespmem:s21+$0x180] =	vst v37;
	v37 =	vmul.f32 v53, v27;
	v55 =	vshll.u32 v45, $0x10  }
0x3cd: {  	v45 =	vand.u32 $0xFFFF0000, v45;
	v59 =	vshll.u32 v63, $0x10;
	v36 =	vand.u32 $0xFFFF0000, v63  }
0x3ce: {  	[tilespmem:s21+$0xFFFFFE00] =	vst v61;
	v63 =	vadd.s32 v2, v18;
	v48 =	vmul.f32 v55, v26;
	v52 =	vshll.u32 v38, $0x10  }
0x3cf: {  	v29 =	vld.idx.msk [tilespmem:v29+s8+$0x0], $0xffff;
	v50 =	vmul.f32 v59, v11;
	v37 =	vadd.f32 v44, v37;
	v46 =	vmul.f32 v52, v25  }
0x3d0: {  	v24 =	vld.idx.msk [tilespmem:v24+s8+$0x0], $0xffff;
	v58 =	vshll.u32 v62, $0x10;
	v45 =	vadd.f32 v45, v48;
	v38 =	vand.u32 $0xFFFF0000, v38  }
0x3d1: {  	v39 =	vand.u32 $0xFFFF0000, v62;
	v36 =	vadd.f32 v36, v50;
	[tilespmem:s21+$0xFFFFFE90] =	vst v37;
	v38 =	vadd.f32 v38, v46  }
0x3d2: {  	v48 =	vadd.s32 v4, v16;
	v56 =	vshll.u32 v43, $0x10;
	v49 =	vmul.f32 v58, v14;
	[tilespmem:s21+$0xFFFFFF10] =	vst v45  }
0x3d3: {  	v43 =	vand.u32 $0xFFFF0000, v43;
	v37 =	vadd.s32 v3, v8;
	v57 =	vmul.f32 v56, v13;
	v41 =	vld.idx.msk [tilespmem:v41+s8+$0x0], $0xffff;
	[tilespmem:s21+$0x110] =	vst v38  }
0x3d4: {  	v60 =	vshll.u32 v29, $0x10;
	v29 =	vand.u32 $0xFFFF0000, v29;
	[tilespmem:s21+$0x90] =	vst v36;
	v36 =	vadd.s32 v4, v8;
	v47 =	vld.idx.msk [tilespmem:v54+s8+$0x0], $0xffff  }
0x3d5: {  	v61 =	vshll.u32 v24, $0x10;
	v39 =	vadd.f32 v39, v49;
	v49 =	vadd.s32 v2, v17;
	v40 =	vld.idx.msk [tilespmem:v40+s8+$0x0], $0xffff  }
0x3d6: {  	v62 =	vmul.f32 v61, v9;
	v43 =	vadd.f32 v43, v57;
	v57 =	vadd.s32 v2, v8  }
0x3d7: {  	v24 =	vand.u32 $0xFFFF0000, v24;
	v46 =	vadd.s32 v3, v21;
	[tilespmem:s21+$0x10] =	vst v39;
	v38 =	vmul.f32 v60, v15  }
0x3d8: {  	[tilespmem:s21+$0xFFFFFF90] =	vst v43;
	v55 =	vadd.f32 v24, v62;
	v58 =	vld.idx.msk [tilespmem:v63+s8+$0x0], $0xffff;
	v54 =	vadd.s32 v3, v32;
	v60 =	vand.u32 $0xFFFF0000, v41  }
0x3d9: {  	v42 =	vld.idx.msk [tilespmem:v42+s8+$0x0], $0xffff;
	v41 =	vshll.u32 v41, $0x10;
	v29 =	vadd.f32 v29, v38;
	v52 =	vshll.u32 v47, $0x10  }
0x3da: {  	v59 =	vld.idx.msk [tilespmem:v49+s8+$0x0], $0xffff;
	v61 =	vshll.u32 v40, $0x10;
	[tilespmem:s21+$0x190] =	vst v55;
	v62 =	vmul.f32 v41, v27;
	v53 =	vmul.f32 v52, v25  }
0x3db: {  	v24 =	vadd.s32 v5, v8;
	v41 =	vmul.f32 v61, v26;
	v39 =	vld.idx.msk [tilespmem:v57+s8+$0x0], $0xffff;
	v56 =	vand.u32 $0xFFFF0000, v47  }
0x3dc: {  	v40 =	vand.u32 $0xFFFF0000, v40;
	[tilespmem:s21+$0xFFFFFE10] =	vst v29;
	v38 =	vadd.f32 v60, v62;
	v43 =	vadd.f32 v56, v53  }
0x3dd: {  	v62 =	vadd.s32 v3, v16;
	v8 =	vld.idx.msk [tilespmem:v51+s8+$0x0], $0xffff;
	v44 =	vand.u32 $0xFFFF0000, v58;
	v40 =	vadd.f32 v40, v41  }
0x3de: {  	v41 =	vadd.s32 v4, v22;
	v63 =	vand.u32 $0xFFFF0000, v42;
	v42 =	vshll.u32 v42, $0x10;
	[tilespmem:s21+$0x120] =	vst v43  }
0x3df: {  	v47 =	vadd.s32 v3, v20;
	v42 =	vmul.f32 v42, v13;
	v50 =	vand.u32 $0xFFFF0000, v59;
	v45 =	vld.idx.msk [tilespmem:v54+s8+$0x0], $0xffff  }
0x3e0: {  	v29 =	vshll.u32 v59, $0x10;
	v52 =	vadd.s32 v4, v32;
	v59 =	vshll.u32 v39, $0x10  }
0x3e1: {  	v29 =	vmul.f32 v29, v11;
	v56 =	vshll.u32 v58, $0x10;
	v61 =	vmul.f32 v59, v9  }
0x3e2: {  	v49 =	vmul.f32 v56, v14;
	v57 =	vand.u32 $0xFFFF0000, v8;
	v8 =	vshll.u32 v8, $0x10  }
0x3e3: {  	[tilespmem:s21+$0xFFFFFEA0] =	vst v38;
	v63 =	vadd.f32 v63, v42;
	v8 =	vmul.f32 v8, v15;
	v54 =	vadd.s32 v3, v18  }
0x3e4: {  	v46 =	vld.idx.msk [tilespmem:v46+s8+$0x0], $0xffff;
	[tilespmem:s21+$0xFFFFFF20] =	vst v40;
	v59 =	vadd.s32 v3, v22;
	v55 =	vadd.f32 v44, v49;
	v58 =	vshll.u32 v45, $0x10  }
0x3e5: {  	v47 =	vld.idx.msk [tilespmem:v47+s8+$0x0], $0xffff;
	[tilespmem:s21+$0xFFFFFFA0] =	vst v63;
	v56 =	vadd.f32 v57, v8;
	v8 =	vand.u32 $0xFFFF0000, v39;
	v43 =	vmul.f32 v58, v25  }
0x3e6: {  	v49 =	vld.idx.msk [tilespmem:v62+s8+$0x0], $0xffff;
	v57 =	vadd.s32 v3, v17;
	v60 =	vand.u32 $0xFFFF0000, v45;
	v45 =	vadd.f32 v8, v61  }
0x3e7: {  	[tilespmem:s21+$0x20] =	vst v55;
	v8 =	vadd.s32 v7, v22;
	v58 =	vadd.f32 v50, v29;
	v38 =	vadd.f32 v60, v43  }
0x3e8: {  	v29 =	vadd.s32 v6, v22;
	v50 =	vadd.s32 v5, v22;
	v22 =	vld.idx.msk [tilespmem:v54+s8+$0x0], $0xffff;
	[tilespmem:s21+$0x1A0] =	vst v45  }
0x3e9: {  	v51 =	vadd.s32 v4, v18;
	v42 =	vadd.s32 v4, v17;
	v60 =	vshll.u32 v46, $0x10;
	v37 =	vld.idx.msk [tilespmem:v37+s8+$0x0], $0xffff;
	[tilespmem:s21+$0x130] =	vst v38  }
0x3ea: {  	v34 =	vand.u32 $0xFFFF0000, v34;
	v63 =	vadd.s32 v4, v21;
	[tilespmem:s21+$0xFFFFFE20] =	vst v56;
	v61 =	vmul.f32 v60, v27;
	v40 =	vld.idx.msk [tilespmem:v52+s8+$0x0], $0xffff  }
0x3eb: {  	v53 =	vadd.s32 v5, v32;
	v62 =	vand.u32 $0xFFFF0000, v46;
	v44 =	vadd.s32 v4, v20;
	v39 =	vld.idx.msk [tilespmem:v59+s8+$0x0], $0xffff;
	[tilespmem:s21+$0xA0] =	vst v58  }
0x3ec: {  	v59 =	vshll.u32 v49, $0x10;
	v58 =	vshll.u32 v47, $0x10;
	v46 =	vld.idx.msk [tilespmem:v57+s8+$0x0], $0xffff;
	v38 =	vadd.f32 v62, v61  }
0x3ed: {  	v49 =	vand.u32 $0xFFFF0000, v49;
	v60 =	vmul.f32 v58, v26;
	v52 =	vmul.f32 v59, v13  }
0x3ee: {  	v61 =	vshll.u32 v22, $0x10;
	v62 =	vand.u32 $0xFFFF0000, v47;
	v22 =	vand.u32 $0xFFFF0000, v22;
	[tilespmem:s21+$0xFFFFFEB0] =	vst v38  }
0x3ef: {  	v47 =	vmul.f32 v61, v14;
	v59 =	vshll.u32 v37, $0x10;
	v43 =	vld.idx.msk [tilespmem:v63+s8+$0x0], $0xffff;
	v57 =	vshll.u32 v40, $0x10  }
0x3f0: {  	v38 =	vadd.f32 v62, v60;
	v61 =	vadd.f32 v49, v52;
	v45 =	vmul.f32 v57, v25  }
0x3f1: {  	v37 =	vand.u32 $0xFFFF0000, v37;
	v63 =	vshll.u32 v46, $0x10;
	v40 =	vand.u32 $0xFFFF0000, v40  }
0x3f2: {  	v60 =	vand.u32 $0xFFFF0000, v46;
	v62 =	vmul.f32 v59, v9;
	[tilespmem:s21+$0xFFFFFF30] =	vst v38;
	v40 =	vadd.f32 v40, v45  }
0x3f3: {  	v22 =	vadd.f32 v22, v47;
	v54 =	vmul.f32 v63, v11;
	[tilespmem:s21+$0xFFFFFFB0] =	vst v61;
	v44 =	vld.idx.msk [tilespmem:v44+s8+$0x0], $0xffff;
	v57 =	vshll.u32 v39, $0x10  }
0x3f4: {  	v58 =	vmul.f32 v57, v15;
	v63 =	vshll.u32 v43, $0x10;
	v57 =	vand.u32 $0xFFFF0000, v43;
	v43 =	vld.idx.msk [tilespmem:v48+s8+$0x0], $0xffff;
	[tilespmem:s21+$0x140] =	vst v40  }
0x3f5: {  	v49 =	vadd.s32 v5, v20;
	v52 =	vadd.s32 v5, v17;
	v55 =	vadd.f32 v60, v54;
	v53 =	vld.idx.msk [tilespmem:v53+s8+$0x0], $0xffff  }
0x3f6: {  	v37 =	vadd.f32 v37, v62;
	[tilespmem:s21+$0x30] =	vst v22;
	v45 =	vadd.s32 v5, v21;
	v56 =	vmul.f32 v63, v27  }
0x3f7: {  	v22 =	vadd.s32 v7, v20;
	v39 =	vand.u32 $0xFFFF0000, v39;
	v60 =	vadd.s32 v6, v32;
	[tilespmem:s21+$0xB0] =	vst v55  }
0x3f8: {  	v32 =	vadd.s32 v7, v32;
	v39 =	vadd.f32 v39, v58;
	v61 =	vld.idx.msk [tilespmem:v42+s8+$0x0], $0xffff;
	v40 =	vadd.f32 v57, v56  }
0x3f9: {  	v46 =	vld.idx.msk [tilespmem:v51+s8+$0x0], $0xffff;
	[tilespmem:s21+$0x1B0] =	vst v37;
	v63 =	vand.u32 $0xFFFF0000, v44;
	v44 =	vshll.u32 v44, $0x10;
	v57 =	vshll.u32 v43, $0x10  }
0x3fa: {  	v36 =	vld.idx.msk [tilespmem:v36+s8+$0x0], $0xffff;
	v56 =	vmul.f32 v44, v26;
	[tilespmem:s21+$0xFFFFFEC0] =	vst v40;
	v44 =	vmul.f32 v57, v13;
	v58 =	vshll.u32 v53, $0x10  }
0x3fb: {  	v37 =	vadd.s32 v5, v16;
	[tilespmem:s21+$0xFFFFFE30] =	vst v39;
	v45 =	vld.idx.msk [tilespmem:v45+s8+$0x0], $0xffff;
	v59 =	vmul.f32 v58, v25;
	v58 =	vand.u32 $0xFFFF0000, v43  }
0x3fc: {  	v48 =	vadd.s32 v5, v18;
	v41 =	vld.idx.msk [tilespmem:v41+s8+$0x0], $0xffff;
	v62 =	vand.u32 $0xFFFF0000, v53;
	v40 =	vadd.f32 v58, v44  }
0x3fd: {  	v42 =	vadd.s32 v7, v21;
	v39 =	vshll.u32 v61, $0x10;
	v38 =	vadd.f32 v62, v59  }
0x3fe: {  	v39 =	vmul.f32 v39, v11;
	v59 =	vshll.u32 v46, $0x10;
	v46 =	vand.u32 $0xFFFF0000, v46;
	[tilespmem:s21+$0xFFFFFFC0] =	vst v40  }
0x3ff: {  	v62 =	vshll.u32 v36, $0x10;
	v36 =	vand.u32 $0xFFFF0000, v36;
	[tilespmem:s21+$0x150] =	vst v38;
	v38 =	vadd.f32 v63, v56  }
0x400: {  	v58 =	vand.u32 $0xFFFF0000, v45;
	v47 =	vmul.f32 v59, v14;
	v54 =	vmul.f32 v62, v9;
	v37 =	vld.idx.msk [tilespmem:v37+s8+$0x0], $0xffff  }
0x401: {  	v43 =	vld.idx.msk [tilespmem:v60+s8+$0x0], $0xffff;
	v60 =	vand.u32 $0xFFFF0000, v61;
	v61 =	vand.u32 $0xFFFF0000, v41;
	v41 =	vshll.u32 v41, $0x10;
	[tilespmem:s21+$0xFFFFFF40] =	vst v38  }
0x402: {  	v56 =	vshll.u32 v45, $0x10;
	v46 =	vadd.f32 v46, v47;
	v63 =	vmul.f32 v41, v15;
	v44 =	vld.idx.msk [tilespmem:v49+s8+$0x0], $0xffff  }
0x403: {  	v59 =	vadd.s32 v6, v21;
	v57 =	vmul.f32 v56, v27;
	v39 =	vadd.f32 v60, v39  }
0x404: {  	v36 =	vadd.f32 v36, v54;
	v54 =	vadd.s32 v6, v18;
	[tilespmem:s21+$0x40] =	vst v46;
	v38 =	vadd.f32 v61, v63  }
0x405: {  	v46 =	vadd.f32 v34, v33;
	v60 =	vld.idx.msk [tilespmem:v48+s8+$0x0], $0xffff;
	[tilespmem:s21+$0xC0] =	vst v39;
	v61 =	vadd.f32 v58, v57  }
0x406: {  	v62 =	vld.idx.msk [tilespmem:v52+s8+$0x0], $0xffff;
	v52 =	vadd.s32 v6, v16;
	v56 =	vand.u32 $0xFFFF0000, v37;
	v37 =	vshll.u32 v37, $0x10;
	[tilespmem:s21+$0xFFFFFE40] =	vst v38  }
0x407: {  	[tilespmem:s21+$0x1C0] =	vst v36;
	v55 =	vshll.u32 v43, $0x10;
	v37 =	vmul.f32 v37, v13;
	v41 =	vld.idx.msk [tilespmem:v50+s8+$0x0], $0xffff;
	v51 =	vshll.u32 v44, $0x10  }
0x408: {  	v63 =	vadd.s32 v6, v20;
	v24 =	vld.idx.msk [tilespmem:v24+s8+$0x0], $0xffff;
	v47 =	vmul.f32 v55, v25;
	v53 =	vmul.f32 v51, v26  }
0x409: {  	[tilespmem:s21+$0xFFFFFED0] =	vst v61;
	v55 =	vadd.s32 v6, v17;
	v44 =	vand.u32 $0xFFFF0000, v44;
	v37 =	vadd.f32 v56, v37  }
0x40a: {  	v21 =	vld.idx.msk [tilespmem:v59+s8+$0x0], $0xffff;
	v56 =	vadd.s32 v7, v17;
	v58 =	vshll.u32 v60, $0x10;
	v36 =	vadd.f32 v44, v53  }
0x40b: {  	v57 =	vand.u32 $0xFFFF0000, v60;
	v40 =	vshll.u32 v62, $0x10;
	[tilespmem:s21+$0xFFFFFFD0] =	vst v37;
	v44 =	vmul.f32 v58, v14  }
0x40c: {  	v59 =	vand.u32 $0xFFFF0000, v62;
	v60 =	vmul.f32 v40, v11;
	v49 =	vld.idx.msk [tilespmem:v52+s8+$0x0], $0xffff;
	v61 =	vshll.u32 v41, $0x10;
	[tilespmem:s21+$0xFFFFFF50] =	vst v36  }
0x40d: {  	v62 =	vmul.f32 v61, v15;
	v39 =	vadd.f32 v57, v44;
	v20 =	vld.idx.msk [tilespmem:v63+s8+$0x0], $0xffff;
	v63 =	vshll.u32 v24, $0x10  }
0x40e: {  	[tilespmem:s18+$0xFFFFFEF0] =	vst v31;
	v41 =	vand.u32 $0xFFFF0000, v41;
	v36 =	vadd.f32 v59, v60;
	v40 =	vmul.f32 v63, v9  }
0x40f: {  	v50 =	vshll.u32 v21, $0x10;
	v24 =	vand.u32 $0xFFFF0000, v24;
	v31 =	vadd.f32 v41, v62;
	[tilespmem:s21+$0x50] =	vst v39  }
0x410: {  	v52 =	vmul.f32 v50, v27;
	[tilespmem:s21+$0xD0] =	vst v36;
	v38 =	vld.idx.msk [tilespmem:v54+s8+$0x0], $0xffff;
	v24 =	vadd.f32 v24, v40  }
0x411: {  	v51 =	vadd.s32 v7, v16;
	v21 =	vand.u32 $0xFFFF0000, v21;
	v54 =	vld.idx.msk [tilespmem:v55+s8+$0x0], $0xffff;
	v58 =	vshll.u32 v49, $0x10;
	[tilespmem:s21+$0xFFFFFE50] =	vst v31  }
0x412: {  	v45 =	vand.u32 $0xFFFF0000, v43;
	v21 =	vadd.f32 v21, v52;
	v59 =	vmul.f32 v58, v13;
	v29 =	vld.idx.msk [tilespmem:v29+s8+$0x0], $0xffff;
	[tilespmem:s21+$0x1D0] =	vst v24  }
0x413: {  	[tilespmem:s18+$0xFFFFFF70] =	vst v30;
	v37 =	vadd.f32 v45, v47;
	v57 =	vand.u32 $0xFFFF0000, v49;
	v53 =	vshll.u32 v20, $0x10;
	v24 =	vld.idx.msk [tilespmem:v35+s8+$0x0], $0xffff  }
0x414: {  	v55 =	vadd.s32 v7, v18;
	[tilespmem:s21+$0xFFFFFEE0] =	vst v21;
	v21 =	vadd.f32 v57, v59;
	v31 =	vmul.f32 v53, v26  }
0x415: {  	[tilespmem:s21+$0x160] =	vst v37;
	v62 =	vld.idx.msk [tilespmem:v42+s8+$0x0], $0xffff;
	v20 =	vand.u32 $0xFFFF0000, v20;
	v60 =	vand.u32 $0xFFFF0000, v38;
	v61 =	vshll.u32 v38, $0x10  }
0x416: {  	v32 =	vld.idx.msk [tilespmem:v32+s8+$0x0], $0xffff;
	v41 =	vshll.u32 v54, $0x10;
	[tilespmem:s21+$0xFFFFFFE0] =	vst v21;
	v20 =	vadd.f32 v20, v31;
	v63 =	vmul.f32 v61, v14  }
0x417: {  	[tilespmem:s18+$0x70] =	vst v23;
	v40 =	vand.u32 $0xFFFF0000, v54;
	v37 =	vmul.f32 v41, v11;
	v16 =	vld.idx.msk [tilespmem:v51+s8+$0x0], $0xffff;
	v42 =	vshll.u32 v29, $0x10  }
0x418: {  	[tilespmem:s21+$0xFFFFFF60] =	vst v20;
	v43 =	vmul.f32 v42, v15;
	v20 =	vadd.f32 v60, v63;
	v44 =	vshll.u32 v24, $0x10  }
0x419: {  	[tilespmem:s18+$0xFFFFFFF0] =	vst v28;
	v29 =	vand.u32 $0xFFFF0000, v29;
	v45 =	vadd.f32 v40, v37;
	v28 =	vmul.f32 v44, v9  }
0x41a: {  	v48 =	vshll.u32 v62, $0x10;
	v22 =	vld.idx.msk [tilespmem:v22+s8+$0x0], $0xffff;
	v24 =	vand.u32 $0xFFFF0000, v24;
	v23 =	vadd.f32 v29, v43;
	[tilespmem:s21+$0x60] =	vst v20  }
0x41b: {  	v47 =	vshll.u32 v32, $0x10;
	v49 =	vmul.f32 v48, v27;
	[tilespmem:s21+$0xE0] =	vst v45;
	v18 =	vld.idx.msk [tilespmem:v55+s8+$0x0], $0xffff;
	v24 =	vadd.f32 v24, v28  }
0x41c: {  	v20 =	vmul.f32 v47, v25;
	v17 =	vld.idx.msk [tilespmem:v56+s8+$0x0], $0xffff;
	v58 =	vand.u32 $0xFFFF0000, v16;
	v16 =	vshll.u32 v16, $0x10;
	[tilespmem:s21+$0xFFFFFE60] =	vst v23  }
0x41d: {  	v51 =	vand.u32 $0xFFFF0000, v32;
	v52 =	vand.u32 $0xFFFF0000, v62;
	v13 =	vmul.f32 v16, v13;
	v8 =	vld.idx.msk [tilespmem:v8+s8+$0x0], $0xffff;
	[tilespmem:s21+$0x1E0] =	vst v24  }
0x41e: {  	[tilespmem:s20+$0xF0] =	vst v19;
	v56 =	vadd.f32 v52, v49;
	v54 =	vadd.f32 v51, v20;
	v12 =	vld.idx.msk [tilespmem:v12+s8+$0x0], $0xffff  }
0x41f: {  	[tilespmem:s20+$0xFFFFFE70] =	vst v10;
	v50 =	vshll.u32 v22, $0x10;
	v55 =	vand.u32 $0xFFFF0000, v22;
	v13 =	vadd.f32 v58, v13  }
0x420: {  	[tilespmem:s20+$0x1F0] =	vst v46;
	v53 =	vmul.f32 v50, v26;
	v59 =	vand.u32 $0xFFFF0000, v18;
	v18 =	vshll.u32 v18, $0x10  }
0x421: {  	[tilespmem:s21+$0xFFFFFEF0] =	vst v56;
	v60 =	vand.u32 $0xFFFF0000, v17;
	v17 =	vshll.u32 v17, $0x10;
	v14 =	vmul.f32 v18, v14  }
0x422: {  	[tilespmem:s21+$0x170] =	vst v54;
	v57 =	vadd.f32 v55, v53;
	v11 =	vmul.f32 v17, v11;
	v61 =	vshll.u32 v8, $0x10  }
0x423: {  	s17 =	sadd.s32 $0x1, s17;
	[tilespmem:s21+$0xFFFFFFF0] =	vst v13;
	v62 =	vmul.f32 v61, v15;
	v14 =	vadd.f32 v59, v14;
	v63 =	vshll.u32 v12, $0x10  }
0x424: {  	p0 =	sne.s32 s17, $0x32;
	v8 =	vand.u32 $0xFFFF0000, v8;
	[tilespmem:s21+$0xFFFFFF70] =	vst v57;
	v11 =	vadd.f32 v60, v11;
	v9 =	vmul.f32 v63, v9  }
.Ltmp2:
0x425: {  	s31 =	sadd.s32 s3, s19;
	v12 =	vand.u32 $0xFFFF0000, v12;
	[tilespmem:s21+$0x70] =	vst v14;
	v8 =	vadd.f32 v8, v62;
	(pc) =	sbr.rel @p0 .LBB2_2-.Ltmp2, $4  }
0x426: {  	s18 =	sshll.u32 s31, $0x4;
	[tilespmem:s21+$0xF0] =	vst v11;
	v9 =	vadd.f32 v12, v9  }
0x427: {  	s18 =	sand.u32 $0x1FFFF000, s18;
	[tilespmem:s21+$0xFFFFFE70] =	vst v8  }
0x428: {  	s18 =	sadd.s32 s2, s18;
	[tilespmem:s21+$0x1F0] =	vst v9  }
0x429: {  	[hbm4b:s18+s4] =	stream.linear.scatter [tilespmem:s13], [sflag:$0x2], $0x8000, $0x38;
	[tilespmem:$0x17F80] =	vst v63  }
0x42a: {  	s16 =	sadd.s32 $0x1, s16  }
0x42b: {  	_ =	swait.ge [sflag:s14], $0x8000;
	p0 =	sne.s32 s16, s7  }
.Ltmp3:
0x42c: {  	[sflag:s14] =	ssyncset.done $0x0;
	(pc) =	sbr.rel @p0 .LBB2_1-.Ltmp3, $4  }
0x42d: {  	[sflag:s14] =	ssyncadd.s32 $0xFFFF8000  }
0x42e: {  	_ =	swait.ge [sflag:s15], $0x8000  }
0x42f: {  	[sflag:s15] =	ssyncset.done $0x0  }
0x430: {  	[sflag:s15] =	ssyncadd.s32 $0xFFFF8000  }
0x431: {  	_ =	sfence.sel $0x180000  }
0x432: {  	[bflag:$0x0] =	sbarrier.arrive $0xFFFF  }
0x433: {  	p0 =	sne.s32 s0, $0x0;
	_ =	strace $0x90000047  }
0x434: {  	s0 =	sadd.s32 @!p0 $0x100000, s1;
	[bflag:$0x2] =	sbarrier.arrive $0xFFFF  }
0x435: {  	[sflag:s0] =	ssyncadd.tile.s32 @!p0 $0x1;
	_ =	shalt  }
.Lfunc_end2:
_tile_overlayer_lowered:
.L_overlay_start_2:
0x436: {  	(tag) =	ssettag $0x2  }
0x437: {  	s0 =	rddreg [dreg:$0x0];
	s2 =	stileid.u32  }
0x438: {  	s1 =	rddreg [dreg:$0x1];
	p0 =	sne.s32 s2, $0x0  }
0x439: {  	s3 =	rddreg [dreg:$0x2];
	[bflag:$0x3] =	sbarrier.arrive $0xFFFF;
	s2 =	simm.s32 @!p0 $0x1C03  }
0x43a: {  	[timem:s3], [sflag:s2] =	dma.local @!p0 [hbm:s0], s1  }
0x43b: {  	s0 =	simm.s32 @!p0 $0x3  }
0x43c: {  	_ =	swait.ge @!p0 [sflag:s0], s1  }
0x43d: {  	s1 =	ssub.s32 @!p0 $0x0, s1;
	[sflag:s0] =	ssyncset.done @!p0 $0x0  }
0x43e: {  	[sflag:s0] =	ssyncadd.s32 @!p0 s1  }
0x43f: {  	[bflag:$0x3] =	sbarrier.arrive $0xFFFF  }
0x440: {  	_ =	shalt  }

</sc_bundles>
